<compile_context>
chip_gen: v7x
topology: tpu7x:2x2x1
jax: 0.10.2.dev20260603
libtpu: 0.0.44.dev20260713+nightly
codegen_flags: <defaults>
</compile_context>

<pallas_src>
import dataclasses
import functools

import jax
import jax.numpy as jnp
from jax import lax
from jax.experimental import pallas as pl
from jax.experimental.pallas import tpu as pltpu
from jax.experimental.pallas import tpu_sc as plsc

_EPS = 1e-5

_HT = 112
_NC = 2
_NS = 16
_NW = _NC * _NS


def _tc_partials_kernel(p0_ref, p1_ref, y_ref, out_ref, apy_ref, am1_ref,
                        ap_ref):
    b = pl.program_id(0)
    h = pl.program_id(1)
    nb = pl.num_programs(0)
    nh = pl.num_programs(1)

    @pl.when(jnp.logical_and(b == 0, h == 0))
    def _init():
        apy_ref[...] = jnp.zeros_like(apy_ref)
        am1_ref[...] = jnp.zeros_like(am1_ref)
        ap_ref[...] = jnp.zeros_like(ap_ref)

    _, HB, W, D = y_ref.shape
    diff = p1_ref[0, 0] - p0_ref[0, 0]
    t = jnp.tanh(0.5 * diff)
    yv = y_ref[0]
    m1 = (yv == 1).astype(jnp.float32)
    tm = t * m1

    s_py = jnp.sum(tm, axis=0)
    s_m1 = jnp.sum(m1, axis=0)
    s_p = jnp.sum(t, axis=0)

    hh = (h >= (64 // HB)).astype(jnp.int32)
    plane = 2 * b + hh
    apy_ref[plane] += s_py
    am1_ref[plane] += s_m1
    ap_ref[b] += s_p

    @pl.when(jnp.logical_and(b == nb - 1, h == nh - 1))
    def _final():
        hw = W // 2
        hd = D // 2
        for bb in range(2):
            for hh_i in range(2):
                py_pl = apy_ref[2 * bb + hh_i]
                m1_pl = am1_ref[2 * bb + hh_i]
                for wq in range(2):
                    for dq in range(2):
                        sl = (slice(wq * hw, (wq + 1) * hw),
                              slice(dq * hd, (dq + 1) * hd))
                        c = hh_i * 4 + wq * 2 + dq
                        out_ref[bb, c] = jnp.sum(m1_pl[sl])
                        out_ref[bb, 8 + c] = jnp.sum(py_pl[sl])
            out_ref[bb, 16] = jnp.sum(ap_ref[bb])
            out_ref[bb, 17] = 0.0


def _tc_partials(y_pred, yv, HB=16):
    B, C, H, W, D = y_pred.shape
    grid = (B, _HT // HB)
    return pl.pallas_call(
        _tc_partials_kernel,
        grid=grid,
        in_specs=[
            pl.BlockSpec((1, 1, HB, W, D), lambda b, h: (b, 0, h, 0, 0)),
            pl.BlockSpec((1, 1, HB, W, D), lambda b, h: (b, 1, h, 0, 0)),
            pl.BlockSpec((1, HB, W, D), lambda b, h: (b, h, 0, 0)),
        ],
        out_specs=pl.BlockSpec(memory_space=pltpu.SMEM),
        out_shape=jax.ShapeDtypeStruct((B, 18), jnp.float32),
        scratch_shapes=[
            pltpu.VMEM((2 * B, W, D), jnp.float32),
            pltpu.VMEM((2 * B, W, D), jnp.float32),
            pltpu.VMEM((B, W, D), jnp.float32),
        ],
        compiler_params=pltpu.CompilerParams(
            dimension_semantics=("arbitrary", "arbitrary"),
        ),
    )(y_pred, y_pred, yv)


def _make_sc_partials(B, C, H, W, D):
    HR = H - _HT
    rows_total = B * HR
    rpt = rows_total // _NW
    assert rows_total % _NW == 0 and HR % rpt == 0
    mesh = plsc.VectorSubcoreMesh(core_axis_name="c", subcore_axis_name="s")
    sc_cp = pltpu.CompilerParams()
    if "needs_layout_passes" in pltpu.CompilerParams.__dataclass_fields__:
        sc_cp = dataclasses.replace(sc_cp, needs_layout_passes=False)

    @functools.partial(
        pl.kernel,
        mesh=mesh,
        compiler_params=sc_cp,
        out_type=jax.ShapeDtypeStruct((_NW, 16), jnp.float32),
        scratch_types=[
            pltpu.VMEM((W, D), jnp.float32),
            pltpu.VMEM((W, D), jnp.float32),
            pltpu.VMEM((W, D), jnp.int32),
            pltpu.VMEM((12, 16), jnp.float32),
            pltpu.VMEM((16,), jnp.float32),
            pltpu.SemaphoreType.DMA,
        ],
    )
    def sc_kernel(pred_hbm, y_hbm, out_hbm, p0_v, p1_v, y_v, acc_v, res_v,
                  sem):
        wid = lax.axis_index("s") * _NC + lax.axis_index("c")
        zero = jnp.zeros((16,), jnp.float32)
        for i in range(12):
            acc_v[i] = zero
        for k_i in range(rpt):
            r = wid * rpt + k_i
            bq = r // HR
            hrow = _HT + (r % HR)
            c0 = pltpu.async_copy(pred_hbm.at[bq, 0, hrow], p0_v, sem)
            c1 = pltpu.async_copy(pred_hbm.at[bq, 1, hrow], p1_v, sem)
            c2 = pltpu.async_copy(y_hbm.at[bq, hrow], y_v, sem)
            c0.wait()
            c1.wait()
            c2.wait()
            for wq in range(2):
                @pl.loop(0, W // 2)
                def _(wi, wq=wq):
                    w = wq * (W // 2) + wi
                    for g in range(2):
                        n_r = zero
                        s_r = zero
                        p_r = zero
                        for k in range(D // 32):
                            sl = pl.ds((g * (D // 32) + k) * 16, 16)
                            p0c = p0_v[w, sl]
                            p1c = p1_v[w, sl]
                            yc = y_v[w, sl]
                            p = 1.0 / (1.0 + jnp.exp(p0c - p1c))
                            m = yc.astype(jnp.float32)
                            n_r = n_r + m
                            s_r = s_r + p * m
                            p_r = p_r + p
                        q = wq * 2 + g
                        plsc.addupdate(acc_v.at[q], n_r)
                        plsc.addupdate(acc_v.at[4 + q], s_r)
                        plsc.addupdate(acc_v.at[8 + q], p_r)
        lane = lax.iota(jnp.int32, 16)
        res = zero
        for i in range(12):
            s_i = jnp.sum(acc_v[i])
            res = jnp.where(lane == i, jnp.full((16,), s_i, jnp.float32), res)
        res_v[...] = res
        pltpu.sync_copy(res_v, out_hbm.at[wid])

    return sc_kernel


def _combine_kernel(tc_ref, sc_ref, out_ref, *, B, H, W, D):
    n_vox = jnp.float32(H * W * D)
    n_tc = jnp.float32(_HT * W * D)
    tiles_per_b = _NW // B
    total = jnp.float32(0.0)
    for bb in range(B):
        scq = [jnp.float32(0.0)] * 12
        for tile in range(bb * tiles_per_b, (bb + 1) * tiles_per_b):
            for i in range(12):
                scq[i] += sc_ref[tile, i]
        n_present = jnp.float32(0.0)
        ssum = jnp.float32(0.0)
        s_tot = jnp.float32(0.0)
        n_tot = jnp.float32(0.0)
        p_sc = scq[8] + scq[9] + scq[10] + scq[11]
        for c in range(8):
            n_c = tc_ref[bb, c]
            s_c = 0.5 * tc_ref[bb, 8 + c] + 0.5 * n_c
            if c >= 4:
                n_c = n_c + scq[c - 4]
                s_c = s_c + scq[4 + (c - 4)]
            s_tot += s_c
            n_tot += n_c
            has = n_c > 0.0
            score = 1.0 - (2.0 * s_c + _EPS) / (2.0 * n_c + _EPS)
            n_present += jnp.where(has, 1.0, 0.0)
            ssum += jnp.where(has, score, 0.0)
        comp_mean = ssum / jnp.maximum(n_present, 1.0)
        t_all = 0.5 * tc_ref[bb, 16] + 0.5 * n_tc + p_sc
        inter_full = 2.0 * s_tot - t_all + n_vox - n_tot
        full = 1.0 - (2.0 * inter_full + _EPS) / (2.0 * n_vox + _EPS)
        total += jnp.where(n_present == 0.0, full, comp_mean)
    out_ref[0, 0] = total / B


def _combine(tc_parts, sc_parts, B, H, W, D):
    out = pl.pallas_call(
        functools.partial(_combine_kernel, B=B, H=H, W=W, D=D),
        in_specs=[
            pl.BlockSpec(memory_space=pltpu.SMEM),
            pl.BlockSpec(memory_space=pltpu.SMEM),
        ],
        out_specs=pl.BlockSpec(memory_space=pltpu.SMEM),
        out_shape=jax.ShapeDtypeStruct((1, 1), jnp.float32),
    )(tc_parts, sc_parts)
    return out[0, 0]


def kernel(y_pred, y):
    B, C, H, W, D = y_pred.shape
    yv = y.reshape(B, H, W, D)
    sc_parts = _make_sc_partials(B, C, H, W, D)(y_pred, yv)
    tc_parts = _tc_partials(y_pred, yv)
    return _combine(tc_parts, sc_parts, B, H, W, D)

# --- scband reference (transcript-rebuilt; emitter-appended) ---
"""Pipeline reference for scband-base-connected-component-loss-29257317220479 (READ-ONLY COPY).

The authoritative reference and input builder live on the scoring server;
editing this copy changes nothing except your own understanding.
"""

import jax, jax.numpy as jnp
import numpy as np


def _soft_dice_metric(masked_pred, masked_true, mask):
    eps = 1e-5
    inter = jnp.sum(masked_pred * masked_true)
    denom = jnp.sum(masked_pred) + jnp.sum(masked_true)
    return 1.0 - (2.0 * inter + eps) / (denom + eps)


def _compute_components(y_one_hot):
    # Concrete subclass choice: 2x2x2 spatial block labeling of the
    # foreground channel (base class leaves _compute_components abstract).
    B, C, H, W, D = y_one_hot.shape
    fg = y_one_hot[:, 1] > 0.5
    ih = jnp.arange(H) // (H // 2)
    iw = jnp.arange(W) // (W // 2)
    idd = jnp.arange(D) // (D // 2)
    block = ih[:, None, None] * 4 + iw[None, :, None] * 2 + idd[None, None, :] + 1
    return jnp.where(fg, block[None, ...].astype(jnp.int64), jnp.int64(0))


def setup_inputs(seed: int = 0) -> dict:
    key = jax.random.key(seed)
    k1, k2 = jax.random.split(key)
    y_pred = jax.random.normal(k1, (2, 2, 128, 128, 128), dtype=jnp.float32)
    y = jax.random.randint(k2, (2, 1, 128, 128, 128), 0, 2, dtype=jnp.int32)
    return {"y_pred": y_pred, "y": y}


def reference(y_pred, y):
    B, C = y_pred.shape[0], y_pred.shape[1]
    # one-hot encode labels -> [B, 2, H, W, D]
    y_idx = y[:, 0]
    y_one_hot = jax.nn.one_hot(y_idx, C, dtype=jnp.float32)
    y_one_hot = jnp.moveaxis(y_one_hot, -1, 1)
    components = _compute_components(y_one_hot)
    # activation = softmax over channel dim
    y_act = jax.nn.softmax(y_pred, axis=1)
    sample_scores = []
    for i in range(B):
        pred_i = y_act[i]
        true_i = y_one_hot[i]
        comp_i = components[i]
        scores = []
        present = []
        for cid in range(1, 9):
            mask = comp_i == cid
            has = jnp.any(mask)
            present.append(has)
            score = _soft_dice_metric(pred_i * mask, true_i * mask, mask)
            scores.append(jnp.where(has, score, jnp.float32(0.0)))
        n_present = jnp.sum(jnp.stack(present).astype(jnp.float32))
        comp_mean = jnp.sum(jnp.stack(scores, axis=0)) / jnp.maximum(
            n_present, jnp.float32(1.0)
        )
        full_mask = jnp.ones(true_i.shape[1:], dtype=bool)
        full_score = _soft_dice_metric(
            pred_i * full_mask, true_i * full_mask, full_mask
        )
        sample_scores.append(jnp.where(n_present == 0, full_score, comp_mean))
    return jnp.stack(sample_scores, axis=0).mean()

if __name__ == "__main__":
    import jax
    _d = setup_inputs()
    print(jax.jit(kernel)(*tuple(_d.values())))

</pallas_src>

<mosaic_0001>
#map = affine_map<(d0, d1) -> (0, 0, 0, 0, 0)>
#map1 = affine_map<(d0, d1) -> (0, 0, 0, 0)>
#map2 = affine_map<(d0, d1) -> (0, 0)>
module attributes {stable_mosaic.version = 14 : i64} {
  func.func @sc_kernel(%arg0: i32, %arg1: i32, %arg2: memref<2x2x128x128x128xf32, #tpu.memory_space<hbm>>, %arg3: memref<2x128x128x128xi32, #tpu.memory_space<hbm>>, %arg4: memref<32x16xf32, #tpu.memory_space<hbm>>, %arg5: memref<128x128xf32, #tpu.memory_space<vmem>>, %arg6: memref<128x128xf32, #tpu.memory_space<vmem>>, %arg7: memref<128x128xi32, #tpu.memory_space<vmem>>, %arg8: memref<12x16xf32, #tpu.memory_space<vmem>>, %arg9: memref<16xf32, #tpu.memory_space<vmem>>, %arg10: memref<!tpu.dma_semaphore, #tpu.memory_space<semaphore_mem>>) attributes {dimension_semantics = [#tpu.dimension_semantics<core_parallel>, #tpu.dimension_semantics<subcore_parallel>], iteration_bounds = array<i64: 2, 16>, scalar_prefetch = 0 : i64, scratch_operands = 6 : i64, tpu.core_type = #tpu.core_type<sc_vector_subcore>, window_params = [{transform_indices = #map}, {transform_indices = #map1}, {transform_indices = #map2}]} {
    %mul3A = arith.constant 2 : i32
    %mul3A_0 = arith.muli %arg1, %mul3A : i32
    %add3A = arith.addi %mul3A_0, %arg0 : i32
    %broadcast_in_dim3A = arith.constant 0.000000e+00 : f32
    %broadcast_in_dim3A_1 = vector.broadcast %broadcast_in_dim3A : f32 to vector<16xf32>
    %swap3A = arith.constant 0 : i32
    %swap3A_2 = arith.index_cast %swap3A : i32 to index
    %swap3A_3 = arith.constant 0 : index
    %swap3A_4 = tpu.vector_load %arg8[%swap3A_2, %swap3A_3] {strides = array<i32>} : memref<12x16xf32, #tpu.memory_space<vmem>>, vector<16xf32>,
    tpu.vector_store %arg8[%swap3A_2, %swap3A_3], %broadcast_in_dim3A_1 {strides = array<i32>} : memref<12x16xf32, #tpu.memory_space<vmem>>, vector<16xf32>,
    %swap3A_5 = arith.constant 1 : i32
    %swap3A_6 = arith.index_cast %swap3A_5 : i32 to index
    %swap3A_7 = arith.constant 0 : index
    %swap3A_8 = tpu.vector_load %arg8[%swap3A_6, %swap3A_7] {strides = array<i32>} : memref<12x16xf32, #tpu.memory_space<vmem>>, vector<16xf32>,
    tpu.vector_store %arg8[%swap3A_6, %swap3A_7], %broadcast_in_dim3A_1 {strides = array<i32>} : memref<12x16xf32, #tpu.memory_space<vmem>>, vector<16xf32>,
    %swap3A_9 = arith.constant 2 : i32
    %swap3A_10 = arith.index_cast %swap3A_9 : i32 to index
    %swap3A_11 = arith.constant 0 : index
    %swap3A_12 = tpu.vector_load %arg8[%swap3A_10, %swap3A_11] {strides = array<i32>} : memref<12x16xf32, #tpu.memory_space<vmem>>, vector<16xf32>,
    tpu.vector_store %arg8[%swap3A_10, %swap3A_11], %broadcast_in_dim3A_1 {strides = array<i32>} : memref<12x16xf32, #tpu.memory_space<vmem>>, vector<16xf32>,
    %swap3A_13 = arith.constant 3 : i32
    %swap3A_14 = arith.index_cast %swap3A_13 : i32 to index
    %swap3A_15 = arith.constant 0 : index
    %swap3A_16 = tpu.vector_load %arg8[%swap3A_14, %swap3A_15] {strides = array<i32>} : memref<12x16xf32, #tpu.memory_space<vmem>>, vector<16xf32>,
    tpu.vector_store %arg8[%swap3A_14, %swap3A_15], %broadcast_in_dim3A_1 {strides = array<i32>} : memref<12x16xf32, #tpu.memory_space<vmem>>, vector<16xf32>,
    %swap3A_17 = arith.constant 4 : i32
    %swap3A_18 = arith.index_cast %swap3A_17 : i32 to index
    %swap3A_19 = arith.constant 0 : index
    %swap3A_20 = tpu.vector_load %arg8[%swap3A_18, %swap3A_19] {strides = array<i32>} : memref<12x16xf32, #tpu.memory_space<vmem>>, vector<16xf32>,
    tpu.vector_store %arg8[%swap3A_18, %swap3A_19], %broadcast_in_dim3A_1 {strides = array<i32>} : memref<12x16xf32, #tpu.memory_space<vmem>>, vector<16xf32>,
    %swap3A_21 = arith.constant 5 : i32
    %swap3A_22 = arith.index_cast %swap3A_21 : i32 to index
    %swap3A_23 = arith.constant 0 : index
    %swap3A_24 = tpu.vector_load %arg8[%swap3A_22, %swap3A_23] {strides = array<i32>} : memref<12x16xf32, #tpu.memory_space<vmem>>, vector<16xf32>,
    tpu.vector_store %arg8[%swap3A_22, %swap3A_23], %broadcast_in_dim3A_1 {strides = array<i32>} : memref<12x16xf32, #tpu.memory_space<vmem>>, vector<16xf32>,
    %swap3A_25 = arith.constant 6 : i32
    %swap3A_26 = arith.index_cast %swap3A_25 : i32 to index
    %swap3A_27 = arith.constant 0 : index
    %swap3A_28 = tpu.vector_load %arg8[%swap3A_26, %swap3A_27] {strides = array<i32>} : memref<12x16xf32, #tpu.memory_space<vmem>>, vector<16xf32>,
    tpu.vector_store %arg8[%swap3A_26, %swap3A_27], %broadcast_in_dim3A_1 {strides = array<i32>} : memref<12x16xf32, #tpu.memory_space<vmem>>, vector<16xf32>,
    %swap3A_29 = arith.constant 7 : i32
    %swap3A_30 = arith.index_cast %swap3A_29 : i32 to index
    %swap3A_31 = arith.constant 0 : index
    %swap3A_32 = tpu.vector_load %arg8[%swap3A_30, %swap3A_31] {strides = array<i32>} : memref<12x16xf32, #tpu.memory_space<vmem>>, vector<16xf32>,
    tpu.vector_store %arg8[%swap3A_30, %swap3A_31], %broadcast_in_dim3A_1 {strides = array<i32>} : memref<12x16xf32, #tpu.memory_space<vmem>>, vector<16xf32>,
    %swap3A_33 = arith.constant 8 : i32
    %swap3A_34 = arith.index_cast %swap3A_33 : i32 to index
    %swap3A_35 = arith.constant 0 : index
    %swap3A_36 = tpu.vector_load %arg8[%swap3A_34, %swap3A_35] {strides = array<i32>} : memref<12x16xf32, #tpu.memory_space<vmem>>, vector<16xf32>,
    tpu.vector_store %arg8[%swap3A_34, %swap3A_35], %broadcast_in_dim3A_1 {strides = array<i32>} : memref<12x16xf32, #tpu.memory_space<vmem>>, vector<16xf32>,
    %swap3A_37 = arith.constant 9 : i32
    %swap3A_38 = arith.index_cast %swap3A_37 : i32 to index
    %swap3A_39 = arith.constant 0 : index
    %swap3A_40 = tpu.vector_load %arg8[%swap3A_38, %swap3A_39] {strides = array<i32>} : memref<12x16xf32, #tpu.memory_space<vmem>>, vector<16xf32>,
    tpu.vector_store %arg8[%swap3A_38, %swap3A_39], %broadcast_in_dim3A_1 {strides = array<i32>} : memref<12x16xf32, #tpu.memory_space<vmem>>, vector<16xf32>,
    %swap3A_41 = arith.constant 10 : i32
    %swap3A_42 = arith.index_cast %swap3A_41 : i32 to index
    %swap3A_43 = arith.constant 0 : index
    %swap3A_44 = tpu.vector_load %arg8[%swap3A_42, %swap3A_43] {strides = array<i32>} : memref<12x16xf32, #tpu.memory_space<vmem>>, vector<16xf32>,
    tpu.vector_store %arg8[%swap3A_42, %swap3A_43], %broadcast_in_dim3A_1 {strides = array<i32>} : memref<12x16xf32, #tpu.memory_space<vmem>>, vector<16xf32>,
    %swap3A_45 = arith.constant 11 : i32
    %swap3A_46 = arith.index_cast %swap3A_45 : i32 to index
    %swap3A_47 = arith.constant 0 : index
    %swap3A_48 = tpu.vector_load %arg8[%swap3A_46, %swap3A_47] {strides = array<i32>} : memref<12x16xf32, #tpu.memory_space<vmem>>, vector<16xf32>,
    tpu.vector_store %arg8[%swap3A_46, %swap3A_47], %broadcast_in_dim3A_1 {strides = array<i32>} : memref<12x16xf32, #tpu.memory_space<vmem>>, vector<16xf32>,
    %mul3A_49 = arith.constant 1 : i32
    %mul3A_50 = arith.muli %add3A, %mul3A_49 : i32
    %add3A_51 = arith.constant 0 : i32
    %add3A_52 = arith.addi %mul3A_50, %add3A_51 : i32
    %jit3A = arith.constant 16 : i32
    %div3A = arith.divsi %add3A_52, %jit3A : i32
    %sign3A = arith.constant 0 : i32
    %sign3A_53 = arith.cmpi sgt, %add3A_52, %sign3A : i32
    %sign3A_54 = arith.extui %sign3A_53 : i1 to i32
    %sign3A_55 = arith.constant 0 : i32
    %sign3A_56 = arith.cmpi slt, %add3A_52, %sign3A_55 : i32
    %sign3A_57 = arith.extui %sign3A_56 : i1 to i32
    %sign3A_58 = arith.subi %sign3A_54, %sign3A_57 : i32
    %sign3A_59 = arith.constant 0 : i32
    %sign3A_60 = arith.cmpi sgt, %jit3A, %sign3A_59 : i32
    %sign3A_61 = arith.extui %sign3A_60 : i1 to i32
    %sign3A_62 = arith.constant 0 : i32
    %sign3A_63 = arith.cmpi slt, %jit3A, %sign3A_62 : i32
    %sign3A_64 = arith.extui %sign3A_63 : i1 to i32
    %sign3A_65 = arith.subi %sign3A_61, %sign3A_64 : i32
    %ne3A = arith.cmpi ne, %sign3A_58, %sign3A_65 : i32
    %rem3A = arith.remsi %add3A_52, %jit3A : i32
    %ne3A_66 = arith.constant 0 : i32
    %ne3A_67 = arith.cmpi ne, %rem3A, %ne3A_66 : i32
    %and3A = arith.andi %ne3A, %ne3A_67 : i1
    %sub3A = arith.constant 1 : i32
    %sub3A_68 = arith.subi %div3A, %sub3A : i32
    %select_n3A = arith.select %and3A, %sub3A_68, %div3A : i32
    %jit3A_69 = arith.constant 16 : i32
    %eq3A = arith.constant 0 : i32
    %eq3A_70 = arith.cmpi eq, %jit3A_69, %eq3A : i32
    %jit3A_71 = arith.constant 1 : i32
    %select_n3A_72 = arith.select %eq3A_70, %jit3A_71, %jit3A_69 : i32
    %rem3A_73 = arith.remsi %add3A_52, %select_n3A_72 : i32
    %ne3A_74 = arith.constant 0 : i32
    %ne3A_75 = arith.cmpi ne, %rem3A_73, %ne3A_74 : i32
    %lt3A = arith.constant 0 : i32
    %lt3A_76 = arith.cmpi slt, %rem3A_73, %lt3A : i32
    %lt3A_77 = arith.constant 0 : i32
    %lt3A_78 = arith.cmpi slt, %select_n3A_72, %lt3A_77 : i32
    %ne3A_79 = arith.xori %lt3A_76, %lt3A_78 : i1
    %and3A_80 = arith.andi %ne3A_79, %ne3A_75 : i1
    %add3A_81 = arith.addi %rem3A_73, %select_n3A_72 : i32
    %select_n3A_82 = arith.select %and3A_80, %add3A_81, %rem3A_73 : i32
    %add3A_83 = arith.constant 112 : i32
    %add3A_84 = arith.addi %add3A_83, %select_n3A_82 : i32
    %dma_start3A = arith.constant 0 : i32
    %dma_start3A_85 = arith.constant 0 : i32
    %dma_start3A_86 = arith.constant 0 : i32
    %dma_start3A_87 = tpu.memref_slice %arg2[%select_n3A, %dma_start3A, %add3A_84, %dma_start3A_85, %dma_start3A_86] : memref<2x2x128x128x128xf32, #tpu.memory_space<hbm>> -> memref<1x1x1x128x128xf32, #tpu.memory_space<hbm>>
    %dma_start3A_88 = tpu.memref_squeeze %dma_start3A_87 : memref<1x1x1x128x128xf32, #tpu.memory_space<hbm>> -> memref<128x128xf32, #tpu.memory_space<hbm>>
    %dma_start3A_89 = arith.constant 0 : i32
    %dma_start3A_90 = arith.constant 0 : i32
    %dma_start3A_91 = tpu.memref_slice %arg2[%select_n3A, %dma_start3A, %add3A_84, %dma_start3A_89, %dma_start3A_90] : memref<2x2x128x128x128xf32, #tpu.memory_space<hbm>> -> memref<1x1x1x128x128xf32, #tpu.memory_space<hbm>>
    %dma_start3A_92 = tpu.memref_squeeze %dma_start3A_91 : memref<1x1x1x128x128xf32, #tpu.memory_space<hbm>> -> memref<128x128xf32, #tpu.memory_space<hbm>>
    tpu.enqueue_dma source(%dma_start3A_92 : memref<128x128xf32, #tpu.memory_space<hbm>>) target(%arg5 : memref<128x128xf32, #tpu.memory_space<vmem>>) target_semaphore(%arg10 : memref<!tpu.dma_semaphore, #tpu.memory_space<semaphore_mem>>)
    %dma_start3A_93 = arith.constant 1 : i32
    %dma_start3A_94 = arith.constant 0 : i32
    %dma_start3A_95 = arith.constant 0 : i32
    %dma_start3A_96 = tpu.memref_slice %arg2[%select_n3A, %dma_start3A_93, %add3A_84, %dma_start3A_94, %dma_start3A_95] : memref<2x2x128x128x128xf32, #tpu.memory_space<hbm>> -> memref<1x1x1x128x128xf32, #tpu.memory_space<hbm>>
    %dma_start3A_97 = tpu.memref_squeeze %dma_start3A_96 : memref<1x1x1x128x128xf32, #tpu.memory_space<hbm>> -> memref<128x128xf32, #tpu.memory_space<hbm>>
    %dma_start3A_98 = arith.constant 0 : i32
    %dma_start3A_99 = arith.constant 0 : i32
    %dma_start3A_100 = tpu.memref_slice %arg2[%select_n3A, %dma_start3A_93, %add3A_84, %dma_start3A_98, %dma_start3A_99] : memref<2x2x128x128x128xf32, #tpu.memory_space<hbm>> -> memref<1x1x1x128x128xf32, #tpu.memory_space<hbm>>
    %dma_start3A_101 = tpu.memref_squeeze %dma_start3A_100 : memref<1x1x1x128x128xf32, #tpu.memory_space<hbm>> -> memref<128x128xf32, #tpu.memory_space<hbm>>
    tpu.enqueue_dma source(%dma_start3A_101 : memref<128x128xf32, #tpu.memory_space<hbm>>) target(%arg6 : memref<128x128xf32, #tpu.memory_space<vmem>>) target_semaphore(%arg10 : memref<!tpu.dma_semaphore, #tpu.memory_space<semaphore_mem>>)
    %dma_start3A_102 = arith.constant 0 : i32
    %dma_start3A_103 = arith.constant 0 : i32
    %dma_start3A_104 = tpu.memref_slice %arg3[%select_n3A, %add3A_84, %dma_start3A_102, %dma_start3A_103] : memref<2x128x128x128xi32, #tpu.memory_space<hbm>> -> memref<1x1x128x128xi32, #tpu.memory_space<hbm>>
    %dma_start3A_105 = tpu.memref_squeeze %dma_start3A_104 : memref<1x1x128x128xi32, #tpu.memory_space<hbm>> -> memref<128x128xi32, #tpu.memory_space<hbm>>
    %dma_start3A_106 = arith.constant 0 : i32
    %dma_start3A_107 = arith.constant 0 : i32
    %dma_start3A_108 = tpu.memref_slice %arg3[%select_n3A, %add3A_84, %dma_start3A_106, %dma_start3A_107] : memref<2x128x128x128xi32, #tpu.memory_space<hbm>> -> memref<1x1x128x128xi32, #tpu.memory_space<hbm>>
    %dma_start3A_109 = tpu.memref_squeeze %dma_start3A_108 : memref<1x1x128x128xi32, #tpu.memory_space<hbm>> -> memref<128x128xi32, #tpu.memory_space<hbm>>
    tpu.enqueue_dma source(%dma_start3A_109 : memref<128x128xi32, #tpu.memory_space<hbm>>) target(%arg7 : memref<128x128xi32, #tpu.memory_space<vmem>>) target_semaphore(%arg10 : memref<!tpu.dma_semaphore, #tpu.memory_space<semaphore_mem>>)
    %dma_wait3A = arith.constant 0 : i32
    %dma_wait3A_110 = arith.constant 0 : i32
    %dma_wait3A_111 = arith.constant 0 : i32
    %dma_wait3A_112 = tpu.memref_slice %arg2[%select_n3A, %dma_wait3A, %add3A_84, %dma_wait3A_110, %dma_wait3A_111] : memref<2x2x128x128x128xf32, #tpu.memory_space<hbm>> -> memref<1x1x1x128x128xf32, #tpu.memory_space<hbm>>
    %dma_wait3A_113 = tpu.memref_squeeze %dma_wait3A_112 : memref<1x1x1x128x128xf32, #tpu.memory_space<hbm>> -> memref<128x128xf32, #tpu.memory_space<hbm>>
    %dma_wait3A_114 = arith.constant 0 : i32
    %dma_wait3A_115 = arith.constant 0 : i32
    %dma_wait3A_116 = tpu.memref_slice %arg2[%select_n3A, %dma_wait3A, %add3A_84, %dma_wait3A_114, %dma_wait3A_115] : memref<2x2x128x128x128xf32, #tpu.memory_space<hbm>> -> memref<1x1x1x128x128xf32, #tpu.memory_space<hbm>>
    %dma_wait3A_117 = tpu.memref_squeeze %dma_wait3A_116 : memref<1x1x1x128x128xf32, #tpu.memory_space<hbm>> -> memref<128x128xf32, #tpu.memory_space<hbm>>
    tpu.wait_dma2 semaphore(%arg10 : memref<!tpu.dma_semaphore, #tpu.memory_space<semaphore_mem>>) src(%dma_wait3A_117 : memref<128x128xf32, #tpu.memory_space<hbm>>) dst(%arg5 : memref<128x128xf32, #tpu.memory_space<vmem>>)
    %dma_wait3A_118 = arith.constant 1 : i32
    %dma_wait3A_119 = arith.constant 0 : i32
    %dma_wait3A_120 = arith.constant 0 : i32
    %dma_wait3A_121 = tpu.memref_slice %arg2[%select_n3A, %dma_wait3A_118, %add3A_84, %dma_wait3A_119, %dma_wait3A_120] : memref<2x2x128x128x128xf32, #tpu.memory_space<hbm>> -> memref<1x1x1x128x128xf32, #tpu.memory_space<hbm>>
    %dma_wait3A_122 = tpu.memref_squeeze %dma_wait3A_121 : memref<1x1x1x128x128xf32, #tpu.memory_space<hbm>> -> memref<128x128xf32, #tpu.memory_space<hbm>>
    %dma_wait3A_123 = arith.constant 0 : i32
    %dma_wait3A_124 = arith.constant 0 : i32
    %dma_wait3A_125 = tpu.memref_slice %arg2[%select_n3A, %dma_wait3A_118, %add3A_84, %dma_wait3A_123, %dma_wait3A_124] : memref<2x2x128x128x128xf32, #tpu.memory_space<hbm>> -> memref<1x1x1x128x128xf32, #tpu.memory_space<hbm>>
    %dma_wait3A_126 = tpu.memref_squeeze %dma_wait3A_125 : memref<1x1x1x128x128xf32, #tpu.memory_space<hbm>> -> memref<128x128xf32, #tpu.memory_space<hbm>>
    tpu.wait_dma2 semaphore(%arg10 : memref<!tpu.dma_semaphore, #tpu.memory_space<semaphore_mem>>) src(%dma_wait3A_126 : memref<128x128xf32, #tpu.memory_space<hbm>>) dst(%arg6 : memref<128x128xf32, #tpu.memory_space<vmem>>)
    %dma_wait3A_127 = arith.constant 0 : i32
    %dma_wait3A_128 = arith.constant 0 : i32
    %dma_wait3A_129 = tpu.memref_slice %arg3[%select_n3A, %add3A_84, %dma_wait3A_127, %dma_wait3A_128] : memref<2x128x128x128xi32, #tpu.memory_space<hbm>> -> memref<1x1x128x128xi32, #tpu.memory_space<hbm>>
    %dma_wait3A_130 = tpu.memref_squeeze %dma_wait3A_129 : memref<1x1x128x128xi32, #tpu.memory_space<hbm>> -> memref<128x128xi32, #tpu.memory_space<hbm>>
    %dma_wait3A_131 = arith.constant 0 : i32
    %dma_wait3A_132 = arith.constant 0 : i32
    %dma_wait3A_133 = tpu.memref_slice %arg3[%select_n3A, %add3A_84, %dma_wait3A_131, %dma_wait3A_132] : memref<2x128x128x128xi32, #tpu.memory_space<hbm>> -> memref<1x1x128x128xi32, #tpu.memory_space<hbm>>
    %dma_wait3A_134 = tpu.memref_squeeze %dma_wait3A_133 : memref<1x1x128x128xi32, #tpu.memory_space<hbm>> -> memref<128x128xi32, #tpu.memory_space<hbm>>
    tpu.wait_dma2 semaphore(%arg10 : memref<!tpu.dma_semaphore, #tpu.memory_space<semaphore_mem>>) src(%dma_wait3A_134 : memref<128x128xi32, #tpu.memory_space<hbm>>) dst(%arg7 : memref<128x128xi32, #tpu.memory_space<vmem>>)
    %scan3A = arith.constant 0 : i32
    %scan3A_135 = arith.constant 64 : i32
    %scan3A_136 = arith.addi %scan3A, %scan3A_135 : i32
    %scan3A_137 = arith.constant 1 : i32
    scf.for %scan3A_300 = %scan3A to %scan3A_136 step %scan3A_137  : i32 {
      %mul3A_301 = arith.constant 1 : i32
      %mul3A_302 = arith.muli %scan3A_300, %mul3A_301 : i32
      %add3A_303 = arith.constant 0 : i32
      %add3A_304 = arith.addi %add3A_303, %mul3A_302 : i32
      %add3A_305 = arith.constant 0 : i32
      %add3A_306 = arith.addi %add3A_305, %add3A_304 : i32
      %get3A_307 = arith.index_cast %add3A_306 : i32 to index
      %get3A_308 = arith.constant 0 : index
      %get3A_309 = tpu.vector_load %arg5[%get3A_307, %get3A_308] {strides = array<i32>} : memref<128x128xf32, #tpu.memory_space<vmem>>, vector<16xf32>,
      %get3A_310 = arith.index_cast %add3A_306 : i32 to index
      %get3A_311 = arith.constant 0 : index
      %get3A_312 = tpu.vector_load %arg6[%get3A_310, %get3A_311] {strides = array<i32>} : memref<128x128xf32, #tpu.memory_space<vmem>>, vector<16xf32>,
      %get3A_313 = arith.index_cast %add3A_306 : i32 to index
      %get3A_314 = arith.constant 0 : index
      %get3A_315 = tpu.vector_load %arg7[%get3A_313, %get3A_314] {strides = array<i32>} : memref<128x128xi32, #tpu.memory_space<vmem>>, vector<16xi32>,
      %sub3A_316 = arith.subf %get3A_309, %get3A_312 : vector<16xf32>
      %exp3A = math.exp %sub3A_316 : vector<16xf32>
      %add3A_317 = arith.constant 1.000000e+00 : f32
      %add3A_318 = vector.broadcast %add3A_317 : f32 to vector<16xf32>
      %add3A_319 = arith.addf %add3A_318, %exp3A : vector<16xf32>
      %div3A_320 = arith.constant 1.000000e+00 : f32
      %div3A_321 = vector.broadcast %div3A_320 : f32 to vector<16xf32>
      %div3A_322 = arith.divf %div3A_321, %add3A_319 : vector<16xf32>
      %convert_element_type3A = arith.sitofp %get3A_315 : vector<16xi32> to vector<16xf32>
      %add3A_323 = arith.addf %broadcast_in_dim3A_1, %convert_element_type3A : vector<16xf32>
      %mul3A_324 = arith.mulf %div3A_322, %convert_element_type3A : vector<16xf32>
      %add3A_325 = arith.addf %broadcast_in_dim3A_1, %mul3A_324 : vector<16xf32>
      %add3A_326 = arith.addf %broadcast_in_dim3A_1, %div3A_322 : vector<16xf32>
      %get3A_327 = arith.index_cast %add3A_306 : i32 to index
      %get3A_328 = arith.constant 16 : index
      %get3A_329 = tpu.vector_load %arg5[%get3A_327, %get3A_328] {strides = array<i32>} : memref<128x128xf32, #tpu.memory_space<vmem>>, vector<16xf32>,
      %get3A_330 = arith.index_cast %add3A_306 : i32 to index
      %get3A_331 = arith.constant 16 : index
      %get3A_332 = tpu.vector_load %arg6[%get3A_330, %get3A_331] {strides = array<i32>} : memref<128x128xf32, #tpu.memory_space<vmem>>, vector<16xf32>,
      %get3A_333 = arith.index_cast %add3A_306 : i32 to index
      %get3A_334 = arith.constant 16 : index
      %get3A_335 = tpu.vector_load %arg7[%get3A_333, %get3A_334] {strides = array<i32>} : memref<128x128xi32, #tpu.memory_space<vmem>>, vector<16xi32>,
      %sub3A_336 = arith.subf %get3A_329, %get3A_332 : vector<16xf32>
      %exp3A_337 = math.exp %sub3A_336 : vector<16xf32>
      %add3A_338 = arith.constant 1.000000e+00 : f32
      %add3A_339 = vector.broadcast %add3A_338 : f32 to vector<16xf32>
      %add3A_340 = arith.addf %add3A_339, %exp3A_337 : vector<16xf32>
      %div3A_341 = arith.constant 1.000000e+00 : f32
      %div3A_342 = vector.broadcast %div3A_341 : f32 to vector<16xf32>
      %div3A_343 = arith.divf %div3A_342, %add3A_340 : vector<16xf32>
      %convert_element_type3A_344 = arith.sitofp %get3A_335 : vector<16xi32> to vector<16xf32>
      %add3A_345 = arith.addf %add3A_323, %convert_element_type3A_344 : vector<16xf32>
      %mul3A_346 = arith.mulf %div3A_343, %convert_element_type3A_344 : vector<16xf32>
      %add3A_347 = arith.addf %add3A_325, %mul3A_346 : vector<16xf32>
      %add3A_348 = arith.addf %add3A_326, %div3A_343 : vector<16xf32>
      %get3A_349 = arith.index_cast %add3A_306 : i32 to index
      %get3A_350 = arith.constant 32 : index
      %get3A_351 = tpu.vector_load %arg5[%get3A_349, %get3A_350] {strides = array<i32>} : memref<128x128xf32, #tpu.memory_space<vmem>>, vector<16xf32>,
      %get3A_352 = arith.index_cast %add3A_306 : i32 to index
      %get3A_353 = arith.constant 32 : index
      %get3A_354 = tpu.vector_load %arg6[%get3A_352, %get3A_353] {strides = array<i32>} : memref<128x128xf32, #tpu.memory_space<vmem>>, vector<16xf32>,
      %get3A_355 = arith.index_cast %add3A_306 : i32 to index
      %get3A_356 = arith.constant 32 : index
      %get3A_357 = tpu.vector_load %arg7[%get3A_355, %get3A_356] {strides = array<i32>} : memref<128x128xi32, #tpu.memory_space<vmem>>, vector<16xi32>,
      %sub3A_358 = arith.subf %get3A_351, %get3A_354 : vector<16xf32>
      %exp3A_359 = math.exp %sub3A_358 : vector<16xf32>
      %add3A_360 = arith.constant 1.000000e+00 : f32
      %add3A_361 = vector.broadcast %add3A_360 : f32 to vector<16xf32>
      %add3A_362 = arith.addf %add3A_361, %exp3A_359 : vector<16xf32>
      %div3A_363 = arith.constant 1.000000e+00 : f32
      %div3A_364 = vector.broadcast %div3A_363 : f32 to vector<16xf32>
      %div3A_365 = arith.divf %div3A_364, %add3A_362 : vector<16xf32>
      %convert_element_type3A_366 = arith.sitofp %get3A_357 : vector<16xi32> to vector<16xf32>
      %add3A_367 = arith.addf %add3A_345, %convert_element_type3A_366 : vector<16xf32>
      %mul3A_368 = arith.mulf %div3A_365, %convert_element_type3A_366 : vector<16xf32>
      %add3A_369 = arith.addf %add3A_347, %mul3A_368 : vector<16xf32>
      %add3A_370 = arith.addf %add3A_348, %div3A_365 : vector<16xf32>
      %get3A_371 = arith.index_cast %add3A_306 : i32 to index
      %get3A_372 = arith.constant 48 : index
      %get3A_373 = tpu.vector_load %arg5[%get3A_371, %get3A_372] {strides = array<i32>} : memref<128x128xf32, #tpu.memory_space<vmem>>, vector<16xf32>,
      %get3A_374 = arith.index_cast %add3A_306 : i32 to index
      %get3A_375 = arith.constant 48 : index
      %get3A_376 = tpu.vector_load %arg6[%get3A_374, %get3A_375] {strides = array<i32>} : memref<128x128xf32, #tpu.memory_space<vmem>>, vector<16xf32>,
      %get3A_377 = arith.index_cast %add3A_306 : i32 to index
      %get3A_378 = arith.constant 48 : index
      %get3A_379 = tpu.vector_load %arg7[%get3A_377, %get3A_378] {strides = array<i32>} : memref<128x128xi32, #tpu.memory_space<vmem>>, vector<16xi32>,
      %sub3A_380 = arith.subf %get3A_373, %get3A_376 : vector<16xf32>
      %exp3A_381 = math.exp %sub3A_380 : vector<16xf32>
      %add3A_382 = arith.constant 1.000000e+00 : f32
      %add3A_383 = vector.broadcast %add3A_382 : f32 to vector<16xf32>
      %add3A_384 = arith.addf %add3A_383, %exp3A_381 : vector<16xf32>
      %div3A_385 = arith.constant 1.000000e+00 : f32
      %div3A_386 = vector.broadcast %div3A_385 : f32 to vector<16xf32>
      %div3A_387 = arith.divf %div3A_386, %add3A_384 : vector<16xf32>
      %convert_element_type3A_388 = arith.sitofp %get3A_379 : vector<16xi32> to vector<16xf32>
      %add3A_389 = arith.addf %add3A_367, %convert_element_type3A_388 : vector<16xf32>
      %mul3A_390 = arith.mulf %div3A_387, %convert_element_type3A_388 : vector<16xf32>
      %add3A_391 = arith.addf %add3A_369, %mul3A_390 : vector<16xf32>
      %add3A_392 = arith.addf %add3A_370, %div3A_387 : vector<16xf32>
      %swap3A_393 = arith.constant 0 : i32
      %swap3A_394 = arith.index_cast %swap3A_393 : i32 to index
      %swap3A_395 = arith.constant 0 : index
      %swap3A_396 = tpu.vector_load %arg8[%swap3A_394, %swap3A_395] {strides = array<i32>} : memref<12x16xf32, #tpu.memory_space<vmem>>, vector<16xf32>,
      tpu.vector_store %arg8[%swap3A_394, %swap3A_395], %add3A_389 {add = true, strides = array<i32>} : memref<12x16xf32, #tpu.memory_space<vmem>>, vector<16xf32>,
      %swap3A_397 = arith.constant 4 : i32
      %swap3A_398 = arith.index_cast %swap3A_397 : i32 to index
      %swap3A_399 = arith.constant 0 : index
      %swap3A_400 = tpu.vector_load %arg8[%swap3A_398, %swap3A_399] {strides = array<i32>} : memref<12x16xf32, #tpu.memory_space<vmem>>, vector<16xf32>,
      tpu.vector_store %arg8[%swap3A_398, %swap3A_399], %add3A_391 {add = true, strides = array<i32>} : memref<12x16xf32, #tpu.memory_space<vmem>>, vector<16xf32>,
      %swap3A_401 = arith.constant 8 : i32
      %swap3A_402 = arith.index_cast %swap3A_401 : i32 to index
      %swap3A_403 = arith.constant 0 : index
      %swap3A_404 = tpu.vector_load %arg8[%swap3A_402, %swap3A_403] {strides = array<i32>} : memref<12x16xf32, #tpu.memory_space<vmem>>, vector<16xf32>,
      tpu.vector_store %arg8[%swap3A_402, %swap3A_403], %add3A_392 {add = true, strides = array<i32>} : memref<12x16xf32, #tpu.memory_space<vmem>>, vector<16xf32>,
      %get3A_405 = arith.index_cast %add3A_306 : i32 to index
      %get3A_406 = arith.constant 64 : index
      %get3A_407 = tpu.vector_load %arg5[%get3A_405, %get3A_406] {strides = array<i32>} : memref<128x128xf32, #tpu.memory_space<vmem>>, vector<16xf32>,
      %get3A_408 = arith.index_cast %add3A_306 : i32 to index
      %get3A_409 = arith.constant 64 : index
      %get3A_410 = tpu.vector_load %arg6[%get3A_408, %get3A_409] {strides = array<i32>} : memref<128x128xf32, #tpu.memory_space<vmem>>, vector<16xf32>,
      %get3A_411 = arith.index_cast %add3A_306 : i32 to index
      %get3A_412 = arith.constant 64 : index
      %get3A_413 = tpu.vector_load %arg7[%get3A_411, %get3A_412] {strides = array<i32>} : memref<128x128xi32, #tpu.memory_space<vmem>>, vector<16xi32>,
      %sub3A_414 = arith.subf %get3A_407, %get3A_410 : vector<16xf32>
      %exp3A_415 = math.exp %sub3A_414 : vector<16xf32>
      %add3A_416 = arith.constant 1.000000e+00 : f32
      %add3A_417 = vector.broadcast %add3A_416 : f32 to vector<16xf32>
      %add3A_418 = arith.addf %add3A_417, %exp3A_415 : vector<16xf32>
      %div3A_419 = arith.constant 1.000000e+00 : f32
      %div3A_420 = vector.broadcast %div3A_419 : f32 to vector<16xf32>
      %div3A_421 = arith.divf %div3A_420, %add3A_418 : vector<16xf32>
      %convert_element_type3A_422 = arith.sitofp %get3A_413 : vector<16xi32> to vector<16xf32>
      %add3A_423 = arith.addf %broadcast_in_dim3A_1, %convert_element_type3A_422 : vector<16xf32>
      %mul3A_424 = arith.mulf %div3A_421, %convert_element_type3A_422 : vector<16xf32>
      %add3A_425 = arith.addf %broadcast_in_dim3A_1, %mul3A_424 : vector<16xf32>
      %add3A_426 = arith.addf %broadcast_in_dim3A_1, %div3A_421 : vector<16xf32>
      %get3A_427 = arith.index_cast %add3A_306 : i32 to index
      %get3A_428 = arith.constant 80 : index
      %get3A_429 = tpu.vector_load %arg5[%get3A_427, %get3A_428] {strides = array<i32>} : memref<128x128xf32, #tpu.memory_space<vmem>>, vector<16xf32>,
      %get3A_430 = arith.index_cast %add3A_306 : i32 to index
      %get3A_431 = arith.constant 80 : index
      %get3A_432 = tpu.vector_load %arg6[%get3A_430, %get3A_431] {strides = array<i32>} : memref<128x128xf32, #tpu.memory_space<vmem>>, vector<16xf32>,
      %get3A_433 = arith.index_cast %add3A_306 : i32 to index
      %get3A_434 = arith.constant 80 : index
      %get3A_435 = tpu.vector_load %arg7[%get3A_433, %get3A_434] {strides = array<i32>} : memref<128x128xi32, #tpu.memory_space<vmem>>, vector<16xi32>,
      %sub3A_436 = arith.subf %get3A_429, %get3A_432 : vector<16xf32>
      %exp3A_437 = math.exp %sub3A_436 : vector<16xf32>
      %add3A_438 = arith.constant 1.000000e+00 : f32
      %add3A_439 = vector.broadcast %add3A_438 : f32 to vector<16xf32>
      %add3A_440 = arith.addf %add3A_439, %exp3A_437 : vector<16xf32>
      %div3A_441 = arith.constant 1.000000e+00 : f32
      %div3A_442 = vector.broadcast %div3A_441 : f32 to vector<16xf32>
      %div3A_443 = arith.divf %div3A_442, %add3A_440 : vector<16xf32>
      %convert_element_type3A_444 = arith.sitofp %get3A_435 : vector<16xi32> to vector<16xf32>
      %add3A_445 = arith.addf %add3A_423, %convert_element_type3A_444 : vector<16xf32>
      %mul3A_446 = arith.mulf %div3A_443, %convert_element_type3A_444 : vector<16xf32>
      %add3A_447 = arith.addf %add3A_425, %mul3A_446 : vector<16xf32>
      %add3A_448 = arith.addf %add3A_426, %div3A_443 : vector<16xf32>
      %get3A_449 = arith.index_cast %add3A_306 : i32 to index
      %get3A_450 = arith.constant 96 : index
      %get3A_451 = tpu.vector_load %arg5[%get3A_449, %get3A_450] {strides = array<i32>} : memref<128x128xf32, #tpu.memory_space<vmem>>, vector<16xf32>,
      %get3A_452 = arith.index_cast %add3A_306 : i32 to index
      %get3A_453 = arith.constant 96 : index
      %get3A_454 = tpu.vector_load %arg6[%get3A_452, %get3A_453] {strides = array<i32>} : memref<128x128xf32, #tpu.memory_space<vmem>>, vector<16xf32>,
      %get3A_455 = arith.index_cast %add3A_306 : i32 to index
      %get3A_456 = arith.constant 96 : index
      %get3A_457 = tpu.vector_load %arg7[%get3A_455, %get3A_456] {strides = array<i32>} : memref<128x128xi32, #tpu.memory_space<vmem>>, vector<16xi32>,
      %sub3A_458 = arith.subf %get3A_451, %get3A_454 : vector<16xf32>
      %exp3A_459 = math.exp %sub3A_458 : vector<16xf32>
      %add3A_460 = arith.constant 1.000000e+00 : f32
      %add3A_461 = vector.broadcast %add3A_460 : f32 to vector<16xf32>
      %add3A_462 = arith.addf %add3A_461, %exp3A_459 : vector<16xf32>
      %div3A_463 = arith.constant 1.000000e+00 : f32
      %div3A_464 = vector.broadcast %div3A_463 : f32 to vector<16xf32>
      %div3A_465 = arith.divf %div3A_464, %add3A_462 : vector<16xf32>
      %convert_element_type3A_466 = arith.sitofp %get3A_457 : vector<16xi32> to vector<16xf32>
      %add3A_467 = arith.addf %add3A_445, %convert_element_type3A_466 : vector<16xf32>
      %mul3A_468 = arith.mulf %div3A_465, %convert_element_type3A_466 : vector<16xf32>
      %add3A_469 = arith.addf %add3A_447, %mul3A_468 : vector<16xf32>
      %add3A_470 = arith.addf %add3A_448, %div3A_465 : vector<16xf32>
      %get3A_471 = arith.index_cast %add3A_306 : i32 to index
      %get3A_472 = arith.constant 112 : index
      %get3A_473 = tpu.vector_load %arg5[%get3A_471, %get3A_472] {strides = array<i32>} : memref<128x128xf32, #tpu.memory_space<vmem>>, vector<16xf32>,
      %get3A_474 = arith.index_cast %add3A_306 : i32 to index
      %get3A_475 = arith.constant 112 : index
      %get3A_476 = tpu.vector_load %arg6[%get3A_474, %get3A_475] {strides = array<i32>} : memref<128x128xf32, #tpu.memory_space<vmem>>, vector<16xf32>,
      %get3A_477 = arith.index_cast %add3A_306 : i32 to index
      %get3A_478 = arith.constant 112 : index
      %get3A_479 = tpu.vector_load %arg7[%get3A_477, %get3A_478] {strides = array<i32>} : memref<128x128xi32, #tpu.memory_space<vmem>>, vector<16xi32>,
      %sub3A_480 = arith.subf %get3A_473, %get3A_476 : vector<16xf32>
      %exp3A_481 = math.exp %sub3A_480 : vector<16xf32>
      %add3A_482 = arith.constant 1.000000e+00 : f32
      %add3A_483 = vector.broadcast %add3A_482 : f32 to vector<16xf32>
      %add3A_484 = arith.addf %add3A_483, %exp3A_481 : vector<16xf32>
      %div3A_485 = arith.constant 1.000000e+00 : f32
      %div3A_486 = vector.broadcast %div3A_485 : f32 to vector<16xf32>
      %div3A_487 = arith.divf %div3A_486, %add3A_484 : vector<16xf32>
      %convert_element_type3A_488 = arith.sitofp %get3A_479 : vector<16xi32> to vector<16xf32>
      %add3A_489 = arith.addf %add3A_467, %convert_element_type3A_488 : vector<16xf32>
      %mul3A_490 = arith.mulf %div3A_487, %convert_element_type3A_488 : vector<16xf32>
      %add3A_491 = arith.addf %add3A_469, %mul3A_490 : vector<16xf32>
      %add3A_492 = arith.addf %add3A_470, %div3A_487 : vector<16xf32>
      %swap3A_493 = arith.constant 1 : i32
      %swap3A_494 = arith.index_cast %swap3A_493 : i32 to index
      %swap3A_495 = arith.constant 0 : index
      %swap3A_496 = tpu.vector_load %arg8[%swap3A_494, %swap3A_495] {strides = array<i32>} : memref<12x16xf32, #tpu.memory_space<vmem>>, vector<16xf32>,
      tpu.vector_store %arg8[%swap3A_494, %swap3A_495], %add3A_489 {add = true, strides = array<i32>} : memref<12x16xf32, #tpu.memory_space<vmem>>, vector<16xf32>,
      %swap3A_497 = arith.constant 5 : i32
      %swap3A_498 = arith.index_cast %swap3A_497 : i32 to index
      %swap3A_499 = arith.constant 0 : index
      %swap3A_500 = tpu.vector_load %arg8[%swap3A_498, %swap3A_499] {strides = array<i32>} : memref<12x16xf32, #tpu.memory_space<vmem>>, vector<16xf32>,
      tpu.vector_store %arg8[%swap3A_498, %swap3A_499], %add3A_491 {add = true, strides = array<i32>} : memref<12x16xf32, #tpu.memory_space<vmem>>, vector<16xf32>,
      %swap3A_501 = arith.constant 9 : i32
      %swap3A_502 = arith.index_cast %swap3A_501 : i32 to index
      %swap3A_503 = arith.constant 0 : index
      %swap3A_504 = tpu.vector_load %arg8[%swap3A_502, %swap3A_503] {strides = array<i32>} : memref<12x16xf32, #tpu.memory_space<vmem>>, vector<16xf32>,
      tpu.vector_store %arg8[%swap3A_502, %swap3A_503], %add3A_492 {add = true, strides = array<i32>} : memref<12x16xf32, #tpu.memory_space<vmem>>, vector<16xf32>,
    }
    %scan3A_138 = arith.constant 64 : i32
    %scan3A_139 = arith.constant 0 : i32
    %scan3A_140 = arith.constant 64 : i32
    %scan3A_141 = arith.addi %scan3A_139, %scan3A_140 : i32
    %scan3A_142 = arith.constant 1 : i32
    scf.for %scan3A_300 = %scan3A_139 to %scan3A_141 step %scan3A_142  : i32 {
      %mul3A_301 = arith.constant 1 : i32
      %mul3A_302 = arith.muli %scan3A_300, %mul3A_301 : i32
      %add3A_303 = arith.constant 0 : i32
      %add3A_304 = arith.addi %add3A_303, %mul3A_302 : i32
      %add3A_305 = arith.constant 64 : i32
      %add3A_306 = arith.addi %add3A_305, %add3A_304 : i32
      %get3A_307 = arith.index_cast %add3A_306 : i32 to index
      %get3A_308 = arith.constant 0 : index
      %get3A_309 = tpu.vector_load %arg5[%get3A_307, %get3A_308] {strides = array<i32>} : memref<128x128xf32, #tpu.memory_space<vmem>>, vector<16xf32>,
      %get3A_310 = arith.index_cast %add3A_306 : i32 to index
      %get3A_311 = arith.constant 0 : index
      %get3A_312 = tpu.vector_load %arg6[%get3A_310, %get3A_311] {strides = array<i32>} : memref<128x128xf32, #tpu.memory_space<vmem>>, vector<16xf32>,
      %get3A_313 = arith.index_cast %add3A_306 : i32 to index
      %get3A_314 = arith.constant 0 : index
      %get3A_315 = tpu.vector_load %arg7[%get3A_313, %get3A_314] {strides = array<i32>} : memref<128x128xi32, #tpu.memory_space<vmem>>, vector<16xi32>,
      %sub3A_316 = arith.subf %get3A_309, %get3A_312 : vector<16xf32>
      %exp3A = math.exp %sub3A_316 : vector<16xf32>
      %add3A_317 = arith.constant 1.000000e+00 : f32
      %add3A_318 = vector.broadcast %add3A_317 : f32 to vector<16xf32>
      %add3A_319 = arith.addf %add3A_318, %exp3A : vector<16xf32>
      %div3A_320 = arith.constant 1.000000e+00 : f32
      %div3A_321 = vector.broadcast %div3A_320 : f32 to vector<16xf32>
      %div3A_322 = arith.divf %div3A_321, %add3A_319 : vector<16xf32>
      %convert_element_type3A = arith.sitofp %get3A_315 : vector<16xi32> to vector<16xf32>
      %add3A_323 = arith.addf %broadcast_in_dim3A_1, %convert_element_type3A : vector<16xf32>
      %mul3A_324 = arith.mulf %div3A_322, %convert_element_type3A : vector<16xf32>
      %add3A_325 = arith.addf %broadcast_in_dim3A_1, %mul3A_324 : vector<16xf32>
      %add3A_326 = arith.addf %broadcast_in_dim3A_1, %div3A_322 : vector<16xf32>
      %get3A_327 = arith.index_cast %add3A_306 : i32 to index
      %get3A_328 = arith.constant 16 : index
      %get3A_329 = tpu.vector_load %arg5[%get3A_327, %get3A_328] {strides = array<i32>} : memref<128x128xf32, #tpu.memory_space<vmem>>, vector<16xf32>,
      %get3A_330 = arith.index_cast %add3A_306 : i32 to index
      %get3A_331 = arith.constant 16 : index
      %get3A_332 = tpu.vector_load %arg6[%get3A_330, %get3A_331] {strides = array<i32>} : memref<128x128xf32, #tpu.memory_space<vmem>>, vector<16xf32>,
      %get3A_333 = arith.index_cast %add3A_306 : i32 to index
      %get3A_334 = arith.constant 16 : index
      %get3A_335 = tpu.vector_load %arg7[%get3A_333, %get3A_334] {strides = array<i32>} : memref<128x128xi32, #tpu.memory_space<vmem>>, vector<16xi32>,
      %sub3A_336 = arith.subf %get3A_329, %get3A_332 : vector<16xf32>
      %exp3A_337 = math.exp %sub3A_336 : vector<16xf32>
      %add3A_338 = arith.constant 1.000000e+00 : f32
      %add3A_339 = vector.broadcast %add3A_338 : f32 to vector<16xf32>
      %add3A_340 = arith.addf %add3A_339, %exp3A_337 : vector<16xf32>
      %div3A_341 = arith.constant 1.000000e+00 : f32
      %div3A_342 = vector.broadcast %div3A_341 : f32 to vector<16xf32>
      %div3A_343 = arith.divf %div3A_342, %add3A_340 : vector<16xf32>
      %convert_element_type3A_344 = arith.sitofp %get3A_335 : vector<16xi32> to vector<16xf32>
      %add3A_345 = arith.addf %add3A_323, %convert_element_type3A_344 : vector<16xf32>
      %mul3A_346 = arith.mulf %div3A_343, %convert_element_type3A_344 : vector<16xf32>
      %add3A_347 = arith.addf %add3A_325, %mul3A_346 : vector<16xf32>
      %add3A_348 = arith.addf %add3A_326, %div3A_343 : vector<16xf32>
      %get3A_349 = arith.index_cast %add3A_306 : i32 to index
      %get3A_350 = arith.constant 32 : index
      %get3A_351 = tpu.vector_load %arg5[%get3A_349, %get3A_350] {strides = array<i32>} : memref<128x128xf32, #tpu.memory_space<vmem>>, vector<16xf32>,
      %get3A_352 = arith.index_cast %add3A_306 : i32 to index
      %get3A_353 = arith.constant 32 : index
      %get3A_354 = tpu.vector_load %arg6[%get3A_352, %get3A_353] {strides = array<i32>} : memref<128x128xf32, #tpu.memory_space<vmem>>, vector<16xf32>,
      %get3A_355 = arith.index_cast %add3A_306 : i32 to index
      %get3A_356 = arith.constant 32 : index
      %get3A_357 = tpu.vector_load %arg7[%get3A_355, %get3A_356] {strides = array<i32>} : memref<128x128xi32, #tpu.memory_space<vmem>>, vector<16xi32>,
      %sub3A_358 = arith.subf %get3A_351, %get3A_354 : vector<16xf32>
      %exp3A_359 = math.exp %sub3A_358 : vector<16xf32>
      %add3A_360 = arith.constant 1.000000e+00 : f32
      %add3A_361 = vector.broadcast %add3A_360 : f32 to vector<16xf32>
      %add3A_362 = arith.addf %add3A_361, %exp3A_359 : vector<16xf32>
      %div3A_363 = arith.constant 1.000000e+00 : f32
      %div3A_364 = vector.broadcast %div3A_363 : f32 to vector<16xf32>
      %div3A_365 = arith.divf %div3A_364, %add3A_362 : vector<16xf32>
      %convert_element_type3A_366 = arith.sitofp %get3A_357 : vector<16xi32> to vector<16xf32>
      %add3A_367 = arith.addf %add3A_345, %convert_element_type3A_366 : vector<16xf32>
      %mul3A_368 = arith.mulf %div3A_365, %convert_element_type3A_366 : vector<16xf32>
      %add3A_369 = arith.addf %add3A_347, %mul3A_368 : vector<16xf32>
      %add3A_370 = arith.addf %add3A_348, %div3A_365 : vector<16xf32>
      %get3A_371 = arith.index_cast %add3A_306 : i32 to index
      %get3A_372 = arith.constant 48 : index
      %get3A_373 = tpu.vector_load %arg5[%get3A_371, %get3A_372] {strides = array<i32>} : memref<128x128xf32, #tpu.memory_space<vmem>>, vector<16xf32>,
      %get3A_374 = arith.index_cast %add3A_306 : i32 to index
      %get3A_375 = arith.constant 48 : index
      %get3A_376 = tpu.vector_load %arg6[%get3A_374, %get3A_375] {strides = array<i32>} : memref<128x128xf32, #tpu.memory_space<vmem>>, vector<16xf32>,
      %get3A_377 = arith.index_cast %add3A_306 : i32 to index
      %get3A_378 = arith.constant 48 : index
      %get3A_379 = tpu.vector_load %arg7[%get3A_377, %get3A_378] {strides = array<i32>} : memref<128x128xi32, #tpu.memory_space<vmem>>, vector<16xi32>,
      %sub3A_380 = arith.subf %get3A_373, %get3A_376 : vector<16xf32>
      %exp3A_381 = math.exp %sub3A_380 : vector<16xf32>
      %add3A_382 = arith.constant 1.000000e+00 : f32
      %add3A_383 = vector.broadcast %add3A_382 : f32 to vector<16xf32>
      %add3A_384 = arith.addf %add3A_383, %exp3A_381 : vector<16xf32>
      %div3A_385 = arith.constant 1.000000e+00 : f32
      %div3A_386 = vector.broadcast %div3A_385 : f32 to vector<16xf32>
      %div3A_387 = arith.divf %div3A_386, %add3A_384 : vector<16xf32>
      %convert_element_type3A_388 = arith.sitofp %get3A_379 : vector<16xi32> to vector<16xf32>
      %add3A_389 = arith.addf %add3A_367, %convert_element_type3A_388 : vector<16xf32>
      %mul3A_390 = arith.mulf %div3A_387, %convert_element_type3A_388 : vector<16xf32>
      %add3A_391 = arith.addf %add3A_369, %mul3A_390 : vector<16xf32>
      %add3A_392 = arith.addf %add3A_370, %div3A_387 : vector<16xf32>
      %swap3A_393 = arith.constant 2 : i32
      %swap3A_394 = arith.index_cast %swap3A_393 : i32 to index
      %swap3A_395 = arith.constant 0 : index
      %swap3A_396 = tpu.vector_load %arg8[%swap3A_394, %swap3A_395] {strides = array<i32>} : memref<12x16xf32, #tpu.memory_space<vmem>>, vector<16xf32>,
      tpu.vector_store %arg8[%swap3A_394, %swap3A_395], %add3A_389 {add = true, strides = array<i32>} : memref<12x16xf32, #tpu.memory_space<vmem>>, vector<16xf32>,
      %swap3A_397 = arith.constant 6 : i32
      %swap3A_398 = arith.index_cast %swap3A_397 : i32 to index
      %swap3A_399 = arith.constant 0 : index
      %swap3A_400 = tpu.vector_load %arg8[%swap3A_398, %swap3A_399] {strides = array<i32>} : memref<12x16xf32, #tpu.memory_space<vmem>>, vector<16xf32>,
      tpu.vector_store %arg8[%swap3A_398, %swap3A_399], %add3A_391 {add = true, strides = array<i32>} : memref<12x16xf32, #tpu.memory_space<vmem>>, vector<16xf32>,
      %swap3A_401 = arith.constant 10 : i32
      %swap3A_402 = arith.index_cast %swap3A_401 : i32 to index
      %swap3A_403 = arith.constant 0 : index
      %swap3A_404 = tpu.vector_load %arg8[%swap3A_402, %swap3A_403] {strides = array<i32>} : memref<12x16xf32, #tpu.memory_space<vmem>>, vector<16xf32>,
      tpu.vector_store %arg8[%swap3A_402, %swap3A_403], %add3A_392 {add = true, strides = array<i32>} : memref<12x16xf32, #tpu.memory_space<vmem>>, vector<16xf32>,
      %get3A_405 = arith.index_cast %add3A_306 : i32 to index
      %get3A_406 = arith.constant 64 : index
      %get3A_407 = tpu.vector_load %arg5[%get3A_405, %get3A_406] {strides = array<i32>} : memref<128x128xf32, #tpu.memory_space<vmem>>, vector<16xf32>,
      %get3A_408 = arith.index_cast %add3A_306 : i32 to index
      %get3A_409 = arith.constant 64 : index
      %get3A_410 = tpu.vector_load %arg6[%get3A_408, %get3A_409] {strides = array<i32>} : memref<128x128xf32, #tpu.memory_space<vmem>>, vector<16xf32>,
      %get3A_411 = arith.index_cast %add3A_306 : i32 to index
      %get3A_412 = arith.constant 64 : index
      %get3A_413 = tpu.vector_load %arg7[%get3A_411, %get3A_412] {strides = array<i32>} : memref<128x128xi32, #tpu.memory_space<vmem>>, vector<16xi32>,
      %sub3A_414 = arith.subf %get3A_407, %get3A_410 : vector<16xf32>
      %exp3A_415 = math.exp %sub3A_414 : vector<16xf32>
      %add3A_416 = arith.constant 1.000000e+00 : f32
      %add3A_417 = vector.broadcast %add3A_416 : f32 to vector<16xf32>
      %add3A_418 = arith.addf %add3A_417, %exp3A_415 : vector<16xf32>
      %div3A_419 = arith.constant 1.000000e+00 : f32
      %div3A_420 = vector.broadcast %div3A_419 : f32 to vector<16xf32>
      %div3A_421 = arith.divf %div3A_420, %add3A_418 : vector<16xf32>
      %convert_element_type3A_422 = arith.sitofp %get3A_413 : vector<16xi32> to vector<16xf32>
      %add3A_423 = arith.addf %broadcast_in_dim3A_1, %convert_element_type3A_422 : vector<16xf32>
      %mul3A_424 = arith.mulf %div3A_421, %convert_element_type3A_422 : vector<16xf32>
      %add3A_425 = arith.addf %broadcast_in_dim3A_1, %mul3A_424 : vector<16xf32>
      %add3A_426 = arith.addf %broadcast_in_dim3A_1, %div3A_421 : vector<16xf32>
      %get3A_427 = arith.index_cast %add3A_306 : i32 to index
      %get3A_428 = arith.constant 80 : index
      %get3A_429 = tpu.vector_load %arg5[%get3A_427, %get3A_428] {strides = array<i32>} : memref<128x128xf32, #tpu.memory_space<vmem>>, vector<16xf32>,
      %get3A_430 = arith.index_cast %add3A_306 : i32 to index
      %get3A_431 = arith.constant 80 : index
      %get3A_432 = tpu.vector_load %arg6[%get3A_430, %get3A_431] {strides = array<i32>} : memref<128x128xf32, #tpu.memory_space<vmem>>, vector<16xf32>,
      %get3A_433 = arith.index_cast %add3A_306 : i32 to index
      %get3A_434 = arith.constant 80 : index
      %get3A_435 = tpu.vector_load %arg7[%get3A_433, %get3A_434] {strides = array<i32>} : memref<128x128xi32, #tpu.memory_space<vmem>>, vector<16xi32>,
      %sub3A_436 = arith.subf %get3A_429, %get3A_432 : vector<16xf32>
      %exp3A_437 = math.exp %sub3A_436 : vector<16xf32>
      %add3A_438 = arith.constant 1.000000e+00 : f32
      %add3A_439 = vector.broadcast %add3A_438 : f32 to vector<16xf32>
      %add3A_440 = arith.addf %add3A_439, %exp3A_437 : vector<16xf32>
      %div3A_441 = arith.constant 1.000000e+00 : f32
      %div3A_442 = vector.broadcast %div3A_441 : f32 to vector<16xf32>
      %div3A_443 = arith.divf %div3A_442, %add3A_440 : vector<16xf32>
      %convert_element_type3A_444 = arith.sitofp %get3A_435 : vector<16xi32> to vector<16xf32>
      %add3A_445 = arith.addf %add3A_423, %convert_element_type3A_444 : vector<16xf32>
      %mul3A_446 = arith.mulf %div3A_443, %convert_element_type3A_444 : vector<16xf32>
      %add3A_447 = arith.addf %add3A_425, %mul3A_446 : vector<16xf32>
      %add3A_448 = arith.addf %add3A_426, %div3A_443 : vector<16xf32>
      %get3A_449 = arith.index_cast %add3A_306 : i32 to index
      %get3A_450 = arith.constant 96 : index
      %get3A_451 = tpu.vector_load %arg5[%get3A_449, %get3A_450] {strides = array<i32>} : memref<128x128xf32, #tpu.memory_space<vmem>>, vector<16xf32>,
      %get3A_452 = arith.index_cast %add3A_306 : i32 to index
      %get3A_453 = arith.constant 96 : index
      %get3A_454 = tpu.vector_load %arg6[%get3A_452, %get3A_453] {strides = array<i32>} : memref<128x128xf32, #tpu.memory_space<vmem>>, vector<16xf32>,
      %get3A_455 = arith.index_cast %add3A_306 : i32 to index
      %get3A_456 = arith.constant 96 : index
      %get3A_457 = tpu.vector_load %arg7[%get3A_455, %get3A_456] {strides = array<i32>} : memref<128x128xi32, #tpu.memory_space<vmem>>, vector<16xi32>,
      %sub3A_458 = arith.subf %get3A_451, %get3A_454 : vector<16xf32>
      %exp3A_459 = math.exp %sub3A_458 : vector<16xf32>
      %add3A_460 = arith.constant 1.000000e+00 : f32
      %add3A_461 = vector.broadcast %add3A_460 : f32 to vector<16xf32>
      %add3A_462 = arith.addf %add3A_461, %exp3A_459 : vector<16xf32>
      %div3A_463 = arith.constant 1.000000e+00 : f32
      %div3A_464 = vector.broadcast %div3A_463 : f32 to vector<16xf32>
      %div3A_465 = arith.divf %div3A_464, %add3A_462 : vector<16xf32>
      %convert_element_type3A_466 = arith.sitofp %get3A_457 : vector<16xi32> to vector<16xf32>
      %add3A_467 = arith.addf %add3A_445, %convert_element_type3A_466 : vector<16xf32>
      %mul3A_468 = arith.mulf %div3A_465, %convert_element_type3A_466 : vector<16xf32>
      %add3A_469 = arith.addf %add3A_447, %mul3A_468 : vector<16xf32>
      %add3A_470 = arith.addf %add3A_448, %div3A_465 : vector<16xf32>
      %get3A_471 = arith.index_cast %add3A_306 : i32 to index
      %get3A_472 = arith.constant 112 : index
      %get3A_473 = tpu.vector_load %arg5[%get3A_471, %get3A_472] {strides = array<i32>} : memref<128x128xf32, #tpu.memory_space<vmem>>, vector<16xf32>,
      %get3A_474 = arith.index_cast %add3A_306 : i32 to index
      %get3A_475 = arith.constant 112 : index
      %get3A_476 = tpu.vector_load %arg6[%get3A_474, %get3A_475] {strides = array<i32>} : memref<128x128xf32, #tpu.memory_space<vmem>>, vector<16xf32>,
      %get3A_477 = arith.index_cast %add3A_306 : i32 to index
      %get3A_478 = arith.constant 112 : index
      %get3A_479 = tpu.vector_load %arg7[%get3A_477, %get3A_478] {strides = array<i32>} : memref<128x128xi32, #tpu.memory_space<vmem>>, vector<16xi32>,
      %sub3A_480 = arith.subf %get3A_473, %get3A_476 : vector<16xf32>
      %exp3A_481 = math.exp %sub3A_480 : vector<16xf32>
      %add3A_482 = arith.constant 1.000000e+00 : f32
      %add3A_483 = vector.broadcast %add3A_482 : f32 to vector<16xf32>
      %add3A_484 = arith.addf %add3A_483, %exp3A_481 : vector<16xf32>
      %div3A_485 = arith.constant 1.000000e+00 : f32
      %div3A_486 = vector.broadcast %div3A_485 : f32 to vector<16xf32>
      %div3A_487 = arith.divf %div3A_486, %add3A_484 : vector<16xf32>
      %convert_element_type3A_488 = arith.sitofp %get3A_479 : vector<16xi32> to vector<16xf32>
      %add3A_489 = arith.addf %add3A_467, %convert_element_type3A_488 : vector<16xf32>
      %mul3A_490 = arith.mulf %div3A_487, %convert_element_type3A_488 : vector<16xf32>
      %add3A_491 = arith.addf %add3A_469, %mul3A_490 : vector<16xf32>
      %add3A_492 = arith.addf %add3A_470, %div3A_487 : vector<16xf32>
      %swap3A_493 = arith.constant 3 : i32
      %swap3A_494 = arith.index_cast %swap3A_493 : i32 to index
      %swap3A_495 = arith.constant 0 : index
      %swap3A_496 = tpu.vector_load %arg8[%swap3A_494, %swap3A_495] {strides = array<i32>} : memref<12x16xf32, #tpu.memory_space<vmem>>, vector<16xf32>,
      tpu.vector_store %arg8[%swap3A_494, %swap3A_495], %add3A_489 {add = true, strides = array<i32>} : memref<12x16xf32, #tpu.memory_space<vmem>>, vector<16xf32>,
      %swap3A_497 = arith.constant 7 : i32
      %swap3A_498 = arith.index_cast %swap3A_497 : i32 to index
      %swap3A_499 = arith.constant 0 : index
      %swap3A_500 = tpu.vector_load %arg8[%swap3A_498, %swap3A_499] {strides = array<i32>} : memref<12x16xf32, #tpu.memory_space<vmem>>, vector<16xf32>,
      tpu.vector_store %arg8[%swap3A_498, %swap3A_499], %add3A_491 {add = true, strides = array<i32>} : memref<12x16xf32, #tpu.memory_space<vmem>>, vector<16xf32>,
      %swap3A_501 = arith.constant 11 : i32
      %swap3A_502 = arith.index_cast %swap3A_501 : i32 to index
      %swap3A_503 = arith.constant 0 : index
      %swap3A_504 = tpu.vector_load %arg8[%swap3A_502, %swap3A_503] {strides = array<i32>} : memref<12x16xf32, #tpu.memory_space<vmem>>, vector<16xf32>,
      tpu.vector_store %arg8[%swap3A_502, %swap3A_503], %add3A_492 {add = true, strides = array<i32>} : memref<12x16xf32, #tpu.memory_space<vmem>>, vector<16xf32>,
    }
    %scan3A_143 = arith.constant 64 : i32
    %iota3A = tpu.iota {dimensions = array<i32: 0>} : vector<16xi32>
    %get3A = arith.constant 0 : i32
    %get3A_144 = arith.index_cast %get3A : i32 to index
    %get3A_145 = arith.constant 0 : index
    %get3A_146 = tpu.vector_load %arg8[%get3A_144, %get3A_145] {strides = array<i32>} : memref<12x16xf32, #tpu.memory_space<vmem>>, vector<16xf32>,
    %reduce_sum3A = arith.constant true
    %reduce_sum3A_147 = vector.broadcast %reduce_sum3A : i1 to vector<16xi1>
    %reduce_sum3A_148 = tpu.scan <sum>, %get3A_146 masked %reduce_sum3A_147 : vector<16xf32>, vector<16xi1> -> vector<16xf32>
    %reduce_sum3A_149 = vector.extract %reduce_sum3A_148[15] : f32 from vector<16xf32>
    %eq3A_150 = arith.constant 0 : i32
    %eq3A_151 = vector.broadcast %eq3A_150 : i32 to vector<16xi32>
    %eq3A_152 = arith.cmpi eq, %iota3A, %eq3A_151 : vector<16xi32>
    %broadcast_in_dim3A_153 = vector.broadcast %reduce_sum3A_149 : f32 to vector<16xf32>
    %select_n3A_154 = arith.select %eq3A_152, %broadcast_in_dim3A_153, %broadcast_in_dim3A_1 : vector<16xi1>, vector<16xf32>
    %get3A_155 = arith.constant 1 : i32
    %get3A_156 = arith.index_cast %get3A_155 : i32 to index
    %get3A_157 = arith.constant 0 : index
    %get3A_158 = tpu.vector_load %arg8[%get3A_156, %get3A_157] {strides = array<i32>} : memref<12x16xf32, #tpu.memory_space<vmem>>, vector<16xf32>,
    %reduce_sum3A_159 = arith.constant true
    %reduce_sum3A_160 = vector.broadcast %reduce_sum3A_159 : i1 to vector<16xi1>
    %reduce_sum3A_161 = tpu.scan <sum>, %get3A_158 masked %reduce_sum3A_160 : vector<16xf32>, vector<16xi1> -> vector<16xf32>
    %reduce_sum3A_162 = vector.extract %reduce_sum3A_161[15] : f32 from vector<16xf32>
    %eq3A_163 = arith.constant 1 : i32
    %eq3A_164 = vector.broadcast %eq3A_163 : i32 to vector<16xi32>
    %eq3A_165 = arith.cmpi eq, %iota3A, %eq3A_164 : vector<16xi32>
    %broadcast_in_dim3A_166 = vector.broadcast %reduce_sum3A_162 : f32 to vector<16xf32>
    %select_n3A_167 = arith.select %eq3A_165, %broadcast_in_dim3A_166, %select_n3A_154 : vector<16xi1>, vector<16xf32>
    %get3A_168 = arith.constant 2 : i32
    %get3A_169 = arith.index_cast %get3A_168 : i32 to index
    %get3A_170 = arith.constant 0 : index
    %get3A_171 = tpu.vector_load %arg8[%get3A_169, %get3A_170] {strides = array<i32>} : memref<12x16xf32, #tpu.memory_space<vmem>>, vector<16xf32>,
    %reduce_sum3A_172 = arith.constant true
    %reduce_sum3A_173 = vector.broadcast %reduce_sum3A_172 : i1 to vector<16xi1>
    %reduce_sum3A_174 = tpu.scan <sum>, %get3A_171 masked %reduce_sum3A_173 : vector<16xf32>, vector<16xi1> -> vector<16xf32>
    %reduce_sum3A_175 = vector.extract %reduce_sum3A_174[15] : f32 from vector<16xf32>
    %eq3A_176 = arith.constant 2 : i32
    %eq3A_177 = vector.broadcast %eq3A_176 : i32 to vector<16xi32>
    %eq3A_178 = arith.cmpi eq, %iota3A, %eq3A_177 : vector<16xi32>
    %broadcast_in_dim3A_179 = vector.broadcast %reduce_sum3A_175 : f32 to vector<16xf32>
    %select_n3A_180 = arith.select %eq3A_178, %broadcast_in_dim3A_179, %select_n3A_167 : vector<16xi1>, vector<16xf32>
    %get3A_181 = arith.constant 3 : i32
    %get3A_182 = arith.index_cast %get3A_181 : i32 to index
    %get3A_183 = arith.constant 0 : index
    %get3A_184 = tpu.vector_load %arg8[%get3A_182, %get3A_183] {strides = array<i32>} : memref<12x16xf32, #tpu.memory_space<vmem>>, vector<16xf32>,
    %reduce_sum3A_185 = arith.constant true
    %reduce_sum3A_186 = vector.broadcast %reduce_sum3A_185 : i1 to vector<16xi1>
    %reduce_sum3A_187 = tpu.scan <sum>, %get3A_184 masked %reduce_sum3A_186 : vector<16xf32>, vector<16xi1> -> vector<16xf32>
    %reduce_sum3A_188 = vector.extract %reduce_sum3A_187[15] : f32 from vector<16xf32>
    %eq3A_189 = arith.constant 3 : i32
    %eq3A_190 = vector.broadcast %eq3A_189 : i32 to vector<16xi32>
    %eq3A_191 = arith.cmpi eq, %iota3A, %eq3A_190 : vector<16xi32>
    %broadcast_in_dim3A_192 = vector.broadcast %reduce_sum3A_188 : f32 to vector<16xf32>
    %select_n3A_193 = arith.select %eq3A_191, %broadcast_in_dim3A_192, %select_n3A_180 : vector<16xi1>, vector<16xf32>
    %get3A_194 = arith.constant 4 : i32
    %get3A_195 = arith.index_cast %get3A_194 : i32 to index
    %get3A_196 = arith.constant 0 : index
    %get3A_197 = tpu.vector_load %arg8[%get3A_195, %get3A_196] {strides = array<i32>} : memref<12x16xf32, #tpu.memory_space<vmem>>, vector<16xf32>,
    %reduce_sum3A_198 = arith.constant true
    %reduce_sum3A_199 = vector.broadcast %reduce_sum3A_198 : i1 to vector<16xi1>
    %reduce_sum3A_200 = tpu.scan <sum>, %get3A_197 masked %reduce_sum3A_199 : vector<16xf32>, vector<16xi1> -> vector<16xf32>
    %reduce_sum3A_201 = vector.extract %reduce_sum3A_200[15] : f32 from vector<16xf32>
    %eq3A_202 = arith.constant 4 : i32
    %eq3A_203 = vector.broadcast %eq3A_202 : i32 to vector<16xi32>
    %eq3A_204 = arith.cmpi eq, %iota3A, %eq3A_203 : vector<16xi32>
    %broadcast_in_dim3A_205 = vector.broadcast %reduce_sum3A_201 : f32 to vector<16xf32>
    %select_n3A_206 = arith.select %eq3A_204, %broadcast_in_dim3A_205, %select_n3A_193 : vector<16xi1>, vector<16xf32>
    %get3A_207 = arith.constant 5 : i32
    %get3A_208 = arith.index_cast %get3A_207 : i32 to index
    %get3A_209 = arith.constant 0 : index
    %get3A_210 = tpu.vector_load %arg8[%get3A_208, %get3A_209] {strides = array<i32>} : memref<12x16xf32, #tpu.memory_space<vmem>>, vector<16xf32>,
    %reduce_sum3A_211 = arith.constant true
    %reduce_sum3A_212 = vector.broadcast %reduce_sum3A_211 : i1 to vector<16xi1>
    %reduce_sum3A_213 = tpu.scan <sum>, %get3A_210 masked %reduce_sum3A_212 : vector<16xf32>, vector<16xi1> -> vector<16xf32>
    %reduce_sum3A_214 = vector.extract %reduce_sum3A_213[15] : f32 from vector<16xf32>
    %eq3A_215 = arith.constant 5 : i32
    %eq3A_216 = vector.broadcast %eq3A_215 : i32 to vector<16xi32>
    %eq3A_217 = arith.cmpi eq, %iota3A, %eq3A_216 : vector<16xi32>
    %broadcast_in_dim3A_218 = vector.broadcast %reduce_sum3A_214 : f32 to vector<16xf32>
    %select_n3A_219 = arith.select %eq3A_217, %broadcast_in_dim3A_218, %select_n3A_206 : vector<16xi1>, vector<16xf32>
    %get3A_220 = arith.constant 6 : i32
    %get3A_221 = arith.index_cast %get3A_220 : i32 to index
    %get3A_222 = arith.constant 0 : index
    %get3A_223 = tpu.vector_load %arg8[%get3A_221, %get3A_222] {strides = array<i32>} : memref<12x16xf32, #tpu.memory_space<vmem>>, vector<16xf32>,
    %reduce_sum3A_224 = arith.constant true
    %reduce_sum3A_225 = vector.broadcast %reduce_sum3A_224 : i1 to vector<16xi1>
    %reduce_sum3A_226 = tpu.scan <sum>, %get3A_223 masked %reduce_sum3A_225 : vector<16xf32>, vector<16xi1> -> vector<16xf32>
    %reduce_sum3A_227 = vector.extract %reduce_sum3A_226[15] : f32 from vector<16xf32>
    %eq3A_228 = arith.constant 6 : i32
    %eq3A_229 = vector.broadcast %eq3A_228 : i32 to vector<16xi32>
    %eq3A_230 = arith.cmpi eq, %iota3A, %eq3A_229 : vector<16xi32>
    %broadcast_in_dim3A_231 = vector.broadcast %reduce_sum3A_227 : f32 to vector<16xf32>
    %select_n3A_232 = arith.select %eq3A_230, %broadcast_in_dim3A_231, %select_n3A_219 : vector<16xi1>, vector<16xf32>
    %get3A_233 = arith.constant 7 : i32
    %get3A_234 = arith.index_cast %get3A_233 : i32 to index
    %get3A_235 = arith.constant 0 : index
    %get3A_236 = tpu.vector_load %arg8[%get3A_234, %get3A_235] {strides = array<i32>} : memref<12x16xf32, #tpu.memory_space<vmem>>, vector<16xf32>,
    %reduce_sum3A_237 = arith.constant true
    %reduce_sum3A_238 = vector.broadcast %reduce_sum3A_237 : i1 to vector<16xi1>
    %reduce_sum3A_239 = tpu.scan <sum>, %get3A_236 masked %reduce_sum3A_238 : vector<16xf32>, vector<16xi1> -> vector<16xf32>
    %reduce_sum3A_240 = vector.extract %reduce_sum3A_239[15] : f32 from vector<16xf32>
    %eq3A_241 = arith.constant 7 : i32
    %eq3A_242 = vector.broadcast %eq3A_241 : i32 to vector<16xi32>
    %eq3A_243 = arith.cmpi eq, %iota3A, %eq3A_242 : vector<16xi32>
    %broadcast_in_dim3A_244 = vector.broadcast %reduce_sum3A_240 : f32 to vector<16xf32>
    %select_n3A_245 = arith.select %eq3A_243, %broadcast_in_dim3A_244, %select_n3A_232 : vector<16xi1>, vector<16xf32>
    %get3A_246 = arith.constant 8 : i32
    %get3A_247 = arith.index_cast %get3A_246 : i32 to index
    %get3A_248 = arith.constant 0 : index
    %get3A_249 = tpu.vector_load %arg8[%get3A_247, %get3A_248] {strides = array<i32>} : memref<12x16xf32, #tpu.memory_space<vmem>>, vector<16xf32>,
    %reduce_sum3A_250 = arith.constant true
    %reduce_sum3A_251 = vector.broadcast %reduce_sum3A_250 : i1 to vector<16xi1>
    %reduce_sum3A_252 = tpu.scan <sum>, %get3A_249 masked %reduce_sum3A_251 : vector<16xf32>, vector<16xi1> -> vector<16xf32>
    %reduce_sum3A_253 = vector.extract %reduce_sum3A_252[15] : f32 from vector<16xf32>
    %eq3A_254 = arith.constant 8 : i32
    %eq3A_255 = vector.broadcast %eq3A_254 : i32 to vector<16xi32>
    %eq3A_256 = arith.cmpi eq, %iota3A, %eq3A_255 : vector<16xi32>
    %broadcast_in_dim3A_257 = vector.broadcast %reduce_sum3A_253 : f32 to vector<16xf32>
    %select_n3A_258 = arith.select %eq3A_256, %broadcast_in_dim3A_257, %select_n3A_245 : vector<16xi1>, vector<16xf32>
    %get3A_259 = arith.constant 9 : i32
    %get3A_260 = arith.index_cast %get3A_259 : i32 to index
    %get3A_261 = arith.constant 0 : index
    %get3A_262 = tpu.vector_load %arg8[%get3A_260, %get3A_261] {strides = array<i32>} : memref<12x16xf32, #tpu.memory_space<vmem>>, vector<16xf32>,
    %reduce_sum3A_263 = arith.constant true
    %reduce_sum3A_264 = vector.broadcast %reduce_sum3A_263 : i1 to vector<16xi1>
    %reduce_sum3A_265 = tpu.scan <sum>, %get3A_262 masked %reduce_sum3A_264 : vector<16xf32>, vector<16xi1> -> vector<16xf32>
    %reduce_sum3A_266 = vector.extract %reduce_sum3A_265[15] : f32 from vector<16xf32>
    %eq3A_267 = arith.constant 9 : i32
    %eq3A_268 = vector.broadcast %eq3A_267 : i32 to vector<16xi32>
    %eq3A_269 = arith.cmpi eq, %iota3A, %eq3A_268 : vector<16xi32>
    %broadcast_in_dim3A_270 = vector.broadcast %reduce_sum3A_266 : f32 to vector<16xf32>
    %select_n3A_271 = arith.select %eq3A_269, %broadcast_in_dim3A_270, %select_n3A_258 : vector<16xi1>, vector<16xf32>
    %get3A_272 = arith.constant 10 : i32
    %get3A_273 = arith.index_cast %get3A_272 : i32 to index
    %get3A_274 = arith.constant 0 : index
    %get3A_275 = tpu.vector_load %arg8[%get3A_273, %get3A_274] {strides = array<i32>} : memref<12x16xf32, #tpu.memory_space<vmem>>, vector<16xf32>,
    %reduce_sum3A_276 = arith.constant true
    %reduce_sum3A_277 = vector.broadcast %reduce_sum3A_276 : i1 to vector<16xi1>
    %reduce_sum3A_278 = tpu.scan <sum>, %get3A_275 masked %reduce_sum3A_277 : vector<16xf32>, vector<16xi1> -> vector<16xf32>
    %reduce_sum3A_279 = vector.extract %reduce_sum3A_278[15] : f32 from vector<16xf32>
    %eq3A_280 = arith.constant 10 : i32
    %eq3A_281 = vector.broadcast %eq3A_280 : i32 to vector<16xi32>
    %eq3A_282 = arith.cmpi eq, %iota3A, %eq3A_281 : vector<16xi32>
    %broadcast_in_dim3A_283 = vector.broadcast %reduce_sum3A_279 : f32 to vector<16xf32>
    %select_n3A_284 = arith.select %eq3A_282, %broadcast_in_dim3A_283, %select_n3A_271 : vector<16xi1>, vector<16xf32>
    %get3A_285 = arith.constant 11 : i32
    %get3A_286 = arith.index_cast %get3A_285 : i32 to index
    %get3A_287 = arith.constant 0 : index
    %get3A_288 = tpu.vector_load %arg8[%get3A_286, %get3A_287] {strides = array<i32>} : memref<12x16xf32, #tpu.memory_space<vmem>>, vector<16xf32>,
    %reduce_sum3A_289 = arith.constant true
    %reduce_sum3A_290 = vector.broadcast %reduce_sum3A_289 : i1 to vector<16xi1>
    %reduce_sum3A_291 = tpu.scan <sum>, %get3A_288 masked %reduce_sum3A_290 : vector<16xf32>, vector<16xi1> -> vector<16xf32>
    %reduce_sum3A_292 = vector.extract %reduce_sum3A_291[15] : f32 from vector<16xf32>
    %eq3A_293 = arith.constant 11 : i32
    %eq3A_294 = vector.broadcast %eq3A_293 : i32 to vector<16xi32>
    %eq3A_295 = arith.cmpi eq, %iota3A, %eq3A_294 : vector<16xi32>
    %broadcast_in_dim3A_296 = vector.broadcast %reduce_sum3A_292 : f32 to vector<16xf32>
    %select_n3A_297 = arith.select %eq3A_295, %broadcast_in_dim3A_296, %select_n3A_284 : vector<16xi1>, vector<16xf32>
    %swap3A_298 = arith.constant 0 : index
    %swap3A_299 = tpu.vector_load %arg9[%swap3A_298] {strides = array<i32>} : memref<16xf32, #tpu.memory_space<vmem>>, vector<16xf32>,
    tpu.vector_store %arg9[%swap3A_298], %select_n3A_297 {strides = array<i32>} : memref<16xf32, #tpu.memory_space<vmem>>, vector<16xf32>,
    "tpu.region"() ({
      %run_scoped3A = tpu.sem_alloc : memref<!tpu.dma_semaphore, #tpu.memory_space<semaphore_mem>>
      %dma_start3A_300 = arith.constant 0 : i32
      %dma_start3A_301 = tpu.memref_slice %arg4[%add3A, %dma_start3A_300] : memref<32x16xf32, #tpu.memory_space<hbm>> -> memref<1x16xf32, #tpu.memory_space<hbm>>
      %dma_start3A_302 = tpu.memref_squeeze %dma_start3A_301 : memref<1x16xf32, #tpu.memory_space<hbm>> -> memref<16xf32, #tpu.memory_space<hbm>>
      %dma_start3A_303 = arith.constant 0 : i32
      %dma_start3A_304 = tpu.memref_slice %arg4[%add3A, %dma_start3A_303] : memref<32x16xf32, #tpu.memory_space<hbm>> -> memref<1x16xf32, #tpu.memory_space<hbm>>
      %dma_start3A_305 = tpu.memref_squeeze %dma_start3A_304 : memref<1x16xf32, #tpu.memory_space<hbm>> -> memref<16xf32, #tpu.memory_space<hbm>>
      tpu.enqueue_dma source(%arg9 : memref<16xf32, #tpu.memory_space<vmem>>) target(%dma_start3A_305 : memref<16xf32, #tpu.memory_space<hbm>>) target_semaphore(%run_scoped3A : memref<!tpu.dma_semaphore, #tpu.memory_space<semaphore_mem>>)
      %dma_wait3A_306 = arith.constant 0 : i32
      %dma_wait3A_307 = tpu.memref_slice %arg4[%add3A, %dma_wait3A_306] : memref<32x16xf32, #tpu.memory_space<hbm>> -> memref<1x16xf32, #tpu.memory_space<hbm>>
      %dma_wait3A_308 = tpu.memref_squeeze %dma_wait3A_307 : memref<1x16xf32, #tpu.memory_space<hbm>> -> memref<16xf32, #tpu.memory_space<hbm>>
      %dma_wait3A_309 = arith.constant 0 : i32
      %dma_wait3A_310 = tpu.memref_slice %arg4[%add3A, %dma_wait3A_309] : memref<32x16xf32, #tpu.memory_space<hbm>> -> memref<1x16xf32, #tpu.memory_space<hbm>>
      %dma_wait3A_311 = tpu.memref_squeeze %dma_wait3A_310 : memref<1x16xf32, #tpu.memory_space<hbm>> -> memref<16xf32, #tpu.memory_space<hbm>>
      tpu.wait_dma2 semaphore(%run_scoped3A : memref<!tpu.dma_semaphore, #tpu.memory_space<semaphore_mem>>) src(%arg9 : memref<16xf32, #tpu.memory_space<vmem>>) dst(%dma_wait3A_311 : memref<16xf32, #tpu.memory_space<hbm>>)
      tpu.yield
    }) : () -> ()
    return
  }
}

module attributes {stable_mosaic.version = 14 : i64} {
  func.func @_tc_partials_kernel(%arg0: i32, %arg1: i32, %arg2: memref<1x1x16x128x128xf32, #tpu.memory_space<vmem>>, %arg3: memref<1x1x16x128x128xf32, #tpu.memory_space<vmem>>, %arg4: memref<1x16x128x128xi32, #tpu.memory_space<vmem>>, %arg5: memref<2x18xf32, #tpu.memory_space<smem>>, %arg6: memref<4x128x128xf32, #tpu.memory_space<vmem>>, %arg7: memref<4x128x128xf32, #tpu.memory_space<vmem>>, %arg8: memref<2x128x128xf32, #tpu.memory_space<vmem>>) attributes {dimension_semantics = [#tpu.dimension_semantics<arbitrary>, #tpu.dimension_semantics<arbitrary>], iteration_bounds = array<i64: 2, 7>, scalar_prefetch = 0 : i64, scratch_operands = 3 : i64, tpu.core_type = #tpu.core_type<tc>, window_params = [{transform_indices = @transform_0, window_bounds = array<i64: 1, 1, 16, 128, 128>}, {transform_indices = @transform_1, window_bounds = array<i64: 1, 1, 16, 128, 128>}, {transform_indices = @transform_2, window_bounds = array<i64: 1, 16, 128, 128>}, {transform_indices = @transform_3, window_bounds = array<i64: 2, 18>}]} {
    %eq3A = arith.constant 0 : i32
    %eq3A_0 = arith.cmpi eq, %arg0, %eq3A : i32
    %eq3A_1 = arith.constant 0 : i32
    %eq3A_2 = arith.cmpi eq, %arg1, %eq3A_1 : i32
    %and3A = arith.andi %eq3A_0, %eq3A_2 : i1
    %convert_element_type3A = arith.extui %and3A : i1 to i32
    %cond3A = arith.constant 0 : i32
    %cond3A_3 = arith.cmpi ne, %convert_element_type3A, %cond3A : i32
    scf.if %cond3A_3 {
      %broadcast_in_dim3A = arith.constant 0.000000e+00 : f32
      %broadcast_in_dim3A_83 = vector.broadcast %broadcast_in_dim3A : f32 to vector<4x128x128xf32>
      %swap3A_84 = arith.constant 0 : index
      %swap3A_85 = arith.constant 0 : index
      %swap3A_86 = arith.constant 0 : index
      %swap3A_87 = vector.load %arg6[%swap3A_84, %swap3A_85, %swap3A_86] : memref<4x128x128xf32, #tpu.memory_space<vmem>>, vector<4x128x128xf32>
      tpu.vector_store %arg6[%swap3A_84, %swap3A_85, %swap3A_86], %broadcast_in_dim3A_83 {strides = array<i32>} : memref<4x128x128xf32, #tpu.memory_space<vmem>>, vector<4x128x128xf32>,
      %broadcast_in_dim3A_88 = arith.constant 0.000000e+00 : f32
      %broadcast_in_dim3A_89 = vector.broadcast %broadcast_in_dim3A_88 : f32 to vector<4x128x128xf32>
      %swap3A_90 = arith.constant 0 : index
      %swap3A_91 = arith.constant 0 : index
      %swap3A_92 = arith.constant 0 : index
      %swap3A_93 = vector.load %arg7[%swap3A_90, %swap3A_91, %swap3A_92] : memref<4x128x128xf32, #tpu.memory_space<vmem>>, vector<4x128x128xf32>
      tpu.vector_store %arg7[%swap3A_90, %swap3A_91, %swap3A_92], %broadcast_in_dim3A_89 {strides = array<i32>} : memref<4x128x128xf32, #tpu.memory_space<vmem>>, vector<4x128x128xf32>,
      %broadcast_in_dim3A_94 = arith.constant 0.000000e+00 : f32
      %broadcast_in_dim3A_95 = vector.broadcast %broadcast_in_dim3A_94 : f32 to vector<2x128x128xf32>
      %swap3A_96 = arith.constant 0 : index
      %swap3A_97 = arith.constant 0 : index
      %swap3A_98 = arith.constant 0 : index
      %swap3A_99 = vector.load %arg8[%swap3A_96, %swap3A_97, %swap3A_98] : memref<2x128x128xf32, #tpu.memory_space<vmem>>, vector<2x128x128xf32>
      tpu.vector_store %arg8[%swap3A_96, %swap3A_97, %swap3A_98], %broadcast_in_dim3A_95 {strides = array<i32>} : memref<2x128x128xf32, #tpu.memory_space<vmem>>, vector<2x128x128xf32>,
    } else {
    }
    %get3A = arith.constant 0 : index
    %get3A_4 = arith.constant 0 : index
    %get3A_5 = arith.constant 0 : index
    %get3A_6 = arith.constant 0 : index
    %get3A_7 = arith.constant 0 : index
    %get3A_8 = vector.load %arg3[%get3A, %get3A_4, %get3A_5, %get3A_6, %get3A_7] : memref<1x1x16x128x128xf32, #tpu.memory_space<vmem>>, vector<1x1x16x128x128xf32>
    %get3A_9 = vector.shape_cast %get3A_8 : vector<1x1x16x128x128xf32> to vector<16x128x128xf32>
    %get3A_10 = arith.constant 0 : index
    %get3A_11 = arith.constant 0 : index
    %get3A_12 = arith.constant 0 : index
    %get3A_13 = arith.constant 0 : index
    %get3A_14 = arith.constant 0 : index
    %get3A_15 = vector.load %arg2[%get3A_10, %get3A_11, %get3A_12, %get3A_13, %get3A_14] : memref<1x1x16x128x128xf32, #tpu.memory_space<vmem>>, vector<1x1x16x128x128xf32>
    %get3A_16 = vector.shape_cast %get3A_15 : vector<1x1x16x128x128xf32> to vector<16x128x128xf32>
    %sub3A = arith.subf %get3A_9, %get3A_16 : vector<16x128x128xf32>
    %mul3A = arith.constant 5.000000e-01 : f32
    %mul3A_17 = vector.broadcast %mul3A : f32 to vector<16x128x128xf32>
    %mul3A_18 = arith.mulf %mul3A_17, %sub3A : vector<16x128x128xf32>
    %tanh3A = math.tanh %mul3A_18 : vector<16x128x128xf32>
    %get3A_19 = arith.constant 0 : index
    %get3A_20 = arith.constant 0 : index
    %get3A_21 = arith.constant 0 : index
    %get3A_22 = arith.constant 0 : index
    %get3A_23 = vector.load %arg4[%get3A_19, %get3A_20, %get3A_21, %get3A_22] : memref<1x16x128x128xi32, #tpu.memory_space<vmem>>, vector<1x16x128x128xi32>
    %get3A_24 = vector.shape_cast %get3A_23 : vector<1x16x128x128xi32> to vector<16x128x128xi32>
    %eq3A_25 = arith.constant 1 : i32
    %eq3A_26 = vector.broadcast %eq3A_25 : i32 to vector<16x128x128xi32>
    %eq3A_27 = arith.cmpi eq, %get3A_24, %eq3A_26 : vector<16x128x128xi32>
    %convert_element_type3A_28 = arith.extui %eq3A_27 : vector<16x128x128xi1> to vector<16x128x128xi32>
    %convert_element_type3A_29 = arith.sitofp %convert_element_type3A_28 : vector<16x128x128xi32> to vector<16x128x128xf32>
    %mul3A_30 = arith.mulf %tanh3A, %convert_element_type3A_29 : vector<16x128x128xf32>
    %reduce_sum3A = arith.constant dense<0.000000e+00> : vector<128x128xf32>
    %reduce_sum3A_31 = vector.multi_reduction <add>, %mul3A_30, %reduce_sum3A [0] : vector<16x128x128xf32> to vector<128x128xf32>
    %reduce_sum3A_32 = arith.constant dense<0.000000e+00> : vector<128x128xf32>
    %reduce_sum3A_33 = vector.multi_reduction <add>, %convert_element_type3A_29, %reduce_sum3A_32 [0] : vector<16x128x128xf32> to vector<128x128xf32>
    %reduce_sum3A_34 = arith.constant dense<0.000000e+00> : vector<128x128xf32>
    %reduce_sum3A_35 = vector.multi_reduction <add>, %tanh3A, %reduce_sum3A_34 [0] : vector<16x128x128xf32> to vector<128x128xf32>
    %ge3A = arith.constant 4 : i32
    %ge3A_36 = arith.cmpi sge, %arg1, %ge3A : i32
    %convert_element_type3A_37 = arith.extui %ge3A_36 : i1 to i32
    %mul3A_38 = arith.constant 2 : i32
    %mul3A_39 = arith.muli %mul3A_38, %arg0 : i32
    %add3A = arith.addi %mul3A_39, %convert_element_type3A_37 : i32
    %get3A_40 = arith.index_cast %add3A : i32 to index
    %get3A_41 = arith.constant 0 : index
    %get3A_42 = arith.constant 0 : index
    %get3A_43 = vector.load %arg6[%get3A_40, %get3A_41, %get3A_42] : memref<4x128x128xf32, #tpu.memory_space<vmem>>, vector<1x128x128xf32>
    %get3A_44 = vector.shape_cast %get3A_43 : vector<1x128x128xf32> to vector<128x128xf32>
    %add3A_45 = arith.addf %get3A_44, %reduce_sum3A_31 : vector<128x128xf32>
    %swap3A = arith.index_cast %add3A : i32 to index
    %swap3A_46 = arith.constant 0 : index
    %swap3A_47 = arith.constant 0 : index
    %swap3A_48 = vector.load %arg6[%swap3A, %swap3A_46, %swap3A_47] : memref<4x128x128xf32, #tpu.memory_space<vmem>>, vector<1x128x128xf32>
    %swap3A_49 = vector.shape_cast %swap3A_48 : vector<1x128x128xf32> to vector<128x128xf32>
    %swap3A_50 = vector.shape_cast %add3A_45 : vector<128x128xf32> to vector<1x128x128xf32>
    tpu.vector_store %arg6[%swap3A, %swap3A_46, %swap3A_47], %swap3A_50 {strides = array<i32>} : memref<4x128x128xf32, #tpu.memory_space<vmem>>, vector<1x128x128xf32>,
    %get3A_51 = arith.index_cast %add3A : i32 to index
    %get3A_52 = arith.constant 0 : index
    %get3A_53 = arith.constant 0 : index
    %get3A_54 = vector.load %arg7[%get3A_51, %get3A_52, %get3A_53] : memref<4x128x128xf32, #tpu.memory_space<vmem>>, vector<1x128x128xf32>
    %get3A_55 = vector.shape_cast %get3A_54 : vector<1x128x128xf32> to vector<128x128xf32>
    %add3A_56 = arith.addf %get3A_55, %reduce_sum3A_33 : vector<128x128xf32>
    %swap3A_57 = arith.index_cast %add3A : i32 to index
    %swap3A_58 = arith.constant 0 : index
    %swap3A_59 = arith.constant 0 : index
    %swap3A_60 = vector.load %arg7[%swap3A_57, %swap3A_58, %swap3A_59] : memref<4x128x128xf32, #tpu.memory_space<vmem>>, vector<1x128x128xf32>
    %swap3A_61 = vector.shape_cast %swap3A_60 : vector<1x128x128xf32> to vector<128x128xf32>
    %swap3A_62 = vector.shape_cast %add3A_56 : vector<128x128xf32> to vector<1x128x128xf32>
    tpu.vector_store %arg7[%swap3A_57, %swap3A_58, %swap3A_59], %swap3A_62 {strides = array<i32>} : memref<4x128x128xf32, #tpu.memory_space<vmem>>, vector<1x128x128xf32>,
    %get3A_63 = arith.index_cast %arg0 : i32 to index
    %get3A_64 = arith.constant 0 : index
    %get3A_65 = arith.constant 0 : index
    %get3A_66 = vector.load %arg8[%get3A_63, %get3A_64, %get3A_65] : memref<2x128x128xf32, #tpu.memory_space<vmem>>, vector<1x128x128xf32>
    %get3A_67 = vector.shape_cast %get3A_66 : vector<1x128x128xf32> to vector<128x128xf32>
    %add3A_68 = arith.addf %get3A_67, %reduce_sum3A_35 : vector<128x128xf32>
    %swap3A_69 = arith.index_cast %arg0 : i32 to index
    %swap3A_70 = arith.constant 0 : index
    %swap3A_71 = arith.constant 0 : index
    %swap3A_72 = vector.load %arg8[%swap3A_69, %swap3A_70, %swap3A_71] : memref<2x128x128xf32, #tpu.memory_space<vmem>>, vector<1x128x128xf32>
    %swap3A_73 = vector.shape_cast %swap3A_72 : vector<1x128x128xf32> to vector<128x128xf32>
    %swap3A_74 = vector.shape_cast %add3A_68 : vector<128x128xf32> to vector<1x128x128xf32>
    tpu.vector_store %arg8[%swap3A_69, %swap3A_70, %swap3A_71], %swap3A_74 {strides = array<i32>} : memref<2x128x128xf32, #tpu.memory_space<vmem>>, vector<1x128x128xf32>,
    %eq3A_75 = arith.constant 1 : i32
    %eq3A_76 = arith.cmpi eq, %arg0, %eq3A_75 : i32
    %eq3A_77 = arith.constant 6 : i32
    %eq3A_78 = arith.cmpi eq, %arg1, %eq3A_77 : i32
    %and3A_79 = arith.andi %eq3A_76, %eq3A_78 : i1
    %convert_element_type3A_80 = arith.extui %and3A_79 : i1 to i32
    %cond3A_81 = arith.constant 0 : i32
    %cond3A_82 = arith.cmpi ne, %convert_element_type3A_80, %cond3A_81 : i32
    scf.if %cond3A_82 {
      %get3A_83 = arith.constant 0 : index
      %get3A_84 = arith.constant 0 : index
      %get3A_85 = arith.constant 0 : index
      %get3A_86 = vector.load %arg6[%get3A_83, %get3A_84, %get3A_85] : memref<4x128x128xf32, #tpu.memory_space<vmem>>, vector<1x128x128xf32>
      %get3A_87 = vector.shape_cast %get3A_86 : vector<1x128x128xf32> to vector<128x128xf32>
      %get3A_88 = arith.constant 0 : index
      %get3A_89 = arith.constant 0 : index
      %get3A_90 = arith.constant 0 : index
      %get3A_91 = vector.load %arg7[%get3A_88, %get3A_89, %get3A_90] : memref<4x128x128xf32, #tpu.memory_space<vmem>>, vector<1x128x128xf32>
      %get3A_92 = vector.shape_cast %get3A_91 : vector<1x128x128xf32> to vector<128x128xf32>
      %slice3A = vector.extract_strided_slice %get3A_92 {offsets = [0, 0], sizes = [64, 64], strides = [1, 1]} : vector<128x128xf32> to vector<64x64xf32>
      %reduce_sum3A_93 = vector.shape_cast %slice3A : vector<64x64xf32> to vector<1x64x64xf32>
      %reduce_sum3A_94 = arith.constant dense<0.000000e+00> : vector<1xf32>
      %reduce_sum3A_95 = vector.multi_reduction <add>, %reduce_sum3A_93, %reduce_sum3A_94 [1, 2] : vector<1x64x64xf32> to vector<1xf32>
      %reduce_sum3A_96 = vector.shape_cast %reduce_sum3A_95 : vector<1xf32> to vector<1x1x1xf32>
      %reduce_sum3A_97 = vector.extract %reduce_sum3A_96[0, 0, 0] : f32 from vector<1x1x1xf32>
      %swap3A_98 = arith.constant 0 : index
      %swap3A_99 = arith.constant 0 : index
      %swap3A_100 = memref.load %arg5[%swap3A_98, %swap3A_99] : memref<2x18xf32, #tpu.memory_space<smem>>
      memref.store %reduce_sum3A_97, %arg5[%swap3A_98, %swap3A_99] : memref<2x18xf32, #tpu.memory_space<smem>>
      %slice3A_101 = vector.extract_strided_slice %get3A_87 {offsets = [0, 0], sizes = [64, 64], strides = [1, 1]} : vector<128x128xf32> to vector<64x64xf32>
      %reduce_sum3A_102 = vector.shape_cast %slice3A_101 : vector<64x64xf32> to vector<1x64x64xf32>
      %reduce_sum3A_103 = arith.constant dense<0.000000e+00> : vector<1xf32>
      %reduce_sum3A_104 = vector.multi_reduction <add>, %reduce_sum3A_102, %reduce_sum3A_103 [1, 2] : vector<1x64x64xf32> to vector<1xf32>
      %reduce_sum3A_105 = vector.shape_cast %reduce_sum3A_104 : vector<1xf32> to vector<1x1x1xf32>
      %reduce_sum3A_106 = vector.extract %reduce_sum3A_105[0, 0, 0] : f32 from vector<1x1x1xf32>
      %swap3A_107 = arith.constant 0 : index
      %swap3A_108 = arith.constant 8 : index
      %swap3A_109 = memref.load %arg5[%swap3A_107, %swap3A_108] : memref<2x18xf32, #tpu.memory_space<smem>>
      memref.store %reduce_sum3A_106, %arg5[%swap3A_107, %swap3A_108] : memref<2x18xf32, #tpu.memory_space<smem>>
      %slice3A_110 = vector.extract_strided_slice %get3A_92 {offsets = [0, 64], sizes = [64, 64], strides = [1, 1]} : vector<128x128xf32> to vector<64x64xf32>
      %reduce_sum3A_111 = vector.shape_cast %slice3A_110 : vector<64x64xf32> to vector<1x64x64xf32>
      %reduce_sum3A_112 = arith.constant dense<0.000000e+00> : vector<1xf32>
      %reduce_sum3A_113 = vector.multi_reduction <add>, %reduce_sum3A_111, %reduce_sum3A_112 [1, 2] : vector<1x64x64xf32> to vector<1xf32>
      %reduce_sum3A_114 = vector.shape_cast %reduce_sum3A_113 : vector<1xf32> to vector<1x1x1xf32>
      %reduce_sum3A_115 = vector.extract %reduce_sum3A_114[0, 0, 0] : f32 from vector<1x1x1xf32>
      %swap3A_116 = arith.constant 0 : index
      %swap3A_117 = arith.constant 1 : index
      %swap3A_118 = memref.load %arg5[%swap3A_116, %swap3A_117] : memref<2x18xf32, #tpu.memory_space<smem>>
      memref.store %reduce_sum3A_115, %arg5[%swap3A_116, %swap3A_117] : memref<2x18xf32, #tpu.memory_space<smem>>
      %slice3A_119 = vector.extract_strided_slice %get3A_87 {offsets = [0, 64], sizes = [64, 64], strides = [1, 1]} : vector<128x128xf32> to vector<64x64xf32>
      %reduce_sum3A_120 = vector.shape_cast %slice3A_119 : vector<64x64xf32> to vector<1x64x64xf32>
      %reduce_sum3A_121 = arith.constant dense<0.000000e+00> : vector<1xf32>
      %reduce_sum3A_122 = vector.multi_reduction <add>, %reduce_sum3A_120, %reduce_sum3A_121 [1, 2] : vector<1x64x64xf32> to vector<1xf32>
      %reduce_sum3A_123 = vector.shape_cast %reduce_sum3A_122 : vector<1xf32> to vector<1x1x1xf32>
      %reduce_sum3A_124 = vector.extract %reduce_sum3A_123[0, 0, 0] : f32 from vector<1x1x1xf32>
      %swap3A_125 = arith.constant 0 : index
      %swap3A_126 = arith.constant 9 : index
      %swap3A_127 = memref.load %arg5[%swap3A_125, %swap3A_126] : memref<2x18xf32, #tpu.memory_space<smem>>
      memref.store %reduce_sum3A_124, %arg5[%swap3A_125, %swap3A_126] : memref<2x18xf32, #tpu.memory_space<smem>>
      %slice3A_128 = vector.extract_strided_slice %get3A_92 {offsets = [64, 0], sizes = [64, 64], strides = [1, 1]} : vector<128x128xf32> to vector<64x64xf32>
      %reduce_sum3A_129 = vector.shape_cast %slice3A_128 : vector<64x64xf32> to vector<1x64x64xf32>
      %reduce_sum3A_130 = arith.constant dense<0.000000e+00> : vector<1xf32>
      %reduce_sum3A_131 = vector.multi_reduction <add>, %reduce_sum3A_129, %reduce_sum3A_130 [1, 2] : vector<1x64x64xf32> to vector<1xf32>
      %reduce_sum3A_132 = vector.shape_cast %reduce_sum3A_131 : vector<1xf32> to vector<1x1x1xf32>
      %reduce_sum3A_133 = vector.extract %reduce_sum3A_132[0, 0, 0] : f32 from vector<1x1x1xf32>
      %swap3A_134 = arith.constant 0 : index
      %swap3A_135 = arith.constant 2 : index
      %swap3A_136 = memref.load %arg5[%swap3A_134, %swap3A_135] : memref<2x18xf32, #tpu.memory_space<smem>>
      memref.store %reduce_sum3A_133, %arg5[%swap3A_134, %swap3A_135] : memref<2x18xf32, #tpu.memory_space<smem>>
      %slice3A_137 = vector.extract_strided_slice %get3A_87 {offsets = [64, 0], sizes = [64, 64], strides = [1, 1]} : vector<128x128xf32> to vector<64x64xf32>
      %reduce_sum3A_138 = vector.shape_cast %slice3A_137 : vector<64x64xf32> to vector<1x64x64xf32>
      %reduce_sum3A_139 = arith.constant dense<0.000000e+00> : vector<1xf32>
      %reduce_sum3A_140 = vector.multi_reduction <add>, %reduce_sum3A_138, %reduce_sum3A_139 [1, 2] : vector<1x64x64xf32> to vector<1xf32>
      %reduce_sum3A_141 = vector.shape_cast %reduce_sum3A_140 : vector<1xf32> to vector<1x1x1xf32>
      %reduce_sum3A_142 = vector.extract %reduce_sum3A_141[0, 0, 0] : f32 from vector<1x1x1xf32>
      %swap3A_143 = arith.constant 0 : index
      %swap3A_144 = arith.constant 10 : index
      %swap3A_145 = memref.load %arg5[%swap3A_143, %swap3A_144] : memref<2x18xf32, #tpu.memory_space<smem>>
      memref.store %reduce_sum3A_142, %arg5[%swap3A_143, %swap3A_144] : memref<2x18xf32, #tpu.memory_space<smem>>
      %slice3A_146 = vector.extract_strided_slice %get3A_92 {offsets = [64, 64], sizes = [64, 64], strides = [1, 1]} : vector<128x128xf32> to vector<64x64xf32>
      %reduce_sum3A_147 = vector.shape_cast %slice3A_146 : vector<64x64xf32> to vector<1x64x64xf32>
      %reduce_sum3A_148 = arith.constant dense<0.000000e+00> : vector<1xf32>
      %reduce_sum3A_149 = vector.multi_reduction <add>, %reduce_sum3A_147, %reduce_sum3A_148 [1, 2] : vector<1x64x64xf32> to vector<1xf32>
      %reduce_sum3A_150 = vector.shape_cast %reduce_sum3A_149 : vector<1xf32> to vector<1x1x1xf32>
      %reduce_sum3A_151 = vector.extract %reduce_sum3A_150[0, 0, 0] : f32 from vector<1x1x1xf32>
      %swap3A_152 = arith.constant 0 : index
      %swap3A_153 = arith.constant 3 : index
      %swap3A_154 = memref.load %arg5[%swap3A_152, %swap3A_153] : memref<2x18xf32, #tpu.memory_space<smem>>
      memref.store %reduce_sum3A_151, %arg5[%swap3A_152, %swap3A_153] : memref<2x18xf32, #tpu.memory_space<smem>>
      %slice3A_155 = vector.extract_strided_slice %get3A_87 {offsets = [64, 64], sizes = [64, 64], strides = [1, 1]} : vector<128x128xf32> to vector<64x64xf32>
      %reduce_sum3A_156 = vector.shape_cast %slice3A_155 : vector<64x64xf32> to vector<1x64x64xf32>
      %reduce_sum3A_157 = arith.constant dense<0.000000e+00> : vector<1xf32>
      %reduce_sum3A_158 = vector.multi_reduction <add>, %reduce_sum3A_156, %reduce_sum3A_157 [1, 2] : vector<1x64x64xf32> to vector<1xf32>
      %reduce_sum3A_159 = vector.shape_cast %reduce_sum3A_158 : vector<1xf32> to vector<1x1x1xf32>
      %reduce_sum3A_160 = vector.extract %reduce_sum3A_159[0, 0, 0] : f32 from vector<1x1x1xf32>
      %swap3A_161 = arith.constant 0 : index
      %swap3A_162 = arith.constant 11 : index
      %swap3A_163 = memref.load %arg5[%swap3A_161, %swap3A_162] : memref<2x18xf32, #tpu.memory_space<smem>>
      memref.store %reduce_sum3A_160, %arg5[%swap3A_161, %swap3A_162] : memref<2x18xf32, #tpu.memory_space<smem>>
      %get3A_164 = arith.constant 1 : index
      %get3A_165 = arith.constant 0 : index
      %get3A_166 = arith.constant 0 : index
      %get3A_167 = vector.load %arg6[%get3A_164, %get3A_165, %get3A_166] : memref<4x128x128xf32, #tpu.memory_space<vmem>>, vector<1x128x128xf32>
      %get3A_168 = vector.shape_cast %get3A_167 : vector<1x128x128xf32> to vector<128x128xf32>
      %get3A_169 = arith.constant 1 : index
      %get3A_170 = arith.constant 0 : index
      %get3A_171 = arith.constant 0 : index
      %get3A_172 = vector.load %arg7[%get3A_169, %get3A_170, %get3A_171] : memref<4x128x128xf32, #tpu.memory_space<vmem>>, vector<1x128x128xf32>
      %get3A_173 = vector.shape_cast %get3A_172 : vector<1x128x128xf32> to vector<128x128xf32>
      %slice3A_174 = vector.extract_strided_slice %get3A_173 {offsets = [0, 0], sizes = [64, 64], strides = [1, 1]} : vector<128x128xf32> to vector<64x64xf32>
      %reduce_sum3A_175 = vector.shape_cast %slice3A_174 : vector<64x64xf32> to vector<1x64x64xf32>
      %reduce_sum3A_176 = arith.constant dense<0.000000e+00> : vector<1xf32>
      %reduce_sum3A_177 = vector.multi_reduction <add>, %reduce_sum3A_175, %reduce_sum3A_176 [1, 2] : vector<1x64x64xf32> to vector<1xf32>
      %reduce_sum3A_178 = vector.shape_cast %reduce_sum3A_177 : vector<1xf32> to vector<1x1x1xf32>
      %reduce_sum3A_179 = vector.extract %reduce_sum3A_178[0, 0, 0] : f32 from vector<1x1x1xf32>
      %swap3A_180 = arith.constant 0 : index
      %swap3A_181 = arith.constant 4 : index
      %swap3A_182 = memref.load %arg5[%swap3A_180, %swap3A_181] : memref<2x18xf32, #tpu.memory_space<smem>>
      memref.store %reduce_sum3A_179, %arg5[%swap3A_180, %swap3A_181] : memref<2x18xf32, #tpu.memory_space<smem>>
      %slice3A_183 = vector.extract_strided_slice %get3A_168 {offsets = [0, 0], sizes = [64, 64], strides = [1, 1]} : vector<128x128xf32> to vector<64x64xf32>
      %reduce_sum3A_184 = vector.shape_cast %slice3A_183 : vector<64x64xf32> to vector<1x64x64xf32>
      %reduce_sum3A_185 = arith.constant dense<0.000000e+00> : vector<1xf32>
      %reduce_sum3A_186 = vector.multi_reduction <add>, %reduce_sum3A_184, %reduce_sum3A_185 [1, 2] : vector<1x64x64xf32> to vector<1xf32>
      %reduce_sum3A_187 = vector.shape_cast %reduce_sum3A_186 : vector<1xf32> to vector<1x1x1xf32>
      %reduce_sum3A_188 = vector.extract %reduce_sum3A_187[0, 0, 0] : f32 from vector<1x1x1xf32>
      %swap3A_189 = arith.constant 0 : index
      %swap3A_190 = arith.constant 12 : index
      %swap3A_191 = memref.load %arg5[%swap3A_189, %swap3A_190] : memref<2x18xf32, #tpu.memory_space<smem>>
      memref.store %reduce_sum3A_188, %arg5[%swap3A_189, %swap3A_190] : memref<2x18xf32, #tpu.memory_space<smem>>
      %slice3A_192 = vector.extract_strided_slice %get3A_173 {offsets = [0, 64], sizes = [64, 64], strides = [1, 1]} : vector<128x128xf32> to vector<64x64xf32>
      %reduce_sum3A_193 = vector.shape_cast %slice3A_192 : vector<64x64xf32> to vector<1x64x64xf32>
      %reduce_sum3A_194 = arith.constant dense<0.000000e+00> : vector<1xf32>
      %reduce_sum3A_195 = vector.multi_reduction <add>, %reduce_sum3A_193, %reduce_sum3A_194 [1, 2] : vector<1x64x64xf32> to vector<1xf32>
      %reduce_sum3A_196 = vector.shape_cast %reduce_sum3A_195 : vector<1xf32> to vector<1x1x1xf32>
      %reduce_sum3A_197 = vector.extract %reduce_sum3A_196[0, 0, 0] : f32 from vector<1x1x1xf32>
      %swap3A_198 = arith.constant 0 : index
      %swap3A_199 = arith.constant 5 : index
      %swap3A_200 = memref.load %arg5[%swap3A_198, %swap3A_199] : memref<2x18xf32, #tpu.memory_space<smem>>
      memref.store %reduce_sum3A_197, %arg5[%swap3A_198, %swap3A_199] : memref<2x18xf32, #tpu.memory_space<smem>>
      %slice3A_201 = vector.extract_strided_slice %get3A_168 {offsets = [0, 64], sizes = [64, 64], strides = [1, 1]} : vector<128x128xf32> to vector<64x64xf32>
      %reduce_sum3A_202 = vector.shape_cast %slice3A_201 : vector<64x64xf32> to vector<1x64x64xf32>
      %reduce_sum3A_203 = arith.constant dense<0.000000e+00> : vector<1xf32>
      %reduce_sum3A_204 = vector.multi_reduction <add>, %reduce_sum3A_202, %reduce_sum3A_203 [1, 2] : vector<1x64x64xf32> to vector<1xf32>
      %reduce_sum3A_205 = vector.shape_cast %reduce_sum3A_204 : vector<1xf32> to vector<1x1x1xf32>
      %reduce_sum3A_206 = vector.extract %reduce_sum3A_205[0, 0, 0] : f32 from vector<1x1x1xf32>
      %swap3A_207 = arith.constant 0 : index
      %swap3A_208 = arith.constant 13 : index
      %swap3A_209 = memref.load %arg5[%swap3A_207, %swap3A_208] : memref<2x18xf32, #tpu.memory_space<smem>>
      memref.store %reduce_sum3A_206, %arg5[%swap3A_207, %swap3A_208] : memref<2x18xf32, #tpu.memory_space<smem>>
      %slice3A_210 = vector.extract_strided_slice %get3A_173 {offsets = [64, 0], sizes = [64, 64], strides = [1, 1]} : vector<128x128xf32> to vector<64x64xf32>
      %reduce_sum3A_211 = vector.shape_cast %slice3A_210 : vector<64x64xf32> to vector<1x64x64xf32>
      %reduce_sum3A_212 = arith.constant dense<0.000000e+00> : vector<1xf32>
      %reduce_sum3A_213 = vector.multi_reduction <add>, %reduce_sum3A_211, %reduce_sum3A_212 [1, 2] : vector<1x64x64xf32> to vector<1xf32>
      %reduce_sum3A_214 = vector.shape_cast %reduce_sum3A_213 : vector<1xf32> to vector<1x1x1xf32>
      %reduce_sum3A_215 = vector.extract %reduce_sum3A_214[0, 0, 0] : f32 from vector<1x1x1xf32>
      %swap3A_216 = arith.constant 0 : index
      %swap3A_217 = arith.constant 6 : index
      %swap3A_218 = memref.load %arg5[%swap3A_216, %swap3A_217] : memref<2x18xf32, #tpu.memory_space<smem>>
      memref.store %reduce_sum3A_215, %arg5[%swap3A_216, %swap3A_217] : memref<2x18xf32, #tpu.memory_space<smem>>
      %slice3A_219 = vector.extract_strided_slice %get3A_168 {offsets = [64, 0], sizes = [64, 64], strides = [1, 1]} : vector<128x128xf32> to vector<64x64xf32>
      %reduce_sum3A_220 = vector.shape_cast %slice3A_219 : vector<64x64xf32> to vector<1x64x64xf32>
      %reduce_sum3A_221 = arith.constant dense<0.000000e+00> : vector<1xf32>
      %reduce_sum3A_222 = vector.multi_reduction <add>, %reduce_sum3A_220, %reduce_sum3A_221 [1, 2] : vector<1x64x64xf32> to vector<1xf32>
      %reduce_sum3A_223 = vector.shape_cast %reduce_sum3A_222 : vector<1xf32> to vector<1x1x1xf32>
      %reduce_sum3A_224 = vector.extract %reduce_sum3A_223[0, 0, 0] : f32 from vector<1x1x1xf32>
      %swap3A_225 = arith.constant 0 : index
      %swap3A_226 = arith.constant 14 : index
      %swap3A_227 = memref.load %arg5[%swap3A_225, %swap3A_226] : memref<2x18xf32, #tpu.memory_space<smem>>
      memref.store %reduce_sum3A_224, %arg5[%swap3A_225, %swap3A_226] : memref<2x18xf32, #tpu.memory_space<smem>>
      %slice3A_228 = vector.extract_strided_slice %get3A_173 {offsets = [64, 64], sizes = [64, 64], strides = [1, 1]} : vector<128x128xf32> to vector<64x64xf32>
      %reduce_sum3A_229 = vector.shape_cast %slice3A_228 : vector<64x64xf32> to vector<1x64x64xf32>
      %reduce_sum3A_230 = arith.constant dense<0.000000e+00> : vector<1xf32>
      %reduce_sum3A_231 = vector.multi_reduction <add>, %reduce_sum3A_229, %reduce_sum3A_230 [1, 2] : vector<1x64x64xf32> to vector<1xf32>
      %reduce_sum3A_232 = vector.shape_cast %reduce_sum3A_231 : vector<1xf32> to vector<1x1x1xf32>
      %reduce_sum3A_233 = vector.extract %reduce_sum3A_232[0, 0, 0] : f32 from vector<1x1x1xf32>
      %swap3A_234 = arith.constant 0 : index
      %swap3A_235 = arith.constant 7 : index
      %swap3A_236 = memref.load %arg5[%swap3A_234, %swap3A_235] : memref<2x18xf32, #tpu.memory_space<smem>>
      memref.store %reduce_sum3A_233, %arg5[%swap3A_234, %swap3A_235] : memref<2x18xf32, #tpu.memory_space<smem>>
      %slice3A_237 = vector.extract_strided_slice %get3A_168 {offsets = [64, 64], sizes = [64, 64], strides = [1, 1]} : vector<128x128xf32> to vector<64x64xf32>
      %reduce_sum3A_238 = vector.shape_cast %slice3A_237 : vector<64x64xf32> to vector<1x64x64xf32>
      %reduce_sum3A_239 = arith.constant dense<0.000000e+00> : vector<1xf32>
      %reduce_sum3A_240 = vector.multi_reduction <add>, %reduce_sum3A_238, %reduce_sum3A_239 [1, 2] : vector<1x64x64xf32> to vector<1xf32>
      %reduce_sum3A_241 = vector.shape_cast %reduce_sum3A_240 : vector<1xf32> to vector<1x1x1xf32>
      %reduce_sum3A_242 = vector.extract %reduce_sum3A_241[0, 0, 0] : f32 from vector<1x1x1xf32>
      %swap3A_243 = arith.constant 0 : index
      %swap3A_244 = arith.constant 15 : index
      %swap3A_245 = memref.load %arg5[%swap3A_243, %swap3A_244] : memref<2x18xf32, #tpu.memory_space<smem>>
      memref.store %reduce_sum3A_242, %arg5[%swap3A_243, %swap3A_244] : memref<2x18xf32, #tpu.memory_space<smem>>
      %get3A_246 = arith.constant 0 : index
      %get3A_247 = arith.constant 0 : index
      %get3A_248 = arith.constant 0 : index
      %get3A_249 = vector.load %arg8[%get3A_246, %get3A_247, %get3A_248] : memref<2x128x128xf32, #tpu.memory_space<vmem>>, vector<1x128x128xf32>
      %get3A_250 = vector.shape_cast %get3A_249 : vector<1x128x128xf32> to vector<128x128xf32>
      %reduce_sum3A_251 = vector.shape_cast %get3A_250 : vector<128x128xf32> to vector<1x128x128xf32>
      %reduce_sum3A_252 = arith.constant dense<0.000000e+00> : vector<1xf32>
      %reduce_sum3A_253 = vector.multi_reduction <add>, %reduce_sum3A_251, %reduce_sum3A_252 [1, 2] : vector<1x128x128xf32> to vector<1xf32>
      %reduce_sum3A_254 = vector.shape_cast %reduce_sum3A_253 : vector<1xf32> to vector<1x1x1xf32>
      %reduce_sum3A_255 = vector.extract %reduce_sum3A_254[0, 0, 0] : f32 from vector<1x1x1xf32>
      %swap3A_256 = arith.constant 0 : index
      %swap3A_257 = arith.constant 16 : index
      %swap3A_258 = memref.load %arg5[%swap3A_256, %swap3A_257] : memref<2x18xf32, #tpu.memory_space<smem>>
      memref.store %reduce_sum3A_255, %arg5[%swap3A_256, %swap3A_257] : memref<2x18xf32, #tpu.memory_space<smem>>
      %swap3A_259 = arith.constant 0.000000e+00 : f32
      %swap3A_260 = arith.constant 0 : index
      %swap3A_261 = arith.constant 17 : index
      %swap3A_262 = memref.load %arg5[%swap3A_260, %swap3A_261] : memref<2x18xf32, #tpu.memory_space<smem>>
      memref.store %swap3A_259, %arg5[%swap3A_260, %swap3A_261] : memref<2x18xf32, #tpu.memory_space<smem>>
      %get3A_263 = arith.constant 2 : index
      %get3A_264 = arith.constant 0 : index
      %get3A_265 = arith.constant 0 : index
      %get3A_266 = vector.load %arg6[%get3A_263, %get3A_264, %get3A_265] : memref<4x128x128xf32, #tpu.memory_space<vmem>>, vector<1x128x128xf32>
      %get3A_267 = vector.shape_cast %get3A_266 : vector<1x128x128xf32> to vector<128x128xf32>
      %get3A_268 = arith.constant 2 : index
      %get3A_269 = arith.constant 0 : index
      %get3A_270 = arith.constant 0 : index
      %get3A_271 = vector.load %arg7[%get3A_268, %get3A_269, %get3A_270] : memref<4x128x128xf32, #tpu.memory_space<vmem>>, vector<1x128x128xf32>
      %get3A_272 = vector.shape_cast %get3A_271 : vector<1x128x128xf32> to vector<128x128xf32>
      %slice3A_273 = vector.extract_strided_slice %get3A_272 {offsets = [0, 0], sizes = [64, 64], strides = [1, 1]} : vector<128x128xf32> to vector<64x64xf32>
      %reduce_sum3A_274 = vector.shape_cast %slice3A_273 : vector<64x64xf32> to vector<1x64x64xf32>
      %reduce_sum3A_275 = arith.constant dense<0.000000e+00> : vector<1xf32>
      %reduce_sum3A_276 = vector.multi_reduction <add>, %reduce_sum3A_274, %reduce_sum3A_275 [1, 2] : vector<1x64x64xf32> to vector<1xf32>
      %reduce_sum3A_277 = vector.shape_cast %reduce_sum3A_276 : vector<1xf32> to vector<1x1x1xf32>
      %reduce_sum3A_278 = vector.extract %reduce_sum3A_277[0, 0, 0] : f32 from vector<1x1x1xf32>
      %swap3A_279 = arith.constant 1 : index
      %swap3A_280 = arith.constant 0 : index
      %swap3A_281 = memref.load %arg5[%swap3A_279, %swap3A_280] : memref<2x18xf32, #tpu.memory_space<smem>>
      memref.store %reduce_sum3A_278, %arg5[%swap3A_279, %swap3A_280] : memref<2x18xf32, #tpu.memory_space<smem>>
      %slice3A_282 = vector.extract_strided_slice %get3A_267 {offsets = [0, 0], sizes = [64, 64], strides = [1, 1]} : vector<128x128xf32> to vector<64x64xf32>
      %reduce_sum3A_283 = vector.shape_cast %slice3A_282 : vector<64x64xf32> to vector<1x64x64xf32>
      %reduce_sum3A_284 = arith.constant dense<0.000000e+00> : vector<1xf32>
      %reduce_sum3A_285 = vector.multi_reduction <add>, %reduce_sum3A_283, %reduce_sum3A_284 [1, 2] : vector<1x64x64xf32> to vector<1xf32>
      %reduce_sum3A_286 = vector.shape_cast %reduce_sum3A_285 : vector<1xf32> to vector<1x1x1xf32>
      %reduce_sum3A_287 = vector.extract %reduce_sum3A_286[0, 0, 0] : f32 from vector<1x1x1xf32>
      %swap3A_288 = arith.constant 1 : index
      %swap3A_289 = arith.constant 8 : index
      %swap3A_290 = memref.load %arg5[%swap3A_288, %swap3A_289] : memref<2x18xf32, #tpu.memory_space<smem>>
      memref.store %reduce_sum3A_287, %arg5[%swap3A_288, %swap3A_289] : memref<2x18xf32, #tpu.memory_space<smem>>
      %slice3A_291 = vector.extract_strided_slice %get3A_272 {offsets = [0, 64], sizes = [64, 64], strides = [1, 1]} : vector<128x128xf32> to vector<64x64xf32>
      %reduce_sum3A_292 = vector.shape_cast %slice3A_291 : vector<64x64xf32> to vector<1x64x64xf32>
      %reduce_sum3A_293 = arith.constant dense<0.000000e+00> : vector<1xf32>
      %reduce_sum3A_294 = vector.multi_reduction <add>, %reduce_sum3A_292, %reduce_sum3A_293 [1, 2] : vector<1x64x64xf32> to vector<1xf32>
      %reduce_sum3A_295 = vector.shape_cast %reduce_sum3A_294 : vector<1xf32> to vector<1x1x1xf32>
      %reduce_sum3A_296 = vector.extract %reduce_sum3A_295[0, 0, 0] : f32 from vector<1x1x1xf32>
      %swap3A_297 = arith.constant 1 : index
      %swap3A_298 = arith.constant 1 : index
      %swap3A_299 = memref.load %arg5[%swap3A_297, %swap3A_298] : memref<2x18xf32, #tpu.memory_space<smem>>
      memref.store %reduce_sum3A_296, %arg5[%swap3A_297, %swap3A_298] : memref<2x18xf32, #tpu.memory_space<smem>>
      %slice3A_300 = vector.extract_strided_slice %get3A_267 {offsets = [0, 64], sizes = [64, 64], strides = [1, 1]} : vector<128x128xf32> to vector<64x64xf32>
      %reduce_sum3A_301 = vector.shape_cast %slice3A_300 : vector<64x64xf32> to vector<1x64x64xf32>
      %reduce_sum3A_302 = arith.constant dense<0.000000e+00> : vector<1xf32>
      %reduce_sum3A_303 = vector.multi_reduction <add>, %reduce_sum3A_301, %reduce_sum3A_302 [1, 2] : vector<1x64x64xf32> to vector<1xf32>
      %reduce_sum3A_304 = vector.shape_cast %reduce_sum3A_303 : vector<1xf32> to vector<1x1x1xf32>
      %reduce_sum3A_305 = vector.extract %reduce_sum3A_304[0, 0, 0] : f32 from vector<1x1x1xf32>
      %swap3A_306 = arith.constant 1 : index
      %swap3A_307 = arith.constant 9 : index
      %swap3A_308 = memref.load %arg5[%swap3A_306, %swap3A_307] : memref<2x18xf32, #tpu.memory_space<smem>>
      memref.store %reduce_sum3A_305, %arg5[%swap3A_306, %swap3A_307] : memref<2x18xf32, #tpu.memory_space<smem>>
      %slice3A_309 = vector.extract_strided_slice %get3A_272 {offsets = [64, 0], sizes = [64, 64], strides = [1, 1]} : vector<128x128xf32> to vector<64x64xf32>
      %reduce_sum3A_310 = vector.shape_cast %slice3A_309 : vector<64x64xf32> to vector<1x64x64xf32>
      %reduce_sum3A_311 = arith.constant dense<0.000000e+00> : vector<1xf32>
      %reduce_sum3A_312 = vector.multi_reduction <add>, %reduce_sum3A_310, %reduce_sum3A_311 [1, 2] : vector<1x64x64xf32> to vector<1xf32>
      %reduce_sum3A_313 = vector.shape_cast %reduce_sum3A_312 : vector<1xf32> to vector<1x1x1xf32>
      %reduce_sum3A_314 = vector.extract %reduce_sum3A_313[0, 0, 0] : f32 from vector<1x1x1xf32>
      %swap3A_315 = arith.constant 1 : index
      %swap3A_316 = arith.constant 2 : index
      %swap3A_317 = memref.load %arg5[%swap3A_315, %swap3A_316] : memref<2x18xf32, #tpu.memory_space<smem>>
      memref.store %reduce_sum3A_314, %arg5[%swap3A_315, %swap3A_316] : memref<2x18xf32, #tpu.memory_space<smem>>
      %slice3A_318 = vector.extract_strided_slice %get3A_267 {offsets = [64, 0], sizes = [64, 64], strides = [1, 1]} : vector<128x128xf32> to vector<64x64xf32>
      %reduce_sum3A_319 = vector.shape_cast %slice3A_318 : vector<64x64xf32> to vector<1x64x64xf32>
      %reduce_sum3A_320 = arith.constant dense<0.000000e+00> : vector<1xf32>
      %reduce_sum3A_321 = vector.multi_reduction <add>, %reduce_sum3A_319, %reduce_sum3A_320 [1, 2] : vector<1x64x64xf32> to vector<1xf32>
      %reduce_sum3A_322 = vector.shape_cast %reduce_sum3A_321 : vector<1xf32> to vector<1x1x1xf32>
      %reduce_sum3A_323 = vector.extract %reduce_sum3A_322[0, 0, 0] : f32 from vector<1x1x1xf32>
      %swap3A_324 = arith.constant 1 : index
      %swap3A_325 = arith.constant 10 : index
      %swap3A_326 = memref.load %arg5[%swap3A_324, %swap3A_325] : memref<2x18xf32, #tpu.memory_space<smem>>
      memref.store %reduce_sum3A_323, %arg5[%swap3A_324, %swap3A_325] : memref<2x18xf32, #tpu.memory_space<smem>>
      %slice3A_327 = vector.extract_strided_slice %get3A_272 {offsets = [64, 64], sizes = [64, 64], strides = [1, 1]} : vector<128x128xf32> to vector<64x64xf32>
      %reduce_sum3A_328 = vector.shape_cast %slice3A_327 : vector<64x64xf32> to vector<1x64x64xf32>
      %reduce_sum3A_329 = arith.constant dense<0.000000e+00> : vector<1xf32>
      %reduce_sum3A_330 = vector.multi_reduction <add>, %reduce_sum3A_328, %reduce_sum3A_329 [1, 2] : vector<1x64x64xf32> to vector<1xf32>
      %reduce_sum3A_331 = vector.shape_cast %reduce_sum3A_330 : vector<1xf32> to vector<1x1x1xf32>
      %reduce_sum3A_332 = vector.extract %reduce_sum3A_331[0, 0, 0] : f32 from vector<1x1x1xf32>
      %swap3A_333 = arith.constant 1 : index
      %swap3A_334 = arith.constant 3 : index
      %swap3A_335 = memref.load %arg5[%swap3A_333, %swap3A_334] : memref<2x18xf32, #tpu.memory_space<smem>>
      memref.store %reduce_sum3A_332, %arg5[%swap3A_333, %swap3A_334] : memref<2x18xf32, #tpu.memory_space<smem>>
      %slice3A_336 = vector.extract_strided_slice %get3A_267 {offsets = [64, 64], sizes = [64, 64], strides = [1, 1]} : vector<128x128xf32> to vector<64x64xf32>
      %reduce_sum3A_337 = vector.shape_cast %slice3A_336 : vector<64x64xf32> to vector<1x64x64xf32>
      %reduce_sum3A_338 = arith.constant dense<0.000000e+00> : vector<1xf32>
      %reduce_sum3A_339 = vector.multi_reduction <add>, %reduce_sum3A_337, %reduce_sum3A_338 [1, 2] : vector<1x64x64xf32> to vector<1xf32>
      %reduce_sum3A_340 = vector.shape_cast %reduce_sum3A_339 : vector<1xf32> to vector<1x1x1xf32>
      %reduce_sum3A_341 = vector.extract %reduce_sum3A_340[0, 0, 0] : f32 from vector<1x1x1xf32>
      %swap3A_342 = arith.constant 1 : index
      %swap3A_343 = arith.constant 11 : index
      %swap3A_344 = memref.load %arg5[%swap3A_342, %swap3A_343] : memref<2x18xf32, #tpu.memory_space<smem>>
      memref.store %reduce_sum3A_341, %arg5[%swap3A_342, %swap3A_343] : memref<2x18xf32, #tpu.memory_space<smem>>
      %get3A_345 = arith.constant 3 : index
      %get3A_346 = arith.constant 0 : index
      %get3A_347 = arith.constant 0 : index
      %get3A_348 = vector.load %arg6[%get3A_345, %get3A_346, %get3A_347] : memref<4x128x128xf32, #tpu.memory_space<vmem>>, vector<1x128x128xf32>
      %get3A_349 = vector.shape_cast %get3A_348 : vector<1x128x128xf32> to vector<128x128xf32>
      %get3A_350 = arith.constant 3 : index
      %get3A_351 = arith.constant 0 : index
      %get3A_352 = arith.constant 0 : index
      %get3A_353 = vector.load %arg7[%get3A_350, %get3A_351, %get3A_352] : memref<4x128x128xf32, #tpu.memory_space<vmem>>, vector<1x128x128xf32>
      %get3A_354 = vector.shape_cast %get3A_353 : vector<1x128x128xf32> to vector<128x128xf32>
      %slice3A_355 = vector.extract_strided_slice %get3A_354 {offsets = [0, 0], sizes = [64, 64], strides = [1, 1]} : vector<128x128xf32> to vector<64x64xf32>
      %reduce_sum3A_356 = vector.shape_cast %slice3A_355 : vector<64x64xf32> to vector<1x64x64xf32>
      %reduce_sum3A_357 = arith.constant dense<0.000000e+00> : vector<1xf32>
      %reduce_sum3A_358 = vector.multi_reduction <add>, %reduce_sum3A_356, %reduce_sum3A_357 [1, 2] : vector<1x64x64xf32> to vector<1xf32>
      %reduce_sum3A_359 = vector.shape_cast %reduce_sum3A_358 : vector<1xf32> to vector<1x1x1xf32>
      %reduce_sum3A_360 = vector.extract %reduce_sum3A_359[0, 0, 0] : f32 from vector<1x1x1xf32>
      %swap3A_361 = arith.constant 1 : index
      %swap3A_362 = arith.constant 4 : index
      %swap3A_363 = memref.load %arg5[%swap3A_361, %swap3A_362] : memref<2x18xf32, #tpu.memory_space<smem>>
      memref.store %reduce_sum3A_360, %arg5[%swap3A_361, %swap3A_362] : memref<2x18xf32, #tpu.memory_space<smem>>
      %slice3A_364 = vector.extract_strided_slice %get3A_349 {offsets = [0, 0], sizes = [64, 64], strides = [1, 1]} : vector<128x128xf32> to vector<64x64xf32>
      %reduce_sum3A_365 = vector.shape_cast %slice3A_364 : vector<64x64xf32> to vector<1x64x64xf32>
      %reduce_sum3A_366 = arith.constant dense<0.000000e+00> : vector<1xf32>
      %reduce_sum3A_367 = vector.multi_reduction <add>, %reduce_sum3A_365, %reduce_sum3A_366 [1, 2] : vector<1x64x64xf32> to vector<1xf32>
      %reduce_sum3A_368 = vector.shape_cast %reduce_sum3A_367 : vector<1xf32> to vector<1x1x1xf32>
      %reduce_sum3A_369 = vector.extract %reduce_sum3A_368[0, 0, 0] : f32 from vector<1x1x1xf32>
      %swap3A_370 = arith.constant 1 : index
      %swap3A_371 = arith.constant 12 : index
      %swap3A_372 = memref.load %arg5[%swap3A_370, %swap3A_371] : memref<2x18xf32, #tpu.memory_space<smem>>
      memref.store %reduce_sum3A_369, %arg5[%swap3A_370, %swap3A_371] : memref<2x18xf32, #tpu.memory_space<smem>>
      %slice3A_373 = vector.extract_strided_slice %get3A_354 {offsets = [0, 64], sizes = [64, 64], strides = [1, 1]} : vector<128x128xf32> to vector<64x64xf32>
      %reduce_sum3A_374 = vector.shape_cast %slice3A_373 : vector<64x64xf32> to vector<1x64x64xf32>
      %reduce_sum3A_375 = arith.constant dense<0.000000e+00> : vector<1xf32>
      %reduce_sum3A_376 = vector.multi_reduction <add>, %reduce_sum3A_374, %reduce_sum3A_375 [1, 2] : vector<1x64x64xf32> to vector<1xf32>
      %reduce_sum3A_377 = vector.shape_cast %reduce_sum3A_376 : vector<1xf32> to vector<1x1x1xf32>
      %reduce_sum3A_378 = vector.extract %reduce_sum3A_377[0, 0, 0] : f32 from vector<1x1x1xf32>
      %swap3A_379 = arith.constant 1 : index
      %swap3A_380 = arith.constant 5 : index
      %swap3A_381 = memref.load %arg5[%swap3A_379, %swap3A_380] : memref<2x18xf32, #tpu.memory_space<smem>>
      memref.store %reduce_sum3A_378, %arg5[%swap3A_379, %swap3A_380] : memref<2x18xf32, #tpu.memory_space<smem>>
      %slice3A_382 = vector.extract_strided_slice %get3A_349 {offsets = [0, 64], sizes = [64, 64], strides = [1, 1]} : vector<128x128xf32> to vector<64x64xf32>
      %reduce_sum3A_383 = vector.shape_cast %slice3A_382 : vector<64x64xf32> to vector<1x64x64xf32>
      %reduce_sum3A_384 = arith.constant dense<0.000000e+00> : vector<1xf32>
      %reduce_sum3A_385 = vector.multi_reduction <add>, %reduce_sum3A_383, %reduce_sum3A_384 [1, 2] : vector<1x64x64xf32> to vector<1xf32>
      %reduce_sum3A_386 = vector.shape_cast %reduce_sum3A_385 : vector<1xf32> to vector<1x1x1xf32>
      %reduce_sum3A_387 = vector.extract %reduce_sum3A_386[0, 0, 0] : f32 from vector<1x1x1xf32>
      %swap3A_388 = arith.constant 1 : index
      %swap3A_389 = arith.constant 13 : index
      %swap3A_390 = memref.load %arg5[%swap3A_388, %swap3A_389] : memref<2x18xf32, #tpu.memory_space<smem>>
      memref.store %reduce_sum3A_387, %arg5[%swap3A_388, %swap3A_389] : memref<2x18xf32, #tpu.memory_space<smem>>
      %slice3A_391 = vector.extract_strided_slice %get3A_354 {offsets = [64, 0], sizes = [64, 64], strides = [1, 1]} : vector<128x128xf32> to vector<64x64xf32>
      %reduce_sum3A_392 = vector.shape_cast %slice3A_391 : vector<64x64xf32> to vector<1x64x64xf32>
      %reduce_sum3A_393 = arith.constant dense<0.000000e+00> : vector<1xf32>
      %reduce_sum3A_394 = vector.multi_reduction <add>, %reduce_sum3A_392, %reduce_sum3A_393 [1, 2] : vector<1x64x64xf32> to vector<1xf32>
      %reduce_sum3A_395 = vector.shape_cast %reduce_sum3A_394 : vector<1xf32> to vector<1x1x1xf32>
      %reduce_sum3A_396 = vector.extract %reduce_sum3A_395[0, 0, 0] : f32 from vector<1x1x1xf32>
      %swap3A_397 = arith.constant 1 : index
      %swap3A_398 = arith.constant 6 : index
      %swap3A_399 = memref.load %arg5[%swap3A_397, %swap3A_398] : memref<2x18xf32, #tpu.memory_space<smem>>
      memref.store %reduce_sum3A_396, %arg5[%swap3A_397, %swap3A_398] : memref<2x18xf32, #tpu.memory_space<smem>>
      %slice3A_400 = vector.extract_strided_slice %get3A_349 {offsets = [64, 0], sizes = [64, 64], strides = [1, 1]} : vector<128x128xf32> to vector<64x64xf32>
      %reduce_sum3A_401 = vector.shape_cast %slice3A_400 : vector<64x64xf32> to vector<1x64x64xf32>
      %reduce_sum3A_402 = arith.constant dense<0.000000e+00> : vector<1xf32>
      %reduce_sum3A_403 = vector.multi_reduction <add>, %reduce_sum3A_401, %reduce_sum3A_402 [1, 2] : vector<1x64x64xf32> to vector<1xf32>
      %reduce_sum3A_404 = vector.shape_cast %reduce_sum3A_403 : vector<1xf32> to vector<1x1x1xf32>
      %reduce_sum3A_405 = vector.extract %reduce_sum3A_404[0, 0, 0] : f32 from vector<1x1x1xf32>
      %swap3A_406 = arith.constant 1 : index
      %swap3A_407 = arith.constant 14 : index
      %swap3A_408 = memref.load %arg5[%swap3A_406, %swap3A_407] : memref<2x18xf32, #tpu.memory_space<smem>>
      memref.store %reduce_sum3A_405, %arg5[%swap3A_406, %swap3A_407] : memref<2x18xf32, #tpu.memory_space<smem>>
      %slice3A_409 = vector.extract_strided_slice %get3A_354 {offsets = [64, 64], sizes = [64, 64], strides = [1, 1]} : vector<128x128xf32> to vector<64x64xf32>
      %reduce_sum3A_410 = vector.shape_cast %slice3A_409 : vector<64x64xf32> to vector<1x64x64xf32>
      %reduce_sum3A_411 = arith.constant dense<0.000000e+00> : vector<1xf32>
      %reduce_sum3A_412 = vector.multi_reduction <add>, %reduce_sum3A_410, %reduce_sum3A_411 [1, 2] : vector<1x64x64xf32> to vector<1xf32>
      %reduce_sum3A_413 = vector.shape_cast %reduce_sum3A_412 : vector<1xf32> to vector<1x1x1xf32>
      %reduce_sum3A_414 = vector.extract %reduce_sum3A_413[0, 0, 0] : f32 from vector<1x1x1xf32>
      %swap3A_415 = arith.constant 1 : index
      %swap3A_416 = arith.constant 7 : index
      %swap3A_417 = memref.load %arg5[%swap3A_415, %swap3A_416] : memref<2x18xf32, #tpu.memory_space<smem>>
      memref.store %reduce_sum3A_414, %arg5[%swap3A_415, %swap3A_416] : memref<2x18xf32, #tpu.memory_space<smem>>
      %slice3A_418 = vector.extract_strided_slice %get3A_349 {offsets = [64, 64], sizes = [64, 64], strides = [1, 1]} : vector<128x128xf32> to vector<64x64xf32>
      %reduce_sum3A_419 = vector.shape_cast %slice3A_418 : vector<64x64xf32> to vector<1x64x64xf32>
      %reduce_sum3A_420 = arith.constant dense<0.000000e+00> : vector<1xf32>
      %reduce_sum3A_421 = vector.multi_reduction <add>, %reduce_sum3A_419, %reduce_sum3A_420 [1, 2] : vector<1x64x64xf32> to vector<1xf32>
      %reduce_sum3A_422 = vector.shape_cast %reduce_sum3A_421 : vector<1xf32> to vector<1x1x1xf32>
      %reduce_sum3A_423 = vector.extract %reduce_sum3A_422[0, 0, 0] : f32 from vector<1x1x1xf32>
      %swap3A_424 = arith.constant 1 : index
      %swap3A_425 = arith.constant 15 : index
      %swap3A_426 = memref.load %arg5[%swap3A_424, %swap3A_425] : memref<2x18xf32, #tpu.memory_space<smem>>
      memref.store %reduce_sum3A_423, %arg5[%swap3A_424, %swap3A_425] : memref<2x18xf32, #tpu.memory_space<smem>>
      %get3A_427 = arith.constant 1 : index
      %get3A_428 = arith.constant 0 : index
      %get3A_429 = arith.constant 0 : index
      %get3A_430 = vector.load %arg8[%get3A_427, %get3A_428, %get3A_429] : memref<2x128x128xf32, #tpu.memory_space<vmem>>, vector<1x128x128xf32>
      %get3A_431 = vector.shape_cast %get3A_430 : vector<1x128x128xf32> to vector<128x128xf32>
      %reduce_sum3A_432 = vector.shape_cast %get3A_431 : vector<128x128xf32> to vector<1x128x128xf32>
      %reduce_sum3A_433 = arith.constant dense<0.000000e+00> : vector<1xf32>
      %reduce_sum3A_434 = vector.multi_reduction <add>, %reduce_sum3A_432, %reduce_sum3A_433 [1, 2] : vector<1x128x128xf32> to vector<1xf32>
      %reduce_sum3A_435 = vector.shape_cast %reduce_sum3A_434 : vector<1xf32> to vector<1x1x1xf32>
      %reduce_sum3A_436 = vector.extract %reduce_sum3A_435[0, 0, 0] : f32 from vector<1x1x1xf32>
      %swap3A_437 = arith.constant 1 : index
      %swap3A_438 = arith.constant 16 : index
      %swap3A_439 = memref.load %arg5[%swap3A_437, %swap3A_438] : memref<2x18xf32, #tpu.memory_space<smem>>
      memref.store %reduce_sum3A_436, %arg5[%swap3A_437, %swap3A_438] : memref<2x18xf32, #tpu.memory_space<smem>>
      %swap3A_440 = arith.constant 0.000000e+00 : f32
      %swap3A_441 = arith.constant 1 : index
      %swap3A_442 = arith.constant 17 : index
      %swap3A_443 = memref.load %arg5[%swap3A_441, %swap3A_442] : memref<2x18xf32, #tpu.memory_space<smem>>
      memref.store %swap3A_440, %arg5[%swap3A_441, %swap3A_442] : memref<2x18xf32, #tpu.memory_space<smem>>
    } else {
    }
    return
  }
  func.func @transform_0(%arg0: i32, %arg1: i32) -> (i32, i32, i32, i32, i32) {
    %c0_i32 = arith.constant 0 : i32
    %c0_i32_0 = arith.constant 0 : i32
    %c0_i32_1 = arith.constant 0 : i32
    %c0_i32_2 = arith.constant 0 : i32
    return %arg0, %c0_i32, %arg1, %c0_i32_0, %c0_i32_1 : i32, i32, i32, i32, i32
  }
  func.func @transform_1(%arg0: i32, %arg1: i32) -> (i32, i32, i32, i32, i32) {
    %c1_i32 = arith.constant 1 : i32
    %c0_i32 = arith.constant 0 : i32
    %c0_i32_0 = arith.constant 0 : i32
    %c0_i32_1 = arith.constant 0 : i32
    return %arg0, %c1_i32, %arg1, %c0_i32, %c0_i32_0 : i32, i32, i32, i32, i32
  }
  func.func @transform_2(%arg0: i32, %arg1: i32) -> (i32, i32, i32, i32) {
    %c0_i32 = arith.constant 0 : i32
    %c0_i32_0 = arith.constant 0 : i32
    %c0_i32_1 = arith.constant 0 : i32
    return %arg0, %arg1, %c0_i32, %c0_i32_0 : i32, i32, i32, i32
  }
  func.func @transform_3(%arg0: i32, %arg1: i32) -> (i32, i32) {
    %c0_i32 = arith.constant 0 : i32
    %c0_i32_0 = arith.constant 0 : i32
    %c0_i32_1 = arith.constant 0 : i32
    return %c0_i32, %c0_i32_0 : i32, i32
  }
}

module attributes {stable_mosaic.version = 14 : i64} {
  func.func @_combine_kernel(%arg0: memref<2x18xf32, #tpu.memory_space<smem>>, %arg1: memref<32x16xf32, #tpu.memory_space<smem>>, %arg2: memref<1x1xf32, #tpu.memory_space<smem>>) attributes {dimension_semantics = [], scalar_prefetch = 0 : i64, scratch_operands = 0 : i64, tpu.core_type = #tpu.core_type<tc>} {
    %get3A = arith.constant 0 : index
    %get3A_0 = arith.constant 0 : index
    %get3A_1 = memref.load %arg1[%get3A, %get3A_0] : memref<32x16xf32, #tpu.memory_space<smem>>
    %add3A = arith.constant 0.000000e+00 : f32
    %add3A_2 = arith.addf %add3A, %get3A_1 : f32
    %get3A_3 = arith.constant 0 : index
    %get3A_4 = arith.constant 1 : index
    %get3A_5 = memref.load %arg1[%get3A_3, %get3A_4] : memref<32x16xf32, #tpu.memory_space<smem>>
    %add3A_6 = arith.constant 0.000000e+00 : f32
    %add3A_7 = arith.addf %add3A_6, %get3A_5 : f32
    %get3A_8 = arith.constant 0 : index
    %get3A_9 = arith.constant 2 : index
    %get3A_10 = memref.load %arg1[%get3A_8, %get3A_9] : memref<32x16xf32, #tpu.memory_space<smem>>
    %add3A_11 = arith.constant 0.000000e+00 : f32
    %add3A_12 = arith.addf %add3A_11, %get3A_10 : f32
    %get3A_13 = arith.constant 0 : index
    %get3A_14 = arith.constant 3 : index
    %get3A_15 = memref.load %arg1[%get3A_13, %get3A_14] : memref<32x16xf32, #tpu.memory_space<smem>>
    %add3A_16 = arith.constant 0.000000e+00 : f32
    %add3A_17 = arith.addf %add3A_16, %get3A_15 : f32
    %get3A_18 = arith.constant 0 : index
    %get3A_19 = arith.constant 4 : index
    %get3A_20 = memref.load %arg1[%get3A_18, %get3A_19] : memref<32x16xf32, #tpu.memory_space<smem>>
    %add3A_21 = arith.constant 0.000000e+00 : f32
    %add3A_22 = arith.addf %add3A_21, %get3A_20 : f32
    %get3A_23 = arith.constant 0 : index
    %get3A_24 = arith.constant 5 : index
    %get3A_25 = memref.load %arg1[%get3A_23, %get3A_24] : memref<32x16xf32, #tpu.memory_space<smem>>
    %add3A_26 = arith.constant 0.000000e+00 : f32
    %add3A_27 = arith.addf %add3A_26, %get3A_25 : f32
    %get3A_28 = arith.constant 0 : index
    %get3A_29 = arith.constant 6 : index
    %get3A_30 = memref.load %arg1[%get3A_28, %get3A_29] : memref<32x16xf32, #tpu.memory_space<smem>>
    %add3A_31 = arith.constant 0.000000e+00 : f32
    %add3A_32 = arith.addf %add3A_31, %get3A_30 : f32
    %get3A_33 = arith.constant 0 : index
    %get3A_34 = arith.constant 7 : index
    %get3A_35 = memref.load %arg1[%get3A_33, %get3A_34] : memref<32x16xf32, #tpu.memory_space<smem>>
    %add3A_36 = arith.constant 0.000000e+00 : f32
    %add3A_37 = arith.addf %add3A_36, %get3A_35 : f32
    %get3A_38 = arith.constant 0 : index
    %get3A_39 = arith.constant 8 : index
    %get3A_40 = memref.load %arg1[%get3A_38, %get3A_39] : memref<32x16xf32, #tpu.memory_space<smem>>
    %add3A_41 = arith.constant 0.000000e+00 : f32
    %add3A_42 = arith.addf %add3A_41, %get3A_40 : f32
    %get3A_43 = arith.constant 0 : index
    %get3A_44 = arith.constant 9 : index
    %get3A_45 = memref.load %arg1[%get3A_43, %get3A_44] : memref<32x16xf32, #tpu.memory_space<smem>>
    %add3A_46 = arith.constant 0.000000e+00 : f32
    %add3A_47 = arith.addf %add3A_46, %get3A_45 : f32
    %get3A_48 = arith.constant 0 : index
    %get3A_49 = arith.constant 10 : index
    %get3A_50 = memref.load %arg1[%get3A_48, %get3A_49] : memref<32x16xf32, #tpu.memory_space<smem>>
    %add3A_51 = arith.constant 0.000000e+00 : f32
    %add3A_52 = arith.addf %add3A_51, %get3A_50 : f32
    %get3A_53 = arith.constant 0 : index
    %get3A_54 = arith.constant 11 : index
    %get3A_55 = memref.load %arg1[%get3A_53, %get3A_54] : memref<32x16xf32, #tpu.memory_space<smem>>
    %add3A_56 = arith.constant 0.000000e+00 : f32
    %add3A_57 = arith.addf %add3A_56, %get3A_55 : f32
    %get3A_58 = arith.constant 1 : index
    %get3A_59 = arith.constant 0 : index
    %get3A_60 = memref.load %arg1[%get3A_58, %get3A_59] : memref<32x16xf32, #tpu.memory_space<smem>>
    %add3A_61 = arith.addf %add3A_2, %get3A_60 : f32
    %get3A_62 = arith.constant 1 : index
    %get3A_63 = arith.constant 1 : index
    %get3A_64 = memref.load %arg1[%get3A_62, %get3A_63] : memref<32x16xf32, #tpu.memory_space<smem>>
    %add3A_65 = arith.addf %add3A_7, %get3A_64 : f32
    %get3A_66 = arith.constant 1 : index
    %get3A_67 = arith.constant 2 : index
    %get3A_68 = memref.load %arg1[%get3A_66, %get3A_67] : memref<32x16xf32, #tpu.memory_space<smem>>
    %add3A_69 = arith.addf %add3A_12, %get3A_68 : f32
    %get3A_70 = arith.constant 1 : index
    %get3A_71 = arith.constant 3 : index
    %get3A_72 = memref.load %arg1[%get3A_70, %get3A_71] : memref<32x16xf32, #tpu.memory_space<smem>>
    %add3A_73 = arith.addf %add3A_17, %get3A_72 : f32
    %get3A_74 = arith.constant 1 : index
    %get3A_75 = arith.constant 4 : index
    %get3A_76 = memref.load %arg1[%get3A_74, %get3A_75] : memref<32x16xf32, #tpu.memory_space<smem>>
    %add3A_77 = arith.addf %add3A_22, %get3A_76 : f32
    %get3A_78 = arith.constant 1 : index
    %get3A_79 = arith.constant 5 : index
    %get3A_80 = memref.load %arg1[%get3A_78, %get3A_79] : memref<32x16xf32, #tpu.memory_space<smem>>
    %add3A_81 = arith.addf %add3A_27, %get3A_80 : f32
    %get3A_82 = arith.constant 1 : index
    %get3A_83 = arith.constant 6 : index
    %get3A_84 = memref.load %arg1[%get3A_82, %get3A_83] : memref<32x16xf32, #tpu.memory_space<smem>>
    %add3A_85 = arith.addf %add3A_32, %get3A_84 : f32
    %get3A_86 = arith.constant 1 : index
    %get3A_87 = arith.constant 7 : index
    %get3A_88 = memref.load %arg1[%get3A_86, %get3A_87] : memref<32x16xf32, #tpu.memory_space<smem>>
    %add3A_89 = arith.addf %add3A_37, %get3A_88 : f32
    %get3A_90 = arith.constant 1 : index
    %get3A_91 = arith.constant 8 : index
    %get3A_92 = memref.load %arg1[%get3A_90, %get3A_91] : memref<32x16xf32, #tpu.memory_space<smem>>
    %add3A_93 = arith.addf %add3A_42, %get3A_92 : f32
    %get3A_94 = arith.constant 1 : index
    %get3A_95 = arith.constant 9 : index
    %get3A_96 = memref.load %arg1[%get3A_94, %get3A_95] : memref<32x16xf32, #tpu.memory_space<smem>>
    %add3A_97 = arith.addf %add3A_47, %get3A_96 : f32
    %get3A_98 = arith.constant 1 : index
    %get3A_99 = arith.constant 10 : index
    %get3A_100 = memref.load %arg1[%get3A_98, %get3A_99] : memref<32x16xf32, #tpu.memory_space<smem>>
    %add3A_101 = arith.addf %add3A_52, %get3A_100 : f32
    %get3A_102 = arith.constant 1 : index
    %get3A_103 = arith.constant 11 : index
    %get3A_104 = memref.load %arg1[%get3A_102, %get3A_103] : memref<32x16xf32, #tpu.memory_space<smem>>
    %add3A_105 = arith.addf %add3A_57, %get3A_104 : f32
    %get3A_106 = arith.constant 2 : index
    %get3A_107 = arith.constant 0 : index
    %get3A_108 = memref.load %arg1[%get3A_106, %get3A_107] : memref<32x16xf32, #tpu.memory_space<smem>>
    %add3A_109 = arith.addf %add3A_61, %get3A_108 : f32
    %get3A_110 = arith.constant 2 : index
    %get3A_111 = arith.constant 1 : index
    %get3A_112 = memref.load %arg1[%get3A_110, %get3A_111] : memref<32x16xf32, #tpu.memory_space<smem>>
    %add3A_113 = arith.addf %add3A_65, %get3A_112 : f32
    %get3A_114 = arith.constant 2 : index
    %get3A_115 = arith.constant 2 : index
    %get3A_116 = memref.load %arg1[%get3A_114, %get3A_115] : memref<32x16xf32, #tpu.memory_space<smem>>
    %add3A_117 = arith.addf %add3A_69, %get3A_116 : f32
    %get3A_118 = arith.constant 2 : index
    %get3A_119 = arith.constant 3 : index
    %get3A_120 = memref.load %arg1[%get3A_118, %get3A_119] : memref<32x16xf32, #tpu.memory_space<smem>>
    %add3A_121 = arith.addf %add3A_73, %get3A_120 : f32
    %get3A_122 = arith.constant 2 : index
    %get3A_123 = arith.constant 4 : index
    %get3A_124 = memref.load %arg1[%get3A_122, %get3A_123] : memref<32x16xf32, #tpu.memory_space<smem>>
    %add3A_125 = arith.addf %add3A_77, %get3A_124 : f32
    %get3A_126 = arith.constant 2 : index
    %get3A_127 = arith.constant 5 : index
    %get3A_128 = memref.load %arg1[%get3A_126, %get3A_127] : memref<32x16xf32, #tpu.memory_space<smem>>
    %add3A_129 = arith.addf %add3A_81, %get3A_128 : f32
    %get3A_130 = arith.constant 2 : index
    %get3A_131 = arith.constant 6 : index
    %get3A_132 = memref.load %arg1[%get3A_130, %get3A_131] : memref<32x16xf32, #tpu.memory_space<smem>>
    %add3A_133 = arith.addf %add3A_85, %get3A_132 : f32
    %get3A_134 = arith.constant 2 : index
    %get3A_135 = arith.constant 7 : index
    %get3A_136 = memref.load %arg1[%get3A_134, %get3A_135] : memref<32x16xf32, #tpu.memory_space<smem>>
    %add3A_137 = arith.addf %add3A_89, %get3A_136 : f32
    %get3A_138 = arith.constant 2 : index
    %get3A_139 = arith.constant 8 : index
    %get3A_140 = memref.load %arg1[%get3A_138, %get3A_139] : memref<32x16xf32, #tpu.memory_space<smem>>
    %add3A_141 = arith.addf %add3A_93, %get3A_140 : f32
    %get3A_142 = arith.constant 2 : index
    %get3A_143 = arith.constant 9 : index
    %get3A_144 = memref.load %arg1[%get3A_142, %get3A_143] : memref<32x16xf32, #tpu.memory_space<smem>>
    %add3A_145 = arith.addf %add3A_97, %get3A_144 : f32
    %get3A_146 = arith.constant 2 : index
    %get3A_147 = arith.constant 10 : index
    %get3A_148 = memref.load %arg1[%get3A_146, %get3A_147] : memref<32x16xf32, #tpu.memory_space<smem>>
    %add3A_149 = arith.addf %add3A_101, %get3A_148 : f32
    %get3A_150 = arith.constant 2 : index
    %get3A_151 = arith.constant 11 : index
    %get3A_152 = memref.load %arg1[%get3A_150, %get3A_151] : memref<32x16xf32, #tpu.memory_space<smem>>
    %add3A_153 = arith.addf %add3A_105, %get3A_152 : f32
    %get3A_154 = arith.constant 3 : index
    %get3A_155 = arith.constant 0 : index
    %get3A_156 = memref.load %arg1[%get3A_154, %get3A_155] : memref<32x16xf32, #tpu.memory_space<smem>>
    %add3A_157 = arith.addf %add3A_109, %get3A_156 : f32
    %get3A_158 = arith.constant 3 : index
    %get3A_159 = arith.constant 1 : index
    %get3A_160 = memref.load %arg1[%get3A_158, %get3A_159] : memref<32x16xf32, #tpu.memory_space<smem>>
    %add3A_161 = arith.addf %add3A_113, %get3A_160 : f32
    %get3A_162 = arith.constant 3 : index
    %get3A_163 = arith.constant 2 : index
    %get3A_164 = memref.load %arg1[%get3A_162, %get3A_163] : memref<32x16xf32, #tpu.memory_space<smem>>
    %add3A_165 = arith.addf %add3A_117, %get3A_164 : f32
    %get3A_166 = arith.constant 3 : index
    %get3A_167 = arith.constant 3 : index
    %get3A_168 = memref.load %arg1[%get3A_166, %get3A_167] : memref<32x16xf32, #tpu.memory_space<smem>>
    %add3A_169 = arith.addf %add3A_121, %get3A_168 : f32
    %get3A_170 = arith.constant 3 : index
    %get3A_171 = arith.constant 4 : index
    %get3A_172 = memref.load %arg1[%get3A_170, %get3A_171] : memref<32x16xf32, #tpu.memory_space<smem>>
    %add3A_173 = arith.addf %add3A_125, %get3A_172 : f32
    %get3A_174 = arith.constant 3 : index
    %get3A_175 = arith.constant 5 : index
    %get3A_176 = memref.load %arg1[%get3A_174, %get3A_175] : memref<32x16xf32, #tpu.memory_space<smem>>
    %add3A_177 = arith.addf %add3A_129, %get3A_176 : f32
    %get3A_178 = arith.constant 3 : index
    %get3A_179 = arith.constant 6 : index
    %get3A_180 = memref.load %arg1[%get3A_178, %get3A_179] : memref<32x16xf32, #tpu.memory_space<smem>>
    %add3A_181 = arith.addf %add3A_133, %get3A_180 : f32
    %get3A_182 = arith.constant 3 : index
    %get3A_183 = arith.constant 7 : index
    %get3A_184 = memref.load %arg1[%get3A_182, %get3A_183] : memref<32x16xf32, #tpu.memory_space<smem>>
    %add3A_185 = arith.addf %add3A_137, %get3A_184 : f32
    %get3A_186 = arith.constant 3 : index
    %get3A_187 = arith.constant 8 : index
    %get3A_188 = memref.load %arg1[%get3A_186, %get3A_187] : memref<32x16xf32, #tpu.memory_space<smem>>
    %add3A_189 = arith.addf %add3A_141, %get3A_188 : f32
    %get3A_190 = arith.constant 3 : index
    %get3A_191 = arith.constant 9 : index
    %get3A_192 = memref.load %arg1[%get3A_190, %get3A_191] : memref<32x16xf32, #tpu.memory_space<smem>>
    %add3A_193 = arith.addf %add3A_145, %get3A_192 : f32
    %get3A_194 = arith.constant 3 : index
    %get3A_195 = arith.constant 10 : index
    %get3A_196 = memref.load %arg1[%get3A_194, %get3A_195] : memref<32x16xf32, #tpu.memory_space<smem>>
    %add3A_197 = arith.addf %add3A_149, %get3A_196 : f32
    %get3A_198 = arith.constant 3 : index
    %get3A_199 = arith.constant 11 : index
    %get3A_200 = memref.load %arg1[%get3A_198, %get3A_199] : memref<32x16xf32, #tpu.memory_space<smem>>
    %add3A_201 = arith.addf %add3A_153, %get3A_200 : f32
    %get3A_202 = arith.constant 4 : index
    %get3A_203 = arith.constant 0 : index
    %get3A_204 = memref.load %arg1[%get3A_202, %get3A_203] : memref<32x16xf32, #tpu.memory_space<smem>>
    %add3A_205 = arith.addf %add3A_157, %get3A_204 : f32
    %get3A_206 = arith.constant 4 : index
    %get3A_207 = arith.constant 1 : index
    %get3A_208 = memref.load %arg1[%get3A_206, %get3A_207] : memref<32x16xf32, #tpu.memory_space<smem>>
    %add3A_209 = arith.addf %add3A_161, %get3A_208 : f32
    %get3A_210 = arith.constant 4 : index
    %get3A_211 = arith.constant 2 : index
    %get3A_212 = memref.load %arg1[%get3A_210, %get3A_211] : memref<32x16xf32, #tpu.memory_space<smem>>
    %add3A_213 = arith.addf %add3A_165, %get3A_212 : f32
    %get3A_214 = arith.constant 4 : index
    %get3A_215 = arith.constant 3 : index
    %get3A_216 = memref.load %arg1[%get3A_214, %get3A_215] : memref<32x16xf32, #tpu.memory_space<smem>>
    %add3A_217 = arith.addf %add3A_169, %get3A_216 : f32
    %get3A_218 = arith.constant 4 : index
    %get3A_219 = arith.constant 4 : index
    %get3A_220 = memref.load %arg1[%get3A_218, %get3A_219] : memref<32x16xf32, #tpu.memory_space<smem>>
    %add3A_221 = arith.addf %add3A_173, %get3A_220 : f32
    %get3A_222 = arith.constant 4 : index
    %get3A_223 = arith.constant 5 : index
    %get3A_224 = memref.load %arg1[%get3A_222, %get3A_223] : memref<32x16xf32, #tpu.memory_space<smem>>
    %add3A_225 = arith.addf %add3A_177, %get3A_224 : f32
    %get3A_226 = arith.constant 4 : index
    %get3A_227 = arith.constant 6 : index
    %get3A_228 = memref.load %arg1[%get3A_226, %get3A_227] : memref<32x16xf32, #tpu.memory_space<smem>>
    %add3A_229 = arith.addf %add3A_181, %get3A_228 : f32
    %get3A_230 = arith.constant 4 : index
    %get3A_231 = arith.constant 7 : index
    %get3A_232 = memref.load %arg1[%get3A_230, %get3A_231] : memref<32x16xf32, #tpu.memory_space<smem>>
    %add3A_233 = arith.addf %add3A_185, %get3A_232 : f32
    %get3A_234 = arith.constant 4 : index
    %get3A_235 = arith.constant 8 : index
    %get3A_236 = memref.load %arg1[%get3A_234, %get3A_235] : memref<32x16xf32, #tpu.memory_space<smem>>
    %add3A_237 = arith.addf %add3A_189, %get3A_236 : f32
    %get3A_238 = arith.constant 4 : index
    %get3A_239 = arith.constant 9 : index
    %get3A_240 = memref.load %arg1[%get3A_238, %get3A_239] : memref<32x16xf32, #tpu.memory_space<smem>>
    %add3A_241 = arith.addf %add3A_193, %get3A_240 : f32
    %get3A_242 = arith.constant 4 : index
    %get3A_243 = arith.constant 10 : index
    %get3A_244 = memref.load %arg1[%get3A_242, %get3A_243] : memref<32x16xf32, #tpu.memory_space<smem>>
    %add3A_245 = arith.addf %add3A_197, %get3A_244 : f32
    %get3A_246 = arith.constant 4 : index
    %get3A_247 = arith.constant 11 : index
    %get3A_248 = memref.load %arg1[%get3A_246, %get3A_247] : memref<32x16xf32, #tpu.memory_space<smem>>
    %add3A_249 = arith.addf %add3A_201, %get3A_248 : f32
    %get3A_250 = arith.constant 5 : index
    %get3A_251 = arith.constant 0 : index
    %get3A_252 = memref.load %arg1[%get3A_250, %get3A_251] : memref<32x16xf32, #tpu.memory_space<smem>>
    %add3A_253 = arith.addf %add3A_205, %get3A_252 : f32
    %get3A_254 = arith.constant 5 : index
    %get3A_255 = arith.constant 1 : index
    %get3A_256 = memref.load %arg1[%get3A_254, %get3A_255] : memref<32x16xf32, #tpu.memory_space<smem>>
    %add3A_257 = arith.addf %add3A_209, %get3A_256 : f32
    %get3A_258 = arith.constant 5 : index
    %get3A_259 = arith.constant 2 : index
    %get3A_260 = memref.load %arg1[%get3A_258, %get3A_259] : memref<32x16xf32, #tpu.memory_space<smem>>
    %add3A_261 = arith.addf %add3A_213, %get3A_260 : f32
    %get3A_262 = arith.constant 5 : index
    %get3A_263 = arith.constant 3 : index
    %get3A_264 = memref.load %arg1[%get3A_262, %get3A_263] : memref<32x16xf32, #tpu.memory_space<smem>>
    %add3A_265 = arith.addf %add3A_217, %get3A_264 : f32
    %get3A_266 = arith.constant 5 : index
    %get3A_267 = arith.constant 4 : index
    %get3A_268 = memref.load %arg1[%get3A_266, %get3A_267] : memref<32x16xf32, #tpu.memory_space<smem>>
    %add3A_269 = arith.addf %add3A_221, %get3A_268 : f32
    %get3A_270 = arith.constant 5 : index
    %get3A_271 = arith.constant 5 : index
    %get3A_272 = memref.load %arg1[%get3A_270, %get3A_271] : memref<32x16xf32, #tpu.memory_space<smem>>
    %add3A_273 = arith.addf %add3A_225, %get3A_272 : f32
    %get3A_274 = arith.constant 5 : index
    %get3A_275 = arith.constant 6 : index
    %get3A_276 = memref.load %arg1[%get3A_274, %get3A_275] : memref<32x16xf32, #tpu.memory_space<smem>>
    %add3A_277 = arith.addf %add3A_229, %get3A_276 : f32
    %get3A_278 = arith.constant 5 : index
    %get3A_279 = arith.constant 7 : index
    %get3A_280 = memref.load %arg1[%get3A_278, %get3A_279] : memref<32x16xf32, #tpu.memory_space<smem>>
    %add3A_281 = arith.addf %add3A_233, %get3A_280 : f32
    %get3A_282 = arith.constant 5 : index
    %get3A_283 = arith.constant 8 : index
    %get3A_284 = memref.load %arg1[%get3A_282, %get3A_283] : memref<32x16xf32, #tpu.memory_space<smem>>
    %add3A_285 = arith.addf %add3A_237, %get3A_284 : f32
    %get3A_286 = arith.constant 5 : index
    %get3A_287 = arith.constant 9 : index
    %get3A_288 = memref.load %arg1[%get3A_286, %get3A_287] : memref<32x16xf32, #tpu.memory_space<smem>>
    %add3A_289 = arith.addf %add3A_241, %get3A_288 : f32
    %get3A_290 = arith.constant 5 : index
    %get3A_291 = arith.constant 10 : index
    %get3A_292 = memref.load %arg1[%get3A_290, %get3A_291] : memref<32x16xf32, #tpu.memory_space<smem>>
    %add3A_293 = arith.addf %add3A_245, %get3A_292 : f32
    %get3A_294 = arith.constant 5 : index
    %get3A_295 = arith.constant 11 : index
    %get3A_296 = memref.load %arg1[%get3A_294, %get3A_295] : memref<32x16xf32, #tpu.memory_space<smem>>
    %add3A_297 = arith.addf %add3A_249, %get3A_296 : f32
    %get3A_298 = arith.constant 6 : index
    %get3A_299 = arith.constant 0 : index
    %get3A_300 = memref.load %arg1[%get3A_298, %get3A_299] : memref<32x16xf32, #tpu.memory_space<smem>>
    %add3A_301 = arith.addf %add3A_253, %get3A_300 : f32
    %get3A_302 = arith.constant 6 : index
    %get3A_303 = arith.constant 1 : index
    %get3A_304 = memref.load %arg1[%get3A_302, %get3A_303] : memref<32x16xf32, #tpu.memory_space<smem>>
    %add3A_305 = arith.addf %add3A_257, %get3A_304 : f32
    %get3A_306 = arith.constant 6 : index
    %get3A_307 = arith.constant 2 : index
    %get3A_308 = memref.load %arg1[%get3A_306, %get3A_307] : memref<32x16xf32, #tpu.memory_space<smem>>
    %add3A_309 = arith.addf %add3A_261, %get3A_308 : f32
    %get3A_310 = arith.constant 6 : index
    %get3A_311 = arith.constant 3 : index
    %get3A_312 = memref.load %arg1[%get3A_310, %get3A_311] : memref<32x16xf32, #tpu.memory_space<smem>>
    %add3A_313 = arith.addf %add3A_265, %get3A_312 : f32
    %get3A_314 = arith.constant 6 : index
    %get3A_315 = arith.constant 4 : index
    %get3A_316 = memref.load %arg1[%get3A_314, %get3A_315] : memref<32x16xf32, #tpu.memory_space<smem>>
    %add3A_317 = arith.addf %add3A_269, %get3A_316 : f32
    %get3A_318 = arith.constant 6 : index
    %get3A_319 = arith.constant 5 : index
    %get3A_320 = memref.load %arg1[%get3A_318, %get3A_319] : memref<32x16xf32, #tpu.memory_space<smem>>
    %add3A_321 = arith.addf %add3A_273, %get3A_320 : f32
    %get3A_322 = arith.constant 6 : index
    %get3A_323 = arith.constant 6 : index
    %get3A_324 = memref.load %arg1[%get3A_322, %get3A_323] : memref<32x16xf32, #tpu.memory_space<smem>>
    %add3A_325 = arith.addf %add3A_277, %get3A_324 : f32
    %get3A_326 = arith.constant 6 : index
    %get3A_327 = arith.constant 7 : index
    %get3A_328 = memref.load %arg1[%get3A_326, %get3A_327] : memref<32x16xf32, #tpu.memory_space<smem>>
    %add3A_329 = arith.addf %add3A_281, %get3A_328 : f32
    %get3A_330 = arith.constant 6 : index
    %get3A_331 = arith.constant 8 : index
    %get3A_332 = memref.load %arg1[%get3A_330, %get3A_331] : memref<32x16xf32, #tpu.memory_space<smem>>
    %add3A_333 = arith.addf %add3A_285, %get3A_332 : f32
    %get3A_334 = arith.constant 6 : index
    %get3A_335 = arith.constant 9 : index
    %get3A_336 = memref.load %arg1[%get3A_334, %get3A_335] : memref<32x16xf32, #tpu.memory_space<smem>>
    %add3A_337 = arith.addf %add3A_289, %get3A_336 : f32
    %get3A_338 = arith.constant 6 : index
    %get3A_339 = arith.constant 10 : index
    %get3A_340 = memref.load %arg1[%get3A_338, %get3A_339] : memref<32x16xf32, #tpu.memory_space<smem>>
    %add3A_341 = arith.addf %add3A_293, %get3A_340 : f32
    %get3A_342 = arith.constant 6 : index
    %get3A_343 = arith.constant 11 : index
    %get3A_344 = memref.load %arg1[%get3A_342, %get3A_343] : memref<32x16xf32, #tpu.memory_space<smem>>
    %add3A_345 = arith.addf %add3A_297, %get3A_344 : f32
    %get3A_346 = arith.constant 7 : index
    %get3A_347 = arith.constant 0 : index
    %get3A_348 = memref.load %arg1[%get3A_346, %get3A_347] : memref<32x16xf32, #tpu.memory_space<smem>>
    %add3A_349 = arith.addf %add3A_301, %get3A_348 : f32
    %get3A_350 = arith.constant 7 : index
    %get3A_351 = arith.constant 1 : index
    %get3A_352 = memref.load %arg1[%get3A_350, %get3A_351] : memref<32x16xf32, #tpu.memory_space<smem>>
    %add3A_353 = arith.addf %add3A_305, %get3A_352 : f32
    %get3A_354 = arith.constant 7 : index
    %get3A_355 = arith.constant 2 : index
    %get3A_356 = memref.load %arg1[%get3A_354, %get3A_355] : memref<32x16xf32, #tpu.memory_space<smem>>
    %add3A_357 = arith.addf %add3A_309, %get3A_356 : f32
    %get3A_358 = arith.constant 7 : index
    %get3A_359 = arith.constant 3 : index
    %get3A_360 = memref.load %arg1[%get3A_358, %get3A_359] : memref<32x16xf32, #tpu.memory_space<smem>>
    %add3A_361 = arith.addf %add3A_313, %get3A_360 : f32
    %get3A_362 = arith.constant 7 : index
    %get3A_363 = arith.constant 4 : index
    %get3A_364 = memref.load %arg1[%get3A_362, %get3A_363] : memref<32x16xf32, #tpu.memory_space<smem>>
    %add3A_365 = arith.addf %add3A_317, %get3A_364 : f32
    %get3A_366 = arith.constant 7 : index
    %get3A_367 = arith.constant 5 : index
    %get3A_368 = memref.load %arg1[%get3A_366, %get3A_367] : memref<32x16xf32, #tpu.memory_space<smem>>
    %add3A_369 = arith.addf %add3A_321, %get3A_368 : f32
    %get3A_370 = arith.constant 7 : index
    %get3A_371 = arith.constant 6 : index
    %get3A_372 = memref.load %arg1[%get3A_370, %get3A_371] : memref<32x16xf32, #tpu.memory_space<smem>>
    %add3A_373 = arith.addf %add3A_325, %get3A_372 : f32
    %get3A_374 = arith.constant 7 : index
    %get3A_375 = arith.constant 7 : index
    %get3A_376 = memref.load %arg1[%get3A_374, %get3A_375] : memref<32x16xf32, #tpu.memory_space<smem>>
    %add3A_377 = arith.addf %add3A_329, %get3A_376 : f32
    %get3A_378 = arith.constant 7 : index
    %get3A_379 = arith.constant 8 : index
    %get3A_380 = memref.load %arg1[%get3A_378, %get3A_379] : memref<32x16xf32, #tpu.memory_space<smem>>
    %add3A_381 = arith.addf %add3A_333, %get3A_380 : f32
    %get3A_382 = arith.constant 7 : index
    %get3A_383 = arith.constant 9 : index
    %get3A_384 = memref.load %arg1[%get3A_382, %get3A_383] : memref<32x16xf32, #tpu.memory_space<smem>>
    %add3A_385 = arith.addf %add3A_337, %get3A_384 : f32
    %get3A_386 = arith.constant 7 : index
    %get3A_387 = arith.constant 10 : index
    %get3A_388 = memref.load %arg1[%get3A_386, %get3A_387] : memref<32x16xf32, #tpu.memory_space<smem>>
    %add3A_389 = arith.addf %add3A_341, %get3A_388 : f32
    %get3A_390 = arith.constant 7 : index
    %get3A_391 = arith.constant 11 : index
    %get3A_392 = memref.load %arg1[%get3A_390, %get3A_391] : memref<32x16xf32, #tpu.memory_space<smem>>
    %add3A_393 = arith.addf %add3A_345, %get3A_392 : f32
    %get3A_394 = arith.constant 8 : index
    %get3A_395 = arith.constant 0 : index
    %get3A_396 = memref.load %arg1[%get3A_394, %get3A_395] : memref<32x16xf32, #tpu.memory_space<smem>>
    %add3A_397 = arith.addf %add3A_349, %get3A_396 : f32
    %get3A_398 = arith.constant 8 : index
    %get3A_399 = arith.constant 1 : index
    %get3A_400 = memref.load %arg1[%get3A_398, %get3A_399] : memref<32x16xf32, #tpu.memory_space<smem>>
    %add3A_401 = arith.addf %add3A_353, %get3A_400 : f32
    %get3A_402 = arith.constant 8 : index
    %get3A_403 = arith.constant 2 : index
    %get3A_404 = memref.load %arg1[%get3A_402, %get3A_403] : memref<32x16xf32, #tpu.memory_space<smem>>
    %add3A_405 = arith.addf %add3A_357, %get3A_404 : f32
    %get3A_406 = arith.constant 8 : index
    %get3A_407 = arith.constant 3 : index
    %get3A_408 = memref.load %arg1[%get3A_406, %get3A_407] : memref<32x16xf32, #tpu.memory_space<smem>>
    %add3A_409 = arith.addf %add3A_361, %get3A_408 : f32
    %get3A_410 = arith.constant 8 : index
    %get3A_411 = arith.constant 4 : index
    %get3A_412 = memref.load %arg1[%get3A_410, %get3A_411] : memref<32x16xf32, #tpu.memory_space<smem>>
    %add3A_413 = arith.addf %add3A_365, %get3A_412 : f32
    %get3A_414 = arith.constant 8 : index
    %get3A_415 = arith.constant 5 : index
    %get3A_416 = memref.load %arg1[%get3A_414, %get3A_415] : memref<32x16xf32, #tpu.memory_space<smem>>
    %add3A_417 = arith.addf %add3A_369, %get3A_416 : f32
    %get3A_418 = arith.constant 8 : index
    %get3A_419 = arith.constant 6 : index
    %get3A_420 = memref.load %arg1[%get3A_418, %get3A_419] : memref<32x16xf32, #tpu.memory_space<smem>>
    %add3A_421 = arith.addf %add3A_373, %get3A_420 : f32
    %get3A_422 = arith.constant 8 : index
    %get3A_423 = arith.constant 7 : index
    %get3A_424 = memref.load %arg1[%get3A_422, %get3A_423] : memref<32x16xf32, #tpu.memory_space<smem>>
    %add3A_425 = arith.addf %add3A_377, %get3A_424 : f32
    %get3A_426 = arith.constant 8 : index
    %get3A_427 = arith.constant 8 : index
    %get3A_428 = memref.load %arg1[%get3A_426, %get3A_427] : memref<32x16xf32, #tpu.memory_space<smem>>
    %add3A_429 = arith.addf %add3A_381, %get3A_428 : f32
    %get3A_430 = arith.constant 8 : index
    %get3A_431 = arith.constant 9 : index
    %get3A_432 = memref.load %arg1[%get3A_430, %get3A_431] : memref<32x16xf32, #tpu.memory_space<smem>>
    %add3A_433 = arith.addf %add3A_385, %get3A_432 : f32
    %get3A_434 = arith.constant 8 : index
    %get3A_435 = arith.constant 10 : index
    %get3A_436 = memref.load %arg1[%get3A_434, %get3A_435] : memref<32x16xf32, #tpu.memory_space<smem>>
    %add3A_437 = arith.addf %add3A_389, %get3A_436 : f32
    %get3A_438 = arith.constant 8 : index
    %get3A_439 = arith.constant 11 : index
    %get3A_440 = memref.load %arg1[%get3A_438, %get3A_439] : memref<32x16xf32, #tpu.memory_space<smem>>
    %add3A_441 = arith.addf %add3A_393, %get3A_440 : f32
    %get3A_442 = arith.constant 9 : index
    %get3A_443 = arith.constant 0 : index
    %get3A_444 = memref.load %arg1[%get3A_442, %get3A_443] : memref<32x16xf32, #tpu.memory_space<smem>>
    %add3A_445 = arith.addf %add3A_397, %get3A_444 : f32
    %get3A_446 = arith.constant 9 : index
    %get3A_447 = arith.constant 1 : index
    %get3A_448 = memref.load %arg1[%get3A_446, %get3A_447] : memref<32x16xf32, #tpu.memory_space<smem>>
    %add3A_449 = arith.addf %add3A_401, %get3A_448 : f32
    %get3A_450 = arith.constant 9 : index
    %get3A_451 = arith.constant 2 : index
    %get3A_452 = memref.load %arg1[%get3A_450, %get3A_451] : memref<32x16xf32, #tpu.memory_space<smem>>
    %add3A_453 = arith.addf %add3A_405, %get3A_452 : f32
    %get3A_454 = arith.constant 9 : index
    %get3A_455 = arith.constant 3 : index
    %get3A_456 = memref.load %arg1[%get3A_454, %get3A_455] : memref<32x16xf32, #tpu.memory_space<smem>>
    %add3A_457 = arith.addf %add3A_409, %get3A_456 : f32
    %get3A_458 = arith.constant 9 : index
    %get3A_459 = arith.constant 4 : index
    %get3A_460 = memref.load %arg1[%get3A_458, %get3A_459] : memref<32x16xf32, #tpu.memory_space<smem>>
    %add3A_461 = arith.addf %add3A_413, %get3A_460 : f32
    %get3A_462 = arith.constant 9 : index
    %get3A_463 = arith.constant 5 : index
    %get3A_464 = memref.load %arg1[%get3A_462, %get3A_463] : memref<32x16xf32, #tpu.memory_space<smem>>
    %add3A_465 = arith.addf %add3A_417, %get3A_464 : f32
    %get3A_466 = arith.constant 9 : index
    %get3A_467 = arith.constant 6 : index
    %get3A_468 = memref.load %arg1[%get3A_466, %get3A_467] : memref<32x16xf32, #tpu.memory_space<smem>>
    %add3A_469 = arith.addf %add3A_421, %get3A_468 : f32
    %get3A_470 = arith.constant 9 : index
    %get3A_471 = arith.constant 7 : index
    %get3A_472 = memref.load %arg1[%get3A_470, %get3A_471] : memref<32x16xf32, #tpu.memory_space<smem>>
    %add3A_473 = arith.addf %add3A_425, %get3A_472 : f32
    %get3A_474 = arith.constant 9 : index
    %get3A_475 = arith.constant 8 : index
    %get3A_476 = memref.load %arg1[%get3A_474, %get3A_475] : memref<32x16xf32, #tpu.memory_space<smem>>
    %add3A_477 = arith.addf %add3A_429, %get3A_476 : f32
    %get3A_478 = arith.constant 9 : index
    %get3A_479 = arith.constant 9 : index
    %get3A_480 = memref.load %arg1[%get3A_478, %get3A_479] : memref<32x16xf32, #tpu.memory_space<smem>>
    %add3A_481 = arith.addf %add3A_433, %get3A_480 : f32
    %get3A_482 = arith.constant 9 : index
    %get3A_483 = arith.constant 10 : index
    %get3A_484 = memref.load %arg1[%get3A_482, %get3A_483] : memref<32x16xf32, #tpu.memory_space<smem>>
    %add3A_485 = arith.addf %add3A_437, %get3A_484 : f32
    %get3A_486 = arith.constant 9 : index
    %get3A_487 = arith.constant 11 : index
    %get3A_488 = memref.load %arg1[%get3A_486, %get3A_487] : memref<32x16xf32, #tpu.memory_space<smem>>
    %add3A_489 = arith.addf %add3A_441, %get3A_488 : f32
    %get3A_490 = arith.constant 10 : index
    %get3A_491 = arith.constant 0 : index
    %get3A_492 = memref.load %arg1[%get3A_490, %get3A_491] : memref<32x16xf32, #tpu.memory_space<smem>>
    %add3A_493 = arith.addf %add3A_445, %get3A_492 : f32
    %get3A_494 = arith.constant 10 : index
    %get3A_495 = arith.constant 1 : index
    %get3A_496 = memref.load %arg1[%get3A_494, %get3A_495] : memref<32x16xf32, #tpu.memory_space<smem>>
    %add3A_497 = arith.addf %add3A_449, %get3A_496 : f32
    %get3A_498 = arith.constant 10 : index
    %get3A_499 = arith.constant 2 : index
    %get3A_500 = memref.load %arg1[%get3A_498, %get3A_499] : memref<32x16xf32, #tpu.memory_space<smem>>
    %add3A_501 = arith.addf %add3A_453, %get3A_500 : f32
    %get3A_502 = arith.constant 10 : index
    %get3A_503 = arith.constant 3 : index
    %get3A_504 = memref.load %arg1[%get3A_502, %get3A_503] : memref<32x16xf32, #tpu.memory_space<smem>>
    %add3A_505 = arith.addf %add3A_457, %get3A_504 : f32
    %get3A_506 = arith.constant 10 : index
    %get3A_507 = arith.constant 4 : index
    %get3A_508 = memref.load %arg1[%get3A_506, %get3A_507] : memref<32x16xf32, #tpu.memory_space<smem>>
    %add3A_509 = arith.addf %add3A_461, %get3A_508 : f32
    %get3A_510 = arith.constant 10 : index
    %get3A_511 = arith.constant 5 : index
    %get3A_512 = memref.load %arg1[%get3A_510, %get3A_511] : memref<32x16xf32, #tpu.memory_space<smem>>
    %add3A_513 = arith.addf %add3A_465, %get3A_512 : f32
    %get3A_514 = arith.constant 10 : index
    %get3A_515 = arith.constant 6 : index
    %get3A_516 = memref.load %arg1[%get3A_514, %get3A_515] : memref<32x16xf32, #tpu.memory_space<smem>>
    %add3A_517 = arith.addf %add3A_469, %get3A_516 : f32
    %get3A_518 = arith.constant 10 : index
    %get3A_519 = arith.constant 7 : index
    %get3A_520 = memref.load %arg1[%get3A_518, %get3A_519] : memref<32x16xf32, #tpu.memory_space<smem>>
    %add3A_521 = arith.addf %add3A_473, %get3A_520 : f32
    %get3A_522 = arith.constant 10 : index
    %get3A_523 = arith.constant 8 : index
    %get3A_524 = memref.load %arg1[%get3A_522, %get3A_523] : memref<32x16xf32, #tpu.memory_space<smem>>
    %add3A_525 = arith.addf %add3A_477, %get3A_524 : f32
    %get3A_526 = arith.constant 10 : index
    %get3A_527 = arith.constant 9 : index
    %get3A_528 = memref.load %arg1[%get3A_526, %get3A_527] : memref<32x16xf32, #tpu.memory_space<smem>>
    %add3A_529 = arith.addf %add3A_481, %get3A_528 : f32
    %get3A_530 = arith.constant 10 : index
    %get3A_531 = arith.constant 10 : index
    %get3A_532 = memref.load %arg1[%get3A_530, %get3A_531] : memref<32x16xf32, #tpu.memory_space<smem>>
    %add3A_533 = arith.addf %add3A_485, %get3A_532 : f32
    %get3A_534 = arith.constant 10 : index
    %get3A_535 = arith.constant 11 : index
    %get3A_536 = memref.load %arg1[%get3A_534, %get3A_535] : memref<32x16xf32, #tpu.memory_space<smem>>
    %add3A_537 = arith.addf %add3A_489, %get3A_536 : f32
    %get3A_538 = arith.constant 11 : index
    %get3A_539 = arith.constant 0 : index
    %get3A_540 = memref.load %arg1[%get3A_538, %get3A_539] : memref<32x16xf32, #tpu.memory_space<smem>>
    %add3A_541 = arith.addf %add3A_493, %get3A_540 : f32
    %get3A_542 = arith.constant 11 : index
    %get3A_543 = arith.constant 1 : index
    %get3A_544 = memref.load %arg1[%get3A_542, %get3A_543] : memref<32x16xf32, #tpu.memory_space<smem>>
    %add3A_545 = arith.addf %add3A_497, %get3A_544 : f32
    %get3A_546 = arith.constant 11 : index
    %get3A_547 = arith.constant 2 : index
    %get3A_548 = memref.load %arg1[%get3A_546, %get3A_547] : memref<32x16xf32, #tpu.memory_space<smem>>
    %add3A_549 = arith.addf %add3A_501, %get3A_548 : f32
    %get3A_550 = arith.constant 11 : index
    %get3A_551 = arith.constant 3 : index
    %get3A_552 = memref.load %arg1[%get3A_550, %get3A_551] : memref<32x16xf32, #tpu.memory_space<smem>>
    %add3A_553 = arith.addf %add3A_505, %get3A_552 : f32
    %get3A_554 = arith.constant 11 : index
    %get3A_555 = arith.constant 4 : index
    %get3A_556 = memref.load %arg1[%get3A_554, %get3A_555] : memref<32x16xf32, #tpu.memory_space<smem>>
    %add3A_557 = arith.addf %add3A_509, %get3A_556 : f32
    %get3A_558 = arith.constant 11 : index
    %get3A_559 = arith.constant 5 : index
    %get3A_560 = memref.load %arg1[%get3A_558, %get3A_559] : memref<32x16xf32, #tpu.memory_space<smem>>
    %add3A_561 = arith.addf %add3A_513, %get3A_560 : f32
    %get3A_562 = arith.constant 11 : index
    %get3A_563 = arith.constant 6 : index
    %get3A_564 = memref.load %arg1[%get3A_562, %get3A_563] : memref<32x16xf32, #tpu.memory_space<smem>>
    %add3A_565 = arith.addf %add3A_517, %get3A_564 : f32
    %get3A_566 = arith.constant 11 : index
    %get3A_567 = arith.constant 7 : index
    %get3A_568 = memref.load %arg1[%get3A_566, %get3A_567] : memref<32x16xf32, #tpu.memory_space<smem>>
    %add3A_569 = arith.addf %add3A_521, %get3A_568 : f32
    %get3A_570 = arith.constant 11 : index
    %get3A_571 = arith.constant 8 : index
    %get3A_572 = memref.load %arg1[%get3A_570, %get3A_571] : memref<32x16xf32, #tpu.memory_space<smem>>
    %add3A_573 = arith.addf %add3A_525, %get3A_572 : f32
    %get3A_574 = arith.constant 11 : index
    %get3A_575 = arith.constant 9 : index
    %get3A_576 = memref.load %arg1[%get3A_574, %get3A_575] : memref<32x16xf32, #tpu.memory_space<smem>>
    %add3A_577 = arith.addf %add3A_529, %get3A_576 : f32
    %get3A_578 = arith.constant 11 : index
    %get3A_579 = arith.constant 10 : index
    %get3A_580 = memref.load %arg1[%get3A_578, %get3A_579] : memref<32x16xf32, #tpu.memory_space<smem>>
    %add3A_581 = arith.addf %add3A_533, %get3A_580 : f32
    %get3A_582 = arith.constant 11 : index
    %get3A_583 = arith.constant 11 : index
    %get3A_584 = memref.load %arg1[%get3A_582, %get3A_583] : memref<32x16xf32, #tpu.memory_space<smem>>
    %add3A_585 = arith.addf %add3A_537, %get3A_584 : f32
    %get3A_586 = arith.constant 12 : index
    %get3A_587 = arith.constant 0 : index
    %get3A_588 = memref.load %arg1[%get3A_586, %get3A_587] : memref<32x16xf32, #tpu.memory_space<smem>>
    %add3A_589 = arith.addf %add3A_541, %get3A_588 : f32
    %get3A_590 = arith.constant 12 : index
    %get3A_591 = arith.constant 1 : index
    %get3A_592 = memref.load %arg1[%get3A_590, %get3A_591] : memref<32x16xf32, #tpu.memory_space<smem>>
    %add3A_593 = arith.addf %add3A_545, %get3A_592 : f32
    %get3A_594 = arith.constant 12 : index
    %get3A_595 = arith.constant 2 : index
    %get3A_596 = memref.load %arg1[%get3A_594, %get3A_595] : memref<32x16xf32, #tpu.memory_space<smem>>
    %add3A_597 = arith.addf %add3A_549, %get3A_596 : f32
    %get3A_598 = arith.constant 12 : index
    %get3A_599 = arith.constant 3 : index
    %get3A_600 = memref.load %arg1[%get3A_598, %get3A_599] : memref<32x16xf32, #tpu.memory_space<smem>>
    %add3A_601 = arith.addf %add3A_553, %get3A_600 : f32
    %get3A_602 = arith.constant 12 : index
    %get3A_603 = arith.constant 4 : index
    %get3A_604 = memref.load %arg1[%get3A_602, %get3A_603] : memref<32x16xf32, #tpu.memory_space<smem>>
    %add3A_605 = arith.addf %add3A_557, %get3A_604 : f32
    %get3A_606 = arith.constant 12 : index
    %get3A_607 = arith.constant 5 : index
    %get3A_608 = memref.load %arg1[%get3A_606, %get3A_607] : memref<32x16xf32, #tpu.memory_space<smem>>
    %add3A_609 = arith.addf %add3A_561, %get3A_608 : f32
    %get3A_610 = arith.constant 12 : index
    %get3A_611 = arith.constant 6 : index
    %get3A_612 = memref.load %arg1[%get3A_610, %get3A_611] : memref<32x16xf32, #tpu.memory_space<smem>>
    %add3A_613 = arith.addf %add3A_565, %get3A_612 : f32
    %get3A_614 = arith.constant 12 : index
    %get3A_615 = arith.constant 7 : index
    %get3A_616 = memref.load %arg1[%get3A_614, %get3A_615] : memref<32x16xf32, #tpu.memory_space<smem>>
    %add3A_617 = arith.addf %add3A_569, %get3A_616 : f32
    %get3A_618 = arith.constant 12 : index
    %get3A_619 = arith.constant 8 : index
    %get3A_620 = memref.load %arg1[%get3A_618, %get3A_619] : memref<32x16xf32, #tpu.memory_space<smem>>
    %add3A_621 = arith.addf %add3A_573, %get3A_620 : f32
    %get3A_622 = arith.constant 12 : index
    %get3A_623 = arith.constant 9 : index
    %get3A_624 = memref.load %arg1[%get3A_622, %get3A_623] : memref<32x16xf32, #tpu.memory_space<smem>>
    %add3A_625 = arith.addf %add3A_577, %get3A_624 : f32
    %get3A_626 = arith.constant 12 : index
    %get3A_627 = arith.constant 10 : index
    %get3A_628 = memref.load %arg1[%get3A_626, %get3A_627] : memref<32x16xf32, #tpu.memory_space<smem>>
    %add3A_629 = arith.addf %add3A_581, %get3A_628 : f32
    %get3A_630 = arith.constant 12 : index
    %get3A_631 = arith.constant 11 : index
    %get3A_632 = memref.load %arg1[%get3A_630, %get3A_631] : memref<32x16xf32, #tpu.memory_space<smem>>
    %add3A_633 = arith.addf %add3A_585, %get3A_632 : f32
    %get3A_634 = arith.constant 13 : index
    %get3A_635 = arith.constant 0 : index
    %get3A_636 = memref.load %arg1[%get3A_634, %get3A_635] : memref<32x16xf32, #tpu.memory_space<smem>>
    %add3A_637 = arith.addf %add3A_589, %get3A_636 : f32
    %get3A_638 = arith.constant 13 : index
    %get3A_639 = arith.constant 1 : index
    %get3A_640 = memref.load %arg1[%get3A_638, %get3A_639] : memref<32x16xf32, #tpu.memory_space<smem>>
    %add3A_641 = arith.addf %add3A_593, %get3A_640 : f32
    %get3A_642 = arith.constant 13 : index
    %get3A_643 = arith.constant 2 : index
    %get3A_644 = memref.load %arg1[%get3A_642, %get3A_643] : memref<32x16xf32, #tpu.memory_space<smem>>
    %add3A_645 = arith.addf %add3A_597, %get3A_644 : f32
    %get3A_646 = arith.constant 13 : index
    %get3A_647 = arith.constant 3 : index
    %get3A_648 = memref.load %arg1[%get3A_646, %get3A_647] : memref<32x16xf32, #tpu.memory_space<smem>>
    %add3A_649 = arith.addf %add3A_601, %get3A_648 : f32
    %get3A_650 = arith.constant 13 : index
    %get3A_651 = arith.constant 4 : index
    %get3A_652 = memref.load %arg1[%get3A_650, %get3A_651] : memref<32x16xf32, #tpu.memory_space<smem>>
    %add3A_653 = arith.addf %add3A_605, %get3A_652 : f32
    %get3A_654 = arith.constant 13 : index
    %get3A_655 = arith.constant 5 : index
    %get3A_656 = memref.load %arg1[%get3A_654, %get3A_655] : memref<32x16xf32, #tpu.memory_space<smem>>
    %add3A_657 = arith.addf %add3A_609, %get3A_656 : f32
    %get3A_658 = arith.constant 13 : index
    %get3A_659 = arith.constant 6 : index
    %get3A_660 = memref.load %arg1[%get3A_658, %get3A_659] : memref<32x16xf32, #tpu.memory_space<smem>>
    %add3A_661 = arith.addf %add3A_613, %get3A_660 : f32
    %get3A_662 = arith.constant 13 : index
    %get3A_663 = arith.constant 7 : index
    %get3A_664 = memref.load %arg1[%get3A_662, %get3A_663] : memref<32x16xf32, #tpu.memory_space<smem>>
    %add3A_665 = arith.addf %add3A_617, %get3A_664 : f32
    %get3A_666 = arith.constant 13 : index
    %get3A_667 = arith.constant 8 : index
    %get3A_668 = memref.load %arg1[%get3A_666, %get3A_667] : memref<32x16xf32, #tpu.memory_space<smem>>
    %add3A_669 = arith.addf %add3A_621, %get3A_668 : f32
    %get3A_670 = arith.constant 13 : index
    %get3A_671 = arith.constant 9 : index
    %get3A_672 = memref.load %arg1[%get3A_670, %get3A_671] : memref<32x16xf32, #tpu.memory_space<smem>>
    %add3A_673 = arith.addf %add3A_625, %get3A_672 : f32
    %get3A_674 = arith.constant 13 : index
    %get3A_675 = arith.constant 10 : index
    %get3A_676 = memref.load %arg1[%get3A_674, %get3A_675] : memref<32x16xf32, #tpu.memory_space<smem>>
    %add3A_677 = arith.addf %add3A_629, %get3A_676 : f32
    %get3A_678 = arith.constant 13 : index
    %get3A_679 = arith.constant 11 : index
    %get3A_680 = memref.load %arg1[%get3A_678, %get3A_679] : memref<32x16xf32, #tpu.memory_space<smem>>
    %add3A_681 = arith.addf %add3A_633, %get3A_680 : f32
    %get3A_682 = arith.constant 14 : index
    %get3A_683 = arith.constant 0 : index
    %get3A_684 = memref.load %arg1[%get3A_682, %get3A_683] : memref<32x16xf32, #tpu.memory_space<smem>>
    %add3A_685 = arith.addf %add3A_637, %get3A_684 : f32
    %get3A_686 = arith.constant 14 : index
    %get3A_687 = arith.constant 1 : index
    %get3A_688 = memref.load %arg1[%get3A_686, %get3A_687] : memref<32x16xf32, #tpu.memory_space<smem>>
    %add3A_689 = arith.addf %add3A_641, %get3A_688 : f32
    %get3A_690 = arith.constant 14 : index
    %get3A_691 = arith.constant 2 : index
    %get3A_692 = memref.load %arg1[%get3A_690, %get3A_691] : memref<32x16xf32, #tpu.memory_space<smem>>
    %add3A_693 = arith.addf %add3A_645, %get3A_692 : f32
    %get3A_694 = arith.constant 14 : index
    %get3A_695 = arith.constant 3 : index
    %get3A_696 = memref.load %arg1[%get3A_694, %get3A_695] : memref<32x16xf32, #tpu.memory_space<smem>>
    %add3A_697 = arith.addf %add3A_649, %get3A_696 : f32
    %get3A_698 = arith.constant 14 : index
    %get3A_699 = arith.constant 4 : index
    %get3A_700 = memref.load %arg1[%get3A_698, %get3A_699] : memref<32x16xf32, #tpu.memory_space<smem>>
    %add3A_701 = arith.addf %add3A_653, %get3A_700 : f32
    %get3A_702 = arith.constant 14 : index
    %get3A_703 = arith.constant 5 : index
    %get3A_704 = memref.load %arg1[%get3A_702, %get3A_703] : memref<32x16xf32, #tpu.memory_space<smem>>
    %add3A_705 = arith.addf %add3A_657, %get3A_704 : f32
    %get3A_706 = arith.constant 14 : index
    %get3A_707 = arith.constant 6 : index
    %get3A_708 = memref.load %arg1[%get3A_706, %get3A_707] : memref<32x16xf32, #tpu.memory_space<smem>>
    %add3A_709 = arith.addf %add3A_661, %get3A_708 : f32
    %get3A_710 = arith.constant 14 : index
    %get3A_711 = arith.constant 7 : index
    %get3A_712 = memref.load %arg1[%get3A_710, %get3A_711] : memref<32x16xf32, #tpu.memory_space<smem>>
    %add3A_713 = arith.addf %add3A_665, %get3A_712 : f32
    %get3A_714 = arith.constant 14 : index
    %get3A_715 = arith.constant 8 : index
    %get3A_716 = memref.load %arg1[%get3A_714, %get3A_715] : memref<32x16xf32, #tpu.memory_space<smem>>
    %add3A_717 = arith.addf %add3A_669, %get3A_716 : f32
    %get3A_718 = arith.constant 14 : index
    %get3A_719 = arith.constant 9 : index
    %get3A_720 = memref.load %arg1[%get3A_718, %get3A_719] : memref<32x16xf32, #tpu.memory_space<smem>>
    %add3A_721 = arith.addf %add3A_673, %get3A_720 : f32
    %get3A_722 = arith.constant 14 : index
    %get3A_723 = arith.constant 10 : index
    %get3A_724 = memref.load %arg1[%get3A_722, %get3A_723] : memref<32x16xf32, #tpu.memory_space<smem>>
    %add3A_725 = arith.addf %add3A_677, %get3A_724 : f32
    %get3A_726 = arith.constant 14 : index
    %get3A_727 = arith.constant 11 : index
    %get3A_728 = memref.load %arg1[%get3A_726, %get3A_727] : memref<32x16xf32, #tpu.memory_space<smem>>
    %add3A_729 = arith.addf %add3A_681, %get3A_728 : f32
    %get3A_730 = arith.constant 15 : index
    %get3A_731 = arith.constant 0 : index
    %get3A_732 = memref.load %arg1[%get3A_730, %get3A_731] : memref<32x16xf32, #tpu.memory_space<smem>>
    %add3A_733 = arith.addf %add3A_685, %get3A_732 : f32
    %get3A_734 = arith.constant 15 : index
    %get3A_735 = arith.constant 1 : index
    %get3A_736 = memref.load %arg1[%get3A_734, %get3A_735] : memref<32x16xf32, #tpu.memory_space<smem>>
    %add3A_737 = arith.addf %add3A_689, %get3A_736 : f32
    %get3A_738 = arith.constant 15 : index
    %get3A_739 = arith.constant 2 : index
    %get3A_740 = memref.load %arg1[%get3A_738, %get3A_739] : memref<32x16xf32, #tpu.memory_space<smem>>
    %add3A_741 = arith.addf %add3A_693, %get3A_740 : f32
    %get3A_742 = arith.constant 15 : index
    %get3A_743 = arith.constant 3 : index
    %get3A_744 = memref.load %arg1[%get3A_742, %get3A_743] : memref<32x16xf32, #tpu.memory_space<smem>>
    %add3A_745 = arith.addf %add3A_697, %get3A_744 : f32
    %get3A_746 = arith.constant 15 : index
    %get3A_747 = arith.constant 4 : index
    %get3A_748 = memref.load %arg1[%get3A_746, %get3A_747] : memref<32x16xf32, #tpu.memory_space<smem>>
    %add3A_749 = arith.addf %add3A_701, %get3A_748 : f32
    %get3A_750 = arith.constant 15 : index
    %get3A_751 = arith.constant 5 : index
    %get3A_752 = memref.load %arg1[%get3A_750, %get3A_751] : memref<32x16xf32, #tpu.memory_space<smem>>
    %add3A_753 = arith.addf %add3A_705, %get3A_752 : f32
    %get3A_754 = arith.constant 15 : index
    %get3A_755 = arith.constant 6 : index
    %get3A_756 = memref.load %arg1[%get3A_754, %get3A_755] : memref<32x16xf32, #tpu.memory_space<smem>>
    %add3A_757 = arith.addf %add3A_709, %get3A_756 : f32
    %get3A_758 = arith.constant 15 : index
    %get3A_759 = arith.constant 7 : index
    %get3A_760 = memref.load %arg1[%get3A_758, %get3A_759] : memref<32x16xf32, #tpu.memory_space<smem>>
    %add3A_761 = arith.addf %add3A_713, %get3A_760 : f32
    %get3A_762 = arith.constant 15 : index
    %get3A_763 = arith.constant 8 : index
    %get3A_764 = memref.load %arg1[%get3A_762, %get3A_763] : memref<32x16xf32, #tpu.memory_space<smem>>
    %add3A_765 = arith.addf %add3A_717, %get3A_764 : f32
    %get3A_766 = arith.constant 15 : index
    %get3A_767 = arith.constant 9 : index
    %get3A_768 = memref.load %arg1[%get3A_766, %get3A_767] : memref<32x16xf32, #tpu.memory_space<smem>>
    %add3A_769 = arith.addf %add3A_721, %get3A_768 : f32
    %get3A_770 = arith.constant 15 : index
    %get3A_771 = arith.constant 10 : index
    %get3A_772 = memref.load %arg1[%get3A_770, %get3A_771] : memref<32x16xf32, #tpu.memory_space<smem>>
    %add3A_773 = arith.addf %add3A_725, %get3A_772 : f32
    %get3A_774 = arith.constant 15 : index
    %get3A_775 = arith.constant 11 : index
    %get3A_776 = memref.load %arg1[%get3A_774, %get3A_775] : memref<32x16xf32, #tpu.memory_space<smem>>
    %add3A_777 = arith.addf %add3A_729, %get3A_776 : f32
    %add3A_778 = arith.addf %add3A_765, %add3A_769 : f32
    %add3A_779 = arith.addf %add3A_778, %add3A_773 : f32
    %add3A_780 = arith.addf %add3A_779, %add3A_777 : f32
    %get3A_781 = arith.constant 0 : index
    %get3A_782 = arith.constant 0 : index
    %get3A_783 = memref.load %arg0[%get3A_781, %get3A_782] : memref<2x18xf32, #tpu.memory_space<smem>>
    %get3A_784 = arith.constant 0 : index
    %get3A_785 = arith.constant 8 : index
    %get3A_786 = memref.load %arg0[%get3A_784, %get3A_785] : memref<2x18xf32, #tpu.memory_space<smem>>
    %mul3A = arith.constant 5.000000e-01 : f32
    %mul3A_787 = arith.mulf %mul3A, %get3A_786 : f32
    %mul3A_788 = arith.constant 5.000000e-01 : f32
    %mul3A_789 = arith.mulf %mul3A_788, %get3A_783 : f32
    %add3A_790 = arith.addf %mul3A_787, %mul3A_789 : f32
    %add3A_791 = arith.constant 0.000000e+00 : f32
    %add3A_792 = arith.addf %add3A_791, %add3A_790 : f32
    %add3A_793 = arith.constant 0.000000e+00 : f32
    %add3A_794 = arith.addf %add3A_793, %get3A_783 : f32
    %gt3A = arith.constant 0.000000e+00 : f32
    %gt3A_795 = arith.cmpf ogt, %get3A_783, %gt3A : f32
    %mul3A_796 = arith.constant 2.000000e+00 : f32
    %mul3A_797 = arith.mulf %mul3A_796, %add3A_790 : f32
    %add3A_798 = arith.constant 9.99999974E-6 : f32
    %add3A_799 = arith.addf %mul3A_797, %add3A_798 : f32
    %mul3A_800 = arith.constant 2.000000e+00 : f32
    %mul3A_801 = arith.mulf %mul3A_800, %get3A_783 : f32
    %add3A_802 = arith.constant 9.99999974E-6 : f32
    %add3A_803 = arith.addf %mul3A_801, %add3A_802 : f32
    %div3A = arith.divf %add3A_799, %add3A_803 : f32
    %sub3A = arith.constant 1.000000e+00 : f32
    %sub3A_804 = arith.subf %sub3A, %div3A : f32
    %jit3A = arith.constant 1.000000e+00 : f32
    %jit3A_805 = arith.constant 0.000000e+00 : f32
    %select_n3A = arith.select %gt3A_795, %jit3A, %jit3A_805 : f32
    %add3A_806 = arith.constant 0.000000e+00 : f32
    %add3A_807 = arith.addf %add3A_806, %select_n3A : f32
    %jit3A_808 = arith.constant 0.000000e+00 : f32
    %select_n3A_809 = arith.select %gt3A_795, %sub3A_804, %jit3A_808 : f32
    %add3A_810 = arith.constant 0.000000e+00 : f32
    %add3A_811 = arith.addf %add3A_810, %select_n3A_809 : f32
    %get3A_812 = arith.constant 0 : index
    %get3A_813 = arith.constant 1 : index
    %get3A_814 = memref.load %arg0[%get3A_812, %get3A_813] : memref<2x18xf32, #tpu.memory_space<smem>>
    %get3A_815 = arith.constant 0 : index
    %get3A_816 = arith.constant 9 : index
    %get3A_817 = memref.load %arg0[%get3A_815, %get3A_816] : memref<2x18xf32, #tpu.memory_space<smem>>
    %mul3A_818 = arith.constant 5.000000e-01 : f32
    %mul3A_819 = arith.mulf %mul3A_818, %get3A_817 : f32
    %mul3A_820 = arith.constant 5.000000e-01 : f32
    %mul3A_821 = arith.mulf %mul3A_820, %get3A_814 : f32
    %add3A_822 = arith.addf %mul3A_819, %mul3A_821 : f32
    %add3A_823 = arith.addf %add3A_792, %add3A_822 : f32
    %add3A_824 = arith.addf %add3A_794, %get3A_814 : f32
    %gt3A_825 = arith.constant 0.000000e+00 : f32
    %gt3A_826 = arith.cmpf ogt, %get3A_814, %gt3A_825 : f32
    %mul3A_827 = arith.constant 2.000000e+00 : f32
    %mul3A_828 = arith.mulf %mul3A_827, %add3A_822 : f32
    %add3A_829 = arith.constant 9.99999974E-6 : f32
    %add3A_830 = arith.addf %mul3A_828, %add3A_829 : f32
    %mul3A_831 = arith.constant 2.000000e+00 : f32
    %mul3A_832 = arith.mulf %mul3A_831, %get3A_814 : f32
    %add3A_833 = arith.constant 9.99999974E-6 : f32
    %add3A_834 = arith.addf %mul3A_832, %add3A_833 : f32
    %div3A_835 = arith.divf %add3A_830, %add3A_834 : f32
    %sub3A_836 = arith.constant 1.000000e+00 : f32
    %sub3A_837 = arith.subf %sub3A_836, %div3A_835 : f32
    %jit3A_838 = arith.constant 1.000000e+00 : f32
    %jit3A_839 = arith.constant 0.000000e+00 : f32
    %select_n3A_840 = arith.select %gt3A_826, %jit3A_838, %jit3A_839 : f32
    %add3A_841 = arith.addf %add3A_807, %select_n3A_840 : f32
    %jit3A_842 = arith.constant 0.000000e+00 : f32
    %select_n3A_843 = arith.select %gt3A_826, %sub3A_837, %jit3A_842 : f32
    %add3A_844 = arith.addf %add3A_811, %select_n3A_843 : f32
    %get3A_845 = arith.constant 0 : index
    %get3A_846 = arith.constant 2 : index
    %get3A_847 = memref.load %arg0[%get3A_845, %get3A_846] : memref<2x18xf32, #tpu.memory_space<smem>>
    %get3A_848 = arith.constant 0 : index
    %get3A_849 = arith.constant 10 : index
    %get3A_850 = memref.load %arg0[%get3A_848, %get3A_849] : memref<2x18xf32, #tpu.memory_space<smem>>
    %mul3A_851 = arith.constant 5.000000e-01 : f32
    %mul3A_852 = arith.mulf %mul3A_851, %get3A_850 : f32
    %mul3A_853 = arith.constant 5.000000e-01 : f32
    %mul3A_854 = arith.mulf %mul3A_853, %get3A_847 : f32
    %add3A_855 = arith.addf %mul3A_852, %mul3A_854 : f32
    %add3A_856 = arith.addf %add3A_823, %add3A_855 : f32
    %add3A_857 = arith.addf %add3A_824, %get3A_847 : f32
    %gt3A_858 = arith.constant 0.000000e+00 : f32
    %gt3A_859 = arith.cmpf ogt, %get3A_847, %gt3A_858 : f32
    %mul3A_860 = arith.constant 2.000000e+00 : f32
    %mul3A_861 = arith.mulf %mul3A_860, %add3A_855 : f32
    %add3A_862 = arith.constant 9.99999974E-6 : f32
    %add3A_863 = arith.addf %mul3A_861, %add3A_862 : f32
    %mul3A_864 = arith.constant 2.000000e+00 : f32
    %mul3A_865 = arith.mulf %mul3A_864, %get3A_847 : f32
    %add3A_866 = arith.constant 9.99999974E-6 : f32
    %add3A_867 = arith.addf %mul3A_865, %add3A_866 : f32
    %div3A_868 = arith.divf %add3A_863, %add3A_867 : f32
    %sub3A_869 = arith.constant 1.000000e+00 : f32
    %sub3A_870 = arith.subf %sub3A_869, %div3A_868 : f32
    %jit3A_871 = arith.constant 1.000000e+00 : f32
    %jit3A_872 = arith.constant 0.000000e+00 : f32
    %select_n3A_873 = arith.select %gt3A_859, %jit3A_871, %jit3A_872 : f32
    %add3A_874 = arith.addf %add3A_841, %select_n3A_873 : f32
    %jit3A_875 = arith.constant 0.000000e+00 : f32
    %select_n3A_876 = arith.select %gt3A_859, %sub3A_870, %jit3A_875 : f32
    %add3A_877 = arith.addf %add3A_844, %select_n3A_876 : f32
    %get3A_878 = arith.constant 0 : index
    %get3A_879 = arith.constant 3 : index
    %get3A_880 = memref.load %arg0[%get3A_878, %get3A_879] : memref<2x18xf32, #tpu.memory_space<smem>>
    %get3A_881 = arith.constant 0 : index
    %get3A_882 = arith.constant 11 : index
    %get3A_883 = memref.load %arg0[%get3A_881, %get3A_882] : memref<2x18xf32, #tpu.memory_space<smem>>
    %mul3A_884 = arith.constant 5.000000e-01 : f32
    %mul3A_885 = arith.mulf %mul3A_884, %get3A_883 : f32
    %mul3A_886 = arith.constant 5.000000e-01 : f32
    %mul3A_887 = arith.mulf %mul3A_886, %get3A_880 : f32
    %add3A_888 = arith.addf %mul3A_885, %mul3A_887 : f32
    %add3A_889 = arith.addf %add3A_856, %add3A_888 : f32
    %add3A_890 = arith.addf %add3A_857, %get3A_880 : f32
    %gt3A_891 = arith.constant 0.000000e+00 : f32
    %gt3A_892 = arith.cmpf ogt, %get3A_880, %gt3A_891 : f32
    %mul3A_893 = arith.constant 2.000000e+00 : f32
    %mul3A_894 = arith.mulf %mul3A_893, %add3A_888 : f32
    %add3A_895 = arith.constant 9.99999974E-6 : f32
    %add3A_896 = arith.addf %mul3A_894, %add3A_895 : f32
    %mul3A_897 = arith.constant 2.000000e+00 : f32
    %mul3A_898 = arith.mulf %mul3A_897, %get3A_880 : f32
    %add3A_899 = arith.constant 9.99999974E-6 : f32
    %add3A_900 = arith.addf %mul3A_898, %add3A_899 : f32
    %div3A_901 = arith.divf %add3A_896, %add3A_900 : f32
    %sub3A_902 = arith.constant 1.000000e+00 : f32
    %sub3A_903 = arith.subf %sub3A_902, %div3A_901 : f32
    %jit3A_904 = arith.constant 1.000000e+00 : f32
    %jit3A_905 = arith.constant 0.000000e+00 : f32
    %select_n3A_906 = arith.select %gt3A_892, %jit3A_904, %jit3A_905 : f32
    %add3A_907 = arith.addf %add3A_874, %select_n3A_906 : f32
    %jit3A_908 = arith.constant 0.000000e+00 : f32
    %select_n3A_909 = arith.select %gt3A_892, %sub3A_903, %jit3A_908 : f32
    %add3A_910 = arith.addf %add3A_877, %select_n3A_909 : f32
    %get3A_911 = arith.constant 0 : index
    %get3A_912 = arith.constant 4 : index
    %get3A_913 = memref.load %arg0[%get3A_911, %get3A_912] : memref<2x18xf32, #tpu.memory_space<smem>>
    %get3A_914 = arith.constant 0 : index
    %get3A_915 = arith.constant 12 : index
    %get3A_916 = memref.load %arg0[%get3A_914, %get3A_915] : memref<2x18xf32, #tpu.memory_space<smem>>
    %mul3A_917 = arith.constant 5.000000e-01 : f32
    %mul3A_918 = arith.mulf %mul3A_917, %get3A_916 : f32
    %mul3A_919 = arith.constant 5.000000e-01 : f32
    %mul3A_920 = arith.mulf %mul3A_919, %get3A_913 : f32
    %add3A_921 = arith.addf %mul3A_918, %mul3A_920 : f32
    %add3A_922 = arith.addf %get3A_913, %add3A_733 : f32
    %add3A_923 = arith.addf %add3A_921, %add3A_749 : f32
    %add3A_924 = arith.addf %add3A_889, %add3A_923 : f32
    %add3A_925 = arith.addf %add3A_890, %add3A_922 : f32
    %gt3A_926 = arith.constant 0.000000e+00 : f32
    %gt3A_927 = arith.cmpf ogt, %add3A_922, %gt3A_926 : f32
    %mul3A_928 = arith.constant 2.000000e+00 : f32
    %mul3A_929 = arith.mulf %mul3A_928, %add3A_923 : f32
    %add3A_930 = arith.constant 9.99999974E-6 : f32
    %add3A_931 = arith.addf %mul3A_929, %add3A_930 : f32
    %mul3A_932 = arith.constant 2.000000e+00 : f32
    %mul3A_933 = arith.mulf %mul3A_932, %add3A_922 : f32
    %add3A_934 = arith.constant 9.99999974E-6 : f32
    %add3A_935 = arith.addf %mul3A_933, %add3A_934 : f32
    %div3A_936 = arith.divf %add3A_931, %add3A_935 : f32
    %sub3A_937 = arith.constant 1.000000e+00 : f32
    %sub3A_938 = arith.subf %sub3A_937, %div3A_936 : f32
    %jit3A_939 = arith.constant 1.000000e+00 : f32
    %jit3A_940 = arith.constant 0.000000e+00 : f32
    %select_n3A_941 = arith.select %gt3A_927, %jit3A_939, %jit3A_940 : f32
    %add3A_942 = arith.addf %add3A_907, %select_n3A_941 : f32
    %jit3A_943 = arith.constant 0.000000e+00 : f32
    %select_n3A_944 = arith.select %gt3A_927, %sub3A_938, %jit3A_943 : f32
    %add3A_945 = arith.addf %add3A_910, %select_n3A_944 : f32
    %get3A_946 = arith.constant 0 : index
    %get3A_947 = arith.constant 5 : index
    %get3A_948 = memref.load %arg0[%get3A_946, %get3A_947] : memref<2x18xf32, #tpu.memory_space<smem>>
    %get3A_949 = arith.constant 0 : index
    %get3A_950 = arith.constant 13 : index
    %get3A_951 = memref.load %arg0[%get3A_949, %get3A_950] : memref<2x18xf32, #tpu.memory_space<smem>>
    %mul3A_952 = arith.constant 5.000000e-01 : f32
    %mul3A_953 = arith.mulf %mul3A_952, %get3A_951 : f32
    %mul3A_954 = arith.constant 5.000000e-01 : f32
    %mul3A_955 = arith.mulf %mul3A_954, %get3A_948 : f32
    %add3A_956 = arith.addf %mul3A_953, %mul3A_955 : f32
    %add3A_957 = arith.addf %get3A_948, %add3A_737 : f32
    %add3A_958 = arith.addf %add3A_956, %add3A_753 : f32
    %add3A_959 = arith.addf %add3A_924, %add3A_958 : f32
    %add3A_960 = arith.addf %add3A_925, %add3A_957 : f32
    %gt3A_961 = arith.constant 0.000000e+00 : f32
    %gt3A_962 = arith.cmpf ogt, %add3A_957, %gt3A_961 : f32
    %mul3A_963 = arith.constant 2.000000e+00 : f32
    %mul3A_964 = arith.mulf %mul3A_963, %add3A_958 : f32
    %add3A_965 = arith.constant 9.99999974E-6 : f32
    %add3A_966 = arith.addf %mul3A_964, %add3A_965 : f32
    %mul3A_967 = arith.constant 2.000000e+00 : f32
    %mul3A_968 = arith.mulf %mul3A_967, %add3A_957 : f32
    %add3A_969 = arith.constant 9.99999974E-6 : f32
    %add3A_970 = arith.addf %mul3A_968, %add3A_969 : f32
    %div3A_971 = arith.divf %add3A_966, %add3A_970 : f32
    %sub3A_972 = arith.constant 1.000000e+00 : f32
    %sub3A_973 = arith.subf %sub3A_972, %div3A_971 : f32
    %jit3A_974 = arith.constant 1.000000e+00 : f32
    %jit3A_975 = arith.constant 0.000000e+00 : f32
    %select_n3A_976 = arith.select %gt3A_962, %jit3A_974, %jit3A_975 : f32
    %add3A_977 = arith.addf %add3A_942, %select_n3A_976 : f32
    %jit3A_978 = arith.constant 0.000000e+00 : f32
    %select_n3A_979 = arith.select %gt3A_962, %sub3A_973, %jit3A_978 : f32
    %add3A_980 = arith.addf %add3A_945, %select_n3A_979 : f32
    %get3A_981 = arith.constant 0 : index
    %get3A_982 = arith.constant 6 : index
    %get3A_983 = memref.load %arg0[%get3A_981, %get3A_982] : memref<2x18xf32, #tpu.memory_space<smem>>
    %get3A_984 = arith.constant 0 : index
    %get3A_985 = arith.constant 14 : index
    %get3A_986 = memref.load %arg0[%get3A_984, %get3A_985] : memref<2x18xf32, #tpu.memory_space<smem>>
    %mul3A_987 = arith.constant 5.000000e-01 : f32
    %mul3A_988 = arith.mulf %mul3A_987, %get3A_986 : f32
    %mul3A_989 = arith.constant 5.000000e-01 : f32
    %mul3A_990 = arith.mulf %mul3A_989, %get3A_983 : f32
    %add3A_991 = arith.addf %mul3A_988, %mul3A_990 : f32
    %add3A_992 = arith.addf %get3A_983, %add3A_741 : f32
    %add3A_993 = arith.addf %add3A_991, %add3A_757 : f32
    %add3A_994 = arith.addf %add3A_959, %add3A_993 : f32
    %add3A_995 = arith.addf %add3A_960, %add3A_992 : f32
    %gt3A_996 = arith.constant 0.000000e+00 : f32
    %gt3A_997 = arith.cmpf ogt, %add3A_992, %gt3A_996 : f32
    %mul3A_998 = arith.constant 2.000000e+00 : f32
    %mul3A_999 = arith.mulf %mul3A_998, %add3A_993 : f32
    %add3A_1000 = arith.constant 9.99999974E-6 : f32
    %add3A_1001 = arith.addf %mul3A_999, %add3A_1000 : f32
    %mul3A_1002 = arith.constant 2.000000e+00 : f32
    %mul3A_1003 = arith.mulf %mul3A_1002, %add3A_992 : f32
    %add3A_1004 = arith.constant 9.99999974E-6 : f32
    %add3A_1005 = arith.addf %mul3A_1003, %add3A_1004 : f32
    %div3A_1006 = arith.divf %add3A_1001, %add3A_1005 : f32
    %sub3A_1007 = arith.constant 1.000000e+00 : f32
    %sub3A_1008 = arith.subf %sub3A_1007, %div3A_1006 : f32
    %jit3A_1009 = arith.constant 1.000000e+00 : f32
    %jit3A_1010 = arith.constant 0.000000e+00 : f32
    %select_n3A_1011 = arith.select %gt3A_997, %jit3A_1009, %jit3A_1010 : f32
    %add3A_1012 = arith.addf %add3A_977, %select_n3A_1011 : f32
    %jit3A_1013 = arith.constant 0.000000e+00 : f32
    %select_n3A_1014 = arith.select %gt3A_997, %sub3A_1008, %jit3A_1013 : f32
    %add3A_1015 = arith.addf %add3A_980, %select_n3A_1014 : f32
    %get3A_1016 = arith.constant 0 : index
    %get3A_1017 = arith.constant 7 : index
    %get3A_1018 = memref.load %arg0[%get3A_1016, %get3A_1017] : memref<2x18xf32, #tpu.memory_space<smem>>
    %get3A_1019 = arith.constant 0 : index
    %get3A_1020 = arith.constant 15 : index
    %get3A_1021 = memref.load %arg0[%get3A_1019, %get3A_1020] : memref<2x18xf32, #tpu.memory_space<smem>>
    %mul3A_1022 = arith.constant 5.000000e-01 : f32
    %mul3A_1023 = arith.mulf %mul3A_1022, %get3A_1021 : f32
    %mul3A_1024 = arith.constant 5.000000e-01 : f32
    %mul3A_1025 = arith.mulf %mul3A_1024, %get3A_1018 : f32
    %add3A_1026 = arith.addf %mul3A_1023, %mul3A_1025 : f32
    %add3A_1027 = arith.addf %get3A_1018, %add3A_745 : f32
    %add3A_1028 = arith.addf %add3A_1026, %add3A_761 : f32
    %add3A_1029 = arith.addf %add3A_994, %add3A_1028 : f32
    %add3A_1030 = arith.addf %add3A_995, %add3A_1027 : f32
    %gt3A_1031 = arith.constant 0.000000e+00 : f32
    %gt3A_1032 = arith.cmpf ogt, %add3A_1027, %gt3A_1031 : f32
    %mul3A_1033 = arith.constant 2.000000e+00 : f32
    %mul3A_1034 = arith.mulf %mul3A_1033, %add3A_1028 : f32
    %add3A_1035 = arith.constant 9.99999974E-6 : f32
    %add3A_1036 = arith.addf %mul3A_1034, %add3A_1035 : f32
    %mul3A_1037 = arith.constant 2.000000e+00 : f32
    %mul3A_1038 = arith.mulf %mul3A_1037, %add3A_1027 : f32
    %add3A_1039 = arith.constant 9.99999974E-6 : f32
    %add3A_1040 = arith.addf %mul3A_1038, %add3A_1039 : f32
    %div3A_1041 = arith.divf %add3A_1036, %add3A_1040 : f32
    %sub3A_1042 = arith.constant 1.000000e+00 : f32
    %sub3A_1043 = arith.subf %sub3A_1042, %div3A_1041 : f32
    %jit3A_1044 = arith.constant 1.000000e+00 : f32
    %jit3A_1045 = arith.constant 0.000000e+00 : f32
    %select_n3A_1046 = arith.select %gt3A_1032, %jit3A_1044, %jit3A_1045 : f32
    %add3A_1047 = arith.addf %add3A_1012, %select_n3A_1046 : f32
    %jit3A_1048 = arith.constant 0.000000e+00 : f32
    %select_n3A_1049 = arith.select %gt3A_1032, %sub3A_1043, %jit3A_1048 : f32
    %add3A_1050 = arith.addf %add3A_1015, %select_n3A_1049 : f32
    %max3A = arith.constant 1.000000e+00 : f32
    %max3A_1051 = arith.maximumf %add3A_1047, %max3A : f32
    %div3A_1052 = arith.divf %add3A_1050, %max3A_1051 : f32
    %get3A_1053 = arith.constant 0 : index
    %get3A_1054 = arith.constant 16 : index
    %get3A_1055 = memref.load %arg0[%get3A_1053, %get3A_1054] : memref<2x18xf32, #tpu.memory_space<smem>>
    %mul3A_1056 = arith.constant 5.000000e-01 : f32
    %mul3A_1057 = arith.mulf %mul3A_1056, %get3A_1055 : f32
    %mul3A_1058 = arith.constant 5.000000e-01 : f32
    %mul3A_1059 = arith.constant 0x49E00000 : f32
    %mul3A_1060 = arith.mulf %mul3A_1058, %mul3A_1059 : f32
    %add3A_1061 = arith.addf %mul3A_1057, %mul3A_1060 : f32
    %add3A_1062 = arith.addf %add3A_1061, %add3A_780 : f32
    %mul3A_1063 = arith.constant 2.000000e+00 : f32
    %mul3A_1064 = arith.mulf %mul3A_1063, %add3A_1029 : f32
    %sub3A_1065 = arith.subf %mul3A_1064, %add3A_1062 : f32
    %add3A_1066 = arith.constant 0x4A000000 : f32
    %add3A_1067 = arith.addf %sub3A_1065, %add3A_1066 : f32
    %sub3A_1068 = arith.subf %add3A_1067, %add3A_1030 : f32
    %mul3A_1069 = arith.constant 2.000000e+00 : f32
    %mul3A_1070 = arith.mulf %mul3A_1069, %sub3A_1068 : f32
    %add3A_1071 = arith.constant 9.99999974E-6 : f32
    %add3A_1072 = arith.addf %mul3A_1070, %add3A_1071 : f32
    %mul3A_1073 = arith.constant 2.000000e+00 : f32
    %mul3A_1074 = arith.constant 0x4A000000 : f32
    %mul3A_1075 = arith.mulf %mul3A_1073, %mul3A_1074 : f32
    %add3A_1076 = arith.constant 9.99999974E-6 : f32
    %add3A_1077 = arith.addf %mul3A_1075, %add3A_1076 : f32
    %div3A_1078 = arith.divf %add3A_1072, %add3A_1077 : f32
    %sub3A_1079 = arith.constant 1.000000e+00 : f32
    %sub3A_1080 = arith.subf %sub3A_1079, %div3A_1078 : f32
    %eq3A = arith.constant 0.000000e+00 : f32
    %eq3A_1081 = arith.cmpf oeq, %add3A_1047, %eq3A : f32
    %select_n3A_1082 = arith.select %eq3A_1081, %sub3A_1080, %div3A_1052 : f32
    %add3A_1083 = arith.constant 0.000000e+00 : f32
    %add3A_1084 = arith.addf %add3A_1083, %select_n3A_1082 : f32
    %get3A_1085 = arith.constant 16 : index
    %get3A_1086 = arith.constant 0 : index
    %get3A_1087 = memref.load %arg1[%get3A_1085, %get3A_1086] : memref<32x16xf32, #tpu.memory_space<smem>>
    %add3A_1088 = arith.constant 0.000000e+00 : f32
    %add3A_1089 = arith.addf %add3A_1088, %get3A_1087 : f32
    %get3A_1090 = arith.constant 16 : index
    %get3A_1091 = arith.constant 1 : index
    %get3A_1092 = memref.load %arg1[%get3A_1090, %get3A_1091] : memref<32x16xf32, #tpu.memory_space<smem>>
    %add3A_1093 = arith.constant 0.000000e+00 : f32
    %add3A_1094 = arith.addf %add3A_1093, %get3A_1092 : f32
    %get3A_1095 = arith.constant 16 : index
    %get3A_1096 = arith.constant 2 : index
    %get3A_1097 = memref.load %arg1[%get3A_1095, %get3A_1096] : memref<32x16xf32, #tpu.memory_space<smem>>
    %add3A_1098 = arith.constant 0.000000e+00 : f32
    %add3A_1099 = arith.addf %add3A_1098, %get3A_1097 : f32
    %get3A_1100 = arith.constant 16 : index
    %get3A_1101 = arith.constant 3 : index
    %get3A_1102 = memref.load %arg1[%get3A_1100, %get3A_1101] : memref<32x16xf32, #tpu.memory_space<smem>>
    %add3A_1103 = arith.constant 0.000000e+00 : f32
    %add3A_1104 = arith.addf %add3A_1103, %get3A_1102 : f32
    %get3A_1105 = arith.constant 16 : index
    %get3A_1106 = arith.constant 4 : index
    %get3A_1107 = memref.load %arg1[%get3A_1105, %get3A_1106] : memref<32x16xf32, #tpu.memory_space<smem>>
    %add3A_1108 = arith.constant 0.000000e+00 : f32
    %add3A_1109 = arith.addf %add3A_1108, %get3A_1107 : f32
    %get3A_1110 = arith.constant 16 : index
    %get3A_1111 = arith.constant 5 : index
    %get3A_1112 = memref.load %arg1[%get3A_1110, %get3A_1111] : memref<32x16xf32, #tpu.memory_space<smem>>
    %add3A_1113 = arith.constant 0.000000e+00 : f32
    %add3A_1114 = arith.addf %add3A_1113, %get3A_1112 : f32
    %get3A_1115 = arith.constant 16 : index
    %get3A_1116 = arith.constant 6 : index
    %get3A_1117 = memref.load %arg1[%get3A_1115, %get3A_1116] : memref<32x16xf32, #tpu.memory_space<smem>>
    %add3A_1118 = arith.constant 0.000000e+00 : f32
    %add3A_1119 = arith.addf %add3A_1118, %get3A_1117 : f32
    %get3A_1120 = arith.constant 16 : index
    %get3A_1121 = arith.constant 7 : index
    %get3A_1122 = memref.load %arg1[%get3A_1120, %get3A_1121] : memref<32x16xf32, #tpu.memory_space<smem>>
    %add3A_1123 = arith.constant 0.000000e+00 : f32
    %add3A_1124 = arith.addf %add3A_1123, %get3A_1122 : f32
    %get3A_1125 = arith.constant 16 : index
    %get3A_1126 = arith.constant 8 : index
    %get3A_1127 = memref.load %arg1[%get3A_1125, %get3A_1126] : memref<32x16xf32, #tpu.memory_space<smem>>
    %add3A_1128 = arith.constant 0.000000e+00 : f32
    %add3A_1129 = arith.addf %add3A_1128, %get3A_1127 : f32
    %get3A_1130 = arith.constant 16 : index
    %get3A_1131 = arith.constant 9 : index
    %get3A_1132 = memref.load %arg1[%get3A_1130, %get3A_1131] : memref<32x16xf32, #tpu.memory_space<smem>>
    %add3A_1133 = arith.constant 0.000000e+00 : f32
    %add3A_1134 = arith.addf %add3A_1133, %get3A_1132 : f32
    %get3A_1135 = arith.constant 16 : index
    %get3A_1136 = arith.constant 10 : index
    %get3A_1137 = memref.load %arg1[%get3A_1135, %get3A_1136] : memref<32x16xf32, #tpu.memory_space<smem>>
    %add3A_1138 = arith.constant 0.000000e+00 : f32
    %add3A_1139 = arith.addf %add3A_1138, %get3A_1137 : f32
    %get3A_1140 = arith.constant 16 : index
    %get3A_1141 = arith.constant 11 : index
    %get3A_1142 = memref.load %arg1[%get3A_1140, %get3A_1141] : memref<32x16xf32, #tpu.memory_space<smem>>
    %add3A_1143 = arith.constant 0.000000e+00 : f32
    %add3A_1144 = arith.addf %add3A_1143, %get3A_1142 : f32
    %get3A_1145 = arith.constant 17 : index
    %get3A_1146 = arith.constant 0 : index
    %get3A_1147 = memref.load %arg1[%get3A_1145, %get3A_1146] : memref<32x16xf32, #tpu.memory_space<smem>>
    %add3A_1148 = arith.addf %add3A_1089, %get3A_1147 : f32
    %get3A_1149 = arith.constant 17 : index
    %get3A_1150 = arith.constant 1 : index
    %get3A_1151 = memref.load %arg1[%get3A_1149, %get3A_1150] : memref<32x16xf32, #tpu.memory_space<smem>>
    %add3A_1152 = arith.addf %add3A_1094, %get3A_1151 : f32
    %get3A_1153 = arith.constant 17 : index
    %get3A_1154 = arith.constant 2 : index
    %get3A_1155 = memref.load %arg1[%get3A_1153, %get3A_1154] : memref<32x16xf32, #tpu.memory_space<smem>>
    %add3A_1156 = arith.addf %add3A_1099, %get3A_1155 : f32
    %get3A_1157 = arith.constant 17 : index
    %get3A_1158 = arith.constant 3 : index
    %get3A_1159 = memref.load %arg1[%get3A_1157, %get3A_1158] : memref<32x16xf32, #tpu.memory_space<smem>>
    %add3A_1160 = arith.addf %add3A_1104, %get3A_1159 : f32
    %get3A_1161 = arith.constant 17 : index
    %get3A_1162 = arith.constant 4 : index
    %get3A_1163 = memref.load %arg1[%get3A_1161, %get3A_1162] : memref<32x16xf32, #tpu.memory_space<smem>>
    %add3A_1164 = arith.addf %add3A_1109, %get3A_1163 : f32
    %get3A_1165 = arith.constant 17 : index
    %get3A_1166 = arith.constant 5 : index
    %get3A_1167 = memref.load %arg1[%get3A_1165, %get3A_1166] : memref<32x16xf32, #tpu.memory_space<smem>>
    %add3A_1168 = arith.addf %add3A_1114, %get3A_1167 : f32
    %get3A_1169 = arith.constant 17 : index
    %get3A_1170 = arith.constant 6 : index
    %get3A_1171 = memref.load %arg1[%get3A_1169, %get3A_1170] : memref<32x16xf32, #tpu.memory_space<smem>>
    %add3A_1172 = arith.addf %add3A_1119, %get3A_1171 : f32
    %get3A_1173 = arith.constant 17 : index
    %get3A_1174 = arith.constant 7 : index
    %get3A_1175 = memref.load %arg1[%get3A_1173, %get3A_1174] : memref<32x16xf32, #tpu.memory_space<smem>>
    %add3A_1176 = arith.addf %add3A_1124, %get3A_1175 : f32
    %get3A_1177 = arith.constant 17 : index
    %get3A_1178 = arith.constant 8 : index
    %get3A_1179 = memref.load %arg1[%get3A_1177, %get3A_1178] : memref<32x16xf32, #tpu.memory_space<smem>>
    %add3A_1180 = arith.addf %add3A_1129, %get3A_1179 : f32
    %get3A_1181 = arith.constant 17 : index
    %get3A_1182 = arith.constant 9 : index
    %get3A_1183 = memref.load %arg1[%get3A_1181, %get3A_1182] : memref<32x16xf32, #tpu.memory_space<smem>>
    %add3A_1184 = arith.addf %add3A_1134, %get3A_1183 : f32
    %get3A_1185 = arith.constant 17 : index
    %get3A_1186 = arith.constant 10 : index
    %get3A_1187 = memref.load %arg1[%get3A_1185, %get3A_1186] : memref<32x16xf32, #tpu.memory_space<smem>>
    %add3A_1188 = arith.addf %add3A_1139, %get3A_1187 : f32
    %get3A_1189 = arith.constant 17 : index
    %get3A_1190 = arith.constant 11 : index
    %get3A_1191 = memref.load %arg1[%get3A_1189, %get3A_1190] : memref<32x16xf32, #tpu.memory_space<smem>>
    %add3A_1192 = arith.addf %add3A_1144, %get3A_1191 : f32
    %get3A_1193 = arith.constant 18 : index
    %get3A_1194 = arith.constant 0 : index
    %get3A_1195 = memref.load %arg1[%get3A_1193, %get3A_1194] : memref<32x16xf32, #tpu.memory_space<smem>>
    %add3A_1196 = arith.addf %add3A_1148, %get3A_1195 : f32
    %get3A_1197 = arith.constant 18 : index
    %get3A_1198 = arith.constant 1 : index
    %get3A_1199 = memref.load %arg1[%get3A_1197, %get3A_1198] : memref<32x16xf32, #tpu.memory_space<smem>>
    %add3A_1200 = arith.addf %add3A_1152, %get3A_1199 : f32
    %get3A_1201 = arith.constant 18 : index
    %get3A_1202 = arith.constant 2 : index
    %get3A_1203 = memref.load %arg1[%get3A_1201, %get3A_1202] : memref<32x16xf32, #tpu.memory_space<smem>>
    %add3A_1204 = arith.addf %add3A_1156, %get3A_1203 : f32
    %get3A_1205 = arith.constant 18 : index
    %get3A_1206 = arith.constant 3 : index
    %get3A_1207 = memref.load %arg1[%get3A_1205, %get3A_1206] : memref<32x16xf32, #tpu.memory_space<smem>>
    %add3A_1208 = arith.addf %add3A_1160, %get3A_1207 : f32
    %get3A_1209 = arith.constant 18 : index
    %get3A_1210 = arith.constant 4 : index
    %get3A_1211 = memref.load %arg1[%get3A_1209, %get3A_1210] : memref<32x16xf32, #tpu.memory_space<smem>>
    %add3A_1212 = arith.addf %add3A_1164, %get3A_1211 : f32
    %get3A_1213 = arith.constant 18 : index
    %get3A_1214 = arith.constant 5 : index
    %get3A_1215 = memref.load %arg1[%get3A_1213, %get3A_1214] : memref<32x16xf32, #tpu.memory_space<smem>>
    %add3A_1216 = arith.addf %add3A_1168, %get3A_1215 : f32
    %get3A_1217 = arith.constant 18 : index
    %get3A_1218 = arith.constant 6 : index
    %get3A_1219 = memref.load %arg1[%get3A_1217, %get3A_1218] : memref<32x16xf32, #tpu.memory_space<smem>>
    %add3A_1220 = arith.addf %add3A_1172, %get3A_1219 : f32
    %get3A_1221 = arith.constant 18 : index
    %get3A_1222 = arith.constant 7 : index
    %get3A_1223 = memref.load %arg1[%get3A_1221, %get3A_1222] : memref<32x16xf32, #tpu.memory_space<smem>>
    %add3A_1224 = arith.addf %add3A_1176, %get3A_1223 : f32
    %get3A_1225 = arith.constant 18 : index
    %get3A_1226 = arith.constant 8 : index
    %get3A_1227 = memref.load %arg1[%get3A_1225, %get3A_1226] : memref<32x16xf32, #tpu.memory_space<smem>>
    %add3A_1228 = arith.addf %add3A_1180, %get3A_1227 : f32
    %get3A_1229 = arith.constant 18 : index
    %get3A_1230 = arith.constant 9 : index
    %get3A_1231 = memref.load %arg1[%get3A_1229, %get3A_1230] : memref<32x16xf32, #tpu.memory_space<smem>>
    %add3A_1232 = arith.addf %add3A_1184, %get3A_1231 : f32
    %get3A_1233 = arith.constant 18 : index
    %get3A_1234 = arith.constant 10 : index
    %get3A_1235 = memref.load %arg1[%get3A_1233, %get3A_1234] : memref<32x16xf32, #tpu.memory_space<smem>>
    %add3A_1236 = arith.addf %add3A_1188, %get3A_1235 : f32
    %get3A_1237 = arith.constant 18 : index
    %get3A_1238 = arith.constant 11 : index
    %get3A_1239 = memref.load %arg1[%get3A_1237, %get3A_1238] : memref<32x16xf32, #tpu.memory_space<smem>>
    %add3A_1240 = arith.addf %add3A_1192, %get3A_1239 : f32
    %get3A_1241 = arith.constant 19 : index
    %get3A_1242 = arith.constant 0 : index
    %get3A_1243 = memref.load %arg1[%get3A_1241, %get3A_1242] : memref<32x16xf32, #tpu.memory_space<smem>>
    %add3A_1244 = arith.addf %add3A_1196, %get3A_1243 : f32
    %get3A_1245 = arith.constant 19 : index
    %get3A_1246 = arith.constant 1 : index
    %get3A_1247 = memref.load %arg1[%get3A_1245, %get3A_1246] : memref<32x16xf32, #tpu.memory_space<smem>>
    %add3A_1248 = arith.addf %add3A_1200, %get3A_1247 : f32
    %get3A_1249 = arith.constant 19 : index
    %get3A_1250 = arith.constant 2 : index
    %get3A_1251 = memref.load %arg1[%get3A_1249, %get3A_1250] : memref<32x16xf32, #tpu.memory_space<smem>>
    %add3A_1252 = arith.addf %add3A_1204, %get3A_1251 : f32
    %get3A_1253 = arith.constant 19 : index
    %get3A_1254 = arith.constant 3 : index
    %get3A_1255 = memref.load %arg1[%get3A_1253, %get3A_1254] : memref<32x16xf32, #tpu.memory_space<smem>>
    %add3A_1256 = arith.addf %add3A_1208, %get3A_1255 : f32
    %get3A_1257 = arith.constant 19 : index
    %get3A_1258 = arith.constant 4 : index
    %get3A_1259 = memref.load %arg1[%get3A_1257, %get3A_1258] : memref<32x16xf32, #tpu.memory_space<smem>>
    %add3A_1260 = arith.addf %add3A_1212, %get3A_1259 : f32
    %get3A_1261 = arith.constant 19 : index
    %get3A_1262 = arith.constant 5 : index
    %get3A_1263 = memref.load %arg1[%get3A_1261, %get3A_1262] : memref<32x16xf32, #tpu.memory_space<smem>>
    %add3A_1264 = arith.addf %add3A_1216, %get3A_1263 : f32
    %get3A_1265 = arith.constant 19 : index
    %get3A_1266 = arith.constant 6 : index
    %get3A_1267 = memref.load %arg1[%get3A_1265, %get3A_1266] : memref<32x16xf32, #tpu.memory_space<smem>>
    %add3A_1268 = arith.addf %add3A_1220, %get3A_1267 : f32
    %get3A_1269 = arith.constant 19 : index
    %get3A_1270 = arith.constant 7 : index
    %get3A_1271 = memref.load %arg1[%get3A_1269, %get3A_1270] : memref<32x16xf32, #tpu.memory_space<smem>>
    %add3A_1272 = arith.addf %add3A_1224, %get3A_1271 : f32
    %get3A_1273 = arith.constant 19 : index
    %get3A_1274 = arith.constant 8 : index
    %get3A_1275 = memref.load %arg1[%get3A_1273, %get3A_1274] : memref<32x16xf32, #tpu.memory_space<smem>>
    %add3A_1276 = arith.addf %add3A_1228, %get3A_1275 : f32
    %get3A_1277 = arith.constant 19 : index
    %get3A_1278 = arith.constant 9 : index
    %get3A_1279 = memref.load %arg1[%get3A_1277, %get3A_1278] : memref<32x16xf32, #tpu.memory_space<smem>>
    %add3A_1280 = arith.addf %add3A_1232, %get3A_1279 : f32
    %get3A_1281 = arith.constant 19 : index
    %get3A_1282 = arith.constant 10 : index
    %get3A_1283 = memref.load %arg1[%get3A_1281, %get3A_1282] : memref<32x16xf32, #tpu.memory_space<smem>>
    %add3A_1284 = arith.addf %add3A_1236, %get3A_1283 : f32
    %get3A_1285 = arith.constant 19 : index
    %get3A_1286 = arith.constant 11 : index
    %get3A_1287 = memref.load %arg1[%get3A_1285, %get3A_1286] : memref<32x16xf32, #tpu.memory_space<smem>>
    %add3A_1288 = arith.addf %add3A_1240, %get3A_1287 : f32
    %get3A_1289 = arith.constant 20 : index
    %get3A_1290 = arith.constant 0 : index
    %get3A_1291 = memref.load %arg1[%get3A_1289, %get3A_1290] : memref<32x16xf32, #tpu.memory_space<smem>>
    %add3A_1292 = arith.addf %add3A_1244, %get3A_1291 : f32
    %get3A_1293 = arith.constant 20 : index
    %get3A_1294 = arith.constant 1 : index
    %get3A_1295 = memref.load %arg1[%get3A_1293, %get3A_1294] : memref<32x16xf32, #tpu.memory_space<smem>>
    %add3A_1296 = arith.addf %add3A_1248, %get3A_1295 : f32
    %get3A_1297 = arith.constant 20 : index
    %get3A_1298 = arith.constant 2 : index
    %get3A_1299 = memref.load %arg1[%get3A_1297, %get3A_1298] : memref<32x16xf32, #tpu.memory_space<smem>>
    %add3A_1300 = arith.addf %add3A_1252, %get3A_1299 : f32
    %get3A_1301 = arith.constant 20 : index
    %get3A_1302 = arith.constant 3 : index
    %get3A_1303 = memref.load %arg1[%get3A_1301, %get3A_1302] : memref<32x16xf32, #tpu.memory_space<smem>>
    %add3A_1304 = arith.addf %add3A_1256, %get3A_1303 : f32
    %get3A_1305 = arith.constant 20 : index
    %get3A_1306 = arith.constant 4 : index
    %get3A_1307 = memref.load %arg1[%get3A_1305, %get3A_1306] : memref<32x16xf32, #tpu.memory_space<smem>>
    %add3A_1308 = arith.addf %add3A_1260, %get3A_1307 : f32
    %get3A_1309 = arith.constant 20 : index
    %get3A_1310 = arith.constant 5 : index
    %get3A_1311 = memref.load %arg1[%get3A_1309, %get3A_1310] : memref<32x16xf32, #tpu.memory_space<smem>>
    %add3A_1312 = arith.addf %add3A_1264, %get3A_1311 : f32
    %get3A_1313 = arith.constant 20 : index
    %get3A_1314 = arith.constant 6 : index
    %get3A_1315 = memref.load %arg1[%get3A_1313, %get3A_1314] : memref<32x16xf32, #tpu.memory_space<smem>>
    %add3A_1316 = arith.addf %add3A_1268, %get3A_1315 : f32
    %get3A_1317 = arith.constant 20 : index
    %get3A_1318 = arith.constant 7 : index
    %get3A_1319 = memref.load %arg1[%get3A_1317, %get3A_1318] : memref<32x16xf32, #tpu.memory_space<smem>>
    %add3A_1320 = arith.addf %add3A_1272, %get3A_1319 : f32
    %get3A_1321 = arith.constant 20 : index
    %get3A_1322 = arith.constant 8 : index
    %get3A_1323 = memref.load %arg1[%get3A_1321, %get3A_1322] : memref<32x16xf32, #tpu.memory_space<smem>>
    %add3A_1324 = arith.addf %add3A_1276, %get3A_1323 : f32
    %get3A_1325 = arith.constant 20 : index
    %get3A_1326 = arith.constant 9 : index
    %get3A_1327 = memref.load %arg1[%get3A_1325, %get3A_1326] : memref<32x16xf32, #tpu.memory_space<smem>>
    %add3A_1328 = arith.addf %add3A_1280, %get3A_1327 : f32
    %get3A_1329 = arith.constant 20 : index
    %get3A_1330 = arith.constant 10 : index
    %get3A_1331 = memref.load %arg1[%get3A_1329, %get3A_1330] : memref<32x16xf32, #tpu.memory_space<smem>>
    %add3A_1332 = arith.addf %add3A_1284, %get3A_1331 : f32
    %get3A_1333 = arith.constant 20 : index
    %get3A_1334 = arith.constant 11 : index
    %get3A_1335 = memref.load %arg1[%get3A_1333, %get3A_1334] : memref<32x16xf32, #tpu.memory_space<smem>>
    %add3A_1336 = arith.addf %add3A_1288, %get3A_1335 : f32
    %get3A_1337 = arith.constant 21 : index
    %get3A_1338 = arith.constant 0 : index
    %get3A_1339 = memref.load %arg1[%get3A_1337, %get3A_1338] : memref<32x16xf32, #tpu.memory_space<smem>>
    %add3A_1340 = arith.addf %add3A_1292, %get3A_1339 : f32
    %get3A_1341 = arith.constant 21 : index
    %get3A_1342 = arith.constant 1 : index
    %get3A_1343 = memref.load %arg1[%get3A_1341, %get3A_1342] : memref<32x16xf32, #tpu.memory_space<smem>>
    %add3A_1344 = arith.addf %add3A_1296, %get3A_1343 : f32
    %get3A_1345 = arith.constant 21 : index
    %get3A_1346 = arith.constant 2 : index
    %get3A_1347 = memref.load %arg1[%get3A_1345, %get3A_1346] : memref<32x16xf32, #tpu.memory_space<smem>>
    %add3A_1348 = arith.addf %add3A_1300, %get3A_1347 : f32
    %get3A_1349 = arith.constant 21 : index
    %get3A_1350 = arith.constant 3 : index
    %get3A_1351 = memref.load %arg1[%get3A_1349, %get3A_1350] : memref<32x16xf32, #tpu.memory_space<smem>>
    %add3A_1352 = arith.addf %add3A_1304, %get3A_1351 : f32
    %get3A_1353 = arith.constant 21 : index
    %get3A_1354 = arith.constant 4 : index
    %get3A_1355 = memref.load %arg1[%get3A_1353, %get3A_1354] : memref<32x16xf32, #tpu.memory_space<smem>>
    %add3A_1356 = arith.addf %add3A_1308, %get3A_1355 : f32
    %get3A_1357 = arith.constant 21 : index
    %get3A_1358 = arith.constant 5 : index
    %get3A_1359 = memref.load %arg1[%get3A_1357, %get3A_1358] : memref<32x16xf32, #tpu.memory_space<smem>>
    %add3A_1360 = arith.addf %add3A_1312, %get3A_1359 : f32
    %get3A_1361 = arith.constant 21 : index
    %get3A_1362 = arith.constant 6 : index
    %get3A_1363 = memref.load %arg1[%get3A_1361, %get3A_1362] : memref<32x16xf32, #tpu.memory_space<smem>>
    %add3A_1364 = arith.addf %add3A_1316, %get3A_1363 : f32
    %get3A_1365 = arith.constant 21 : index
    %get3A_1366 = arith.constant 7 : index
    %get3A_1367 = memref.load %arg1[%get3A_1365, %get3A_1366] : memref<32x16xf32, #tpu.memory_space<smem>>
    %add3A_1368 = arith.addf %add3A_1320, %get3A_1367 : f32
    %get3A_1369 = arith.constant 21 : index
    %get3A_1370 = arith.constant 8 : index
    %get3A_1371 = memref.load %arg1[%get3A_1369, %get3A_1370] : memref<32x16xf32, #tpu.memory_space<smem>>
    %add3A_1372 = arith.addf %add3A_1324, %get3A_1371 : f32
    %get3A_1373 = arith.constant 21 : index
    %get3A_1374 = arith.constant 9 : index
    %get3A_1375 = memref.load %arg1[%get3A_1373, %get3A_1374] : memref<32x16xf32, #tpu.memory_space<smem>>
    %add3A_1376 = arith.addf %add3A_1328, %get3A_1375 : f32
    %get3A_1377 = arith.constant 21 : index
    %get3A_1378 = arith.constant 10 : index
    %get3A_1379 = memref.load %arg1[%get3A_1377, %get3A_1378] : memref<32x16xf32, #tpu.memory_space<smem>>
    %add3A_1380 = arith.addf %add3A_1332, %get3A_1379 : f32
    %get3A_1381 = arith.constant 21 : index
    %get3A_1382 = arith.constant 11 : index
    %get3A_1383 = memref.load %arg1[%get3A_1381, %get3A_1382] : memref<32x16xf32, #tpu.memory_space<smem>>
    %add3A_1384 = arith.addf %add3A_1336, %get3A_1383 : f32
    %get3A_1385 = arith.constant 22 : index
    %get3A_1386 = arith.constant 0 : index
    %get3A_1387 = memref.load %arg1[%get3A_1385, %get3A_1386] : memref<32x16xf32, #tpu.memory_space<smem>>
    %add3A_1388 = arith.addf %add3A_1340, %get3A_1387 : f32
    %get3A_1389 = arith.constant 22 : index
    %get3A_1390 = arith.constant 1 : index
    %get3A_1391 = memref.load %arg1[%get3A_1389, %get3A_1390] : memref<32x16xf32, #tpu.memory_space<smem>>
    %add3A_1392 = arith.addf %add3A_1344, %get3A_1391 : f32
    %get3A_1393 = arith.constant 22 : index
    %get3A_1394 = arith.constant 2 : index
    %get3A_1395 = memref.load %arg1[%get3A_1393, %get3A_1394] : memref<32x16xf32, #tpu.memory_space<smem>>
    %add3A_1396 = arith.addf %add3A_1348, %get3A_1395 : f32
    %get3A_1397 = arith.constant 22 : index
    %get3A_1398 = arith.constant 3 : index
    %get3A_1399 = memref.load %arg1[%get3A_1397, %get3A_1398] : memref<32x16xf32, #tpu.memory_space<smem>>
    %add3A_1400 = arith.addf %add3A_1352, %get3A_1399 : f32
    %get3A_1401 = arith.constant 22 : index
    %get3A_1402 = arith.constant 4 : index
    %get3A_1403 = memref.load %arg1[%get3A_1401, %get3A_1402] : memref<32x16xf32, #tpu.memory_space<smem>>
    %add3A_1404 = arith.addf %add3A_1356, %get3A_1403 : f32
    %get3A_1405 = arith.constant 22 : index
    %get3A_1406 = arith.constant 5 : index
    %get3A_1407 = memref.load %arg1[%get3A_1405, %get3A_1406] : memref<32x16xf32, #tpu.memory_space<smem>>
    %add3A_1408 = arith.addf %add3A_1360, %get3A_1407 : f32
    %get3A_1409 = arith.constant 22 : index
    %get3A_1410 = arith.constant 6 : index
    %get3A_1411 = memref.load %arg1[%get3A_1409, %get3A_1410] : memref<32x16xf32, #tpu.memory_space<smem>>
    %add3A_1412 = arith.addf %add3A_1364, %get3A_1411 : f32
    %get3A_1413 = arith.constant 22 : index
    %get3A_1414 = arith.constant 7 : index
    %get3A_1415 = memref.load %arg1[%get3A_1413, %get3A_1414] : memref<32x16xf32, #tpu.memory_space<smem>>
    %add3A_1416 = arith.addf %add3A_1368, %get3A_1415 : f32
    %get3A_1417 = arith.constant 22 : index
    %get3A_1418 = arith.constant 8 : index
    %get3A_1419 = memref.load %arg1[%get3A_1417, %get3A_1418] : memref<32x16xf32, #tpu.memory_space<smem>>
    %add3A_1420 = arith.addf %add3A_1372, %get3A_1419 : f32
    %get3A_1421 = arith.constant 22 : index
    %get3A_1422 = arith.constant 9 : index
    %get3A_1423 = memref.load %arg1[%get3A_1421, %get3A_1422] : memref<32x16xf32, #tpu.memory_space<smem>>
    %add3A_1424 = arith.addf %add3A_1376, %get3A_1423 : f32
    %get3A_1425 = arith.constant 22 : index
    %get3A_1426 = arith.constant 10 : index
    %get3A_1427 = memref.load %arg1[%get3A_1425, %get3A_1426] : memref<32x16xf32, #tpu.memory_space<smem>>
    %add3A_1428 = arith.addf %add3A_1380, %get3A_1427 : f32
    %get3A_1429 = arith.constant 22 : index
    %get3A_1430 = arith.constant 11 : index
    %get3A_1431 = memref.load %arg1[%get3A_1429, %get3A_1430] : memref<32x16xf32, #tpu.memory_space<smem>>
    %add3A_1432 = arith.addf %add3A_1384, %get3A_1431 : f32
    %get3A_1433 = arith.constant 23 : index
    %get3A_1434 = arith.constant 0 : index
    %get3A_1435 = memref.load %arg1[%get3A_1433, %get3A_1434] : memref<32x16xf32, #tpu.memory_space<smem>>
    %add3A_1436 = arith.addf %add3A_1388, %get3A_1435 : f32
    %get3A_1437 = arith.constant 23 : index
    %get3A_1438 = arith.constant 1 : index
    %get3A_1439 = memref.load %arg1[%get3A_1437, %get3A_1438] : memref<32x16xf32, #tpu.memory_space<smem>>
    %add3A_1440 = arith.addf %add3A_1392, %get3A_1439 : f32
    %get3A_1441 = arith.constant 23 : index
    %get3A_1442 = arith.constant 2 : index
    %get3A_1443 = memref.load %arg1[%get3A_1441, %get3A_1442] : memref<32x16xf32, #tpu.memory_space<smem>>
    %add3A_1444 = arith.addf %add3A_1396, %get3A_1443 : f32
    %get3A_1445 = arith.constant 23 : index
    %get3A_1446 = arith.constant 3 : index
    %get3A_1447 = memref.load %arg1[%get3A_1445, %get3A_1446] : memref<32x16xf32, #tpu.memory_space<smem>>
    %add3A_1448 = arith.addf %add3A_1400, %get3A_1447 : f32
    %get3A_1449 = arith.constant 23 : index
    %get3A_1450 = arith.constant 4 : index
    %get3A_1451 = memref.load %arg1[%get3A_1449, %get3A_1450] : memref<32x16xf32, #tpu.memory_space<smem>>
    %add3A_1452 = arith.addf %add3A_1404, %get3A_1451 : f32
    %get3A_1453 = arith.constant 23 : index
    %get3A_1454 = arith.constant 5 : index
    %get3A_1455 = memref.load %arg1[%get3A_1453, %get3A_1454] : memref<32x16xf32, #tpu.memory_space<smem>>
    %add3A_1456 = arith.addf %add3A_1408, %get3A_1455 : f32
    %get3A_1457 = arith.constant 23 : index
    %get3A_1458 = arith.constant 6 : index
    %get3A_1459 = memref.load %arg1[%get3A_1457, %get3A_1458] : memref<32x16xf32, #tpu.memory_space<smem>>
    %add3A_1460 = arith.addf %add3A_1412, %get3A_1459 : f32
    %get3A_1461 = arith.constant 23 : index
    %get3A_1462 = arith.constant 7 : index
    %get3A_1463 = memref.load %arg1[%get3A_1461, %get3A_1462] : memref<32x16xf32, #tpu.memory_space<smem>>
    %add3A_1464 = arith.addf %add3A_1416, %get3A_1463 : f32
    %get3A_1465 = arith.constant 23 : index
    %get3A_1466 = arith.constant 8 : index
    %get3A_1467 = memref.load %arg1[%get3A_1465, %get3A_1466] : memref<32x16xf32, #tpu.memory_space<smem>>
    %add3A_1468 = arith.addf %add3A_1420, %get3A_1467 : f32
    %get3A_1469 = arith.constant 23 : index
    %get3A_1470 = arith.constant 9 : index
    %get3A_1471 = memref.load %arg1[%get3A_1469, %get3A_1470] : memref<32x16xf32, #tpu.memory_space<smem>>
    %add3A_1472 = arith.addf %add3A_1424, %get3A_1471 : f32
    %get3A_1473 = arith.constant 23 : index
    %get3A_1474 = arith.constant 10 : index
    %get3A_1475 = memref.load %arg1[%get3A_1473, %get3A_1474] : memref<32x16xf32, #tpu.memory_space<smem>>
    %add3A_1476 = arith.addf %add3A_1428, %get3A_1475 : f32
    %get3A_1477 = arith.constant 23 : index
    %get3A_1478 = arith.constant 11 : index
    %get3A_1479 = memref.load %arg1[%get3A_1477, %get3A_1478] : memref<32x16xf32, #tpu.memory_space<smem>>
    %add3A_1480 = arith.addf %add3A_1432, %get3A_1479 : f32
    %get3A_1481 = arith.constant 24 : index
    %get3A_1482 = arith.constant 0 : index
    %get3A_1483 = memref.load %arg1[%get3A_1481, %get3A_1482] : memref<32x16xf32, #tpu.memory_space<smem>>
    %add3A_1484 = arith.addf %add3A_1436, %get3A_1483 : f32
    %get3A_1485 = arith.constant 24 : index
    %get3A_1486 = arith.constant 1 : index
    %get3A_1487 = memref.load %arg1[%get3A_1485, %get3A_1486] : memref<32x16xf32, #tpu.memory_space<smem>>
    %add3A_1488 = arith.addf %add3A_1440, %get3A_1487 : f32
    %get3A_1489 = arith.constant 24 : index
    %get3A_1490 = arith.constant 2 : index
    %get3A_1491 = memref.load %arg1[%get3A_1489, %get3A_1490] : memref<32x16xf32, #tpu.memory_space<smem>>
    %add3A_1492 = arith.addf %add3A_1444, %get3A_1491 : f32
    %get3A_1493 = arith.constant 24 : index
    %get3A_1494 = arith.constant 3 : index
    %get3A_1495 = memref.load %arg1[%get3A_1493, %get3A_1494] : memref<32x16xf32, #tpu.memory_space<smem>>
    %add3A_1496 = arith.addf %add3A_1448, %get3A_1495 : f32
    %get3A_1497 = arith.constant 24 : index
    %get3A_1498 = arith.constant 4 : index
    %get3A_1499 = memref.load %arg1[%get3A_1497, %get3A_1498] : memref<32x16xf32, #tpu.memory_space<smem>>
    %add3A_1500 = arith.addf %add3A_1452, %get3A_1499 : f32
    %get3A_1501 = arith.constant 24 : index
    %get3A_1502 = arith.constant 5 : index
    %get3A_1503 = memref.load %arg1[%get3A_1501, %get3A_1502] : memref<32x16xf32, #tpu.memory_space<smem>>
    %add3A_1504 = arith.addf %add3A_1456, %get3A_1503 : f32
    %get3A_1505 = arith.constant 24 : index
    %get3A_1506 = arith.constant 6 : index
    %get3A_1507 = memref.load %arg1[%get3A_1505, %get3A_1506] : memref<32x16xf32, #tpu.memory_space<smem>>
    %add3A_1508 = arith.addf %add3A_1460, %get3A_1507 : f32
    %get3A_1509 = arith.constant 24 : index
    %get3A_1510 = arith.constant 7 : index
    %get3A_1511 = memref.load %arg1[%get3A_1509, %get3A_1510] : memref<32x16xf32, #tpu.memory_space<smem>>
    %add3A_1512 = arith.addf %add3A_1464, %get3A_1511 : f32
    %get3A_1513 = arith.constant 24 : index
    %get3A_1514 = arith.constant 8 : index
    %get3A_1515 = memref.load %arg1[%get3A_1513, %get3A_1514] : memref<32x16xf32, #tpu.memory_space<smem>>
    %add3A_1516 = arith.addf %add3A_1468, %get3A_1515 : f32
    %get3A_1517 = arith.constant 24 : index
    %get3A_1518 = arith.constant 9 : index
    %get3A_1519 = memref.load %arg1[%get3A_1517, %get3A_1518] : memref<32x16xf32, #tpu.memory_space<smem>>
    %add3A_1520 = arith.addf %add3A_1472, %get3A_1519 : f32
    %get3A_1521 = arith.constant 24 : index
    %get3A_1522 = arith.constant 10 : index
    %get3A_1523 = memref.load %arg1[%get3A_1521, %get3A_1522] : memref<32x16xf32, #tpu.memory_space<smem>>
    %add3A_1524 = arith.addf %add3A_1476, %get3A_1523 : f32
    %get3A_1525 = arith.constant 24 : index
    %get3A_1526 = arith.constant 11 : index
    %get3A_1527 = memref.load %arg1[%get3A_1525, %get3A_1526] : memref<32x16xf32, #tpu.memory_space<smem>>
    %add3A_1528 = arith.addf %add3A_1480, %get3A_1527 : f32
    %get3A_1529 = arith.constant 25 : index
    %get3A_1530 = arith.constant 0 : index
    %get3A_1531 = memref.load %arg1[%get3A_1529, %get3A_1530] : memref<32x16xf32, #tpu.memory_space<smem>>
    %add3A_1532 = arith.addf %add3A_1484, %get3A_1531 : f32
    %get3A_1533 = arith.constant 25 : index
    %get3A_1534 = arith.constant 1 : index
    %get3A_1535 = memref.load %arg1[%get3A_1533, %get3A_1534] : memref<32x16xf32, #tpu.memory_space<smem>>
    %add3A_1536 = arith.addf %add3A_1488, %get3A_1535 : f32
    %get3A_1537 = arith.constant 25 : index
    %get3A_1538 = arith.constant 2 : index
    %get3A_1539 = memref.load %arg1[%get3A_1537, %get3A_1538] : memref<32x16xf32, #tpu.memory_space<smem>>
    %add3A_1540 = arith.addf %add3A_1492, %get3A_1539 : f32
    %get3A_1541 = arith.constant 25 : index
    %get3A_1542 = arith.constant 3 : index
    %get3A_1543 = memref.load %arg1[%get3A_1541, %get3A_1542] : memref<32x16xf32, #tpu.memory_space<smem>>
    %add3A_1544 = arith.addf %add3A_1496, %get3A_1543 : f32
    %get3A_1545 = arith.constant 25 : index
    %get3A_1546 = arith.constant 4 : index
    %get3A_1547 = memref.load %arg1[%get3A_1545, %get3A_1546] : memref<32x16xf32, #tpu.memory_space<smem>>
    %add3A_1548 = arith.addf %add3A_1500, %get3A_1547 : f32
    %get3A_1549 = arith.constant 25 : index
    %get3A_1550 = arith.constant 5 : index
    %get3A_1551 = memref.load %arg1[%get3A_1549, %get3A_1550] : memref<32x16xf32, #tpu.memory_space<smem>>
    %add3A_1552 = arith.addf %add3A_1504, %get3A_1551 : f32
    %get3A_1553 = arith.constant 25 : index
    %get3A_1554 = arith.constant 6 : index
    %get3A_1555 = memref.load %arg1[%get3A_1553, %get3A_1554] : memref<32x16xf32, #tpu.memory_space<smem>>
    %add3A_1556 = arith.addf %add3A_1508, %get3A_1555 : f32
    %get3A_1557 = arith.constant 25 : index
    %get3A_1558 = arith.constant 7 : index
    %get3A_1559 = memref.load %arg1[%get3A_1557, %get3A_1558] : memref<32x16xf32, #tpu.memory_space<smem>>
    %add3A_1560 = arith.addf %add3A_1512, %get3A_1559 : f32
    %get3A_1561 = arith.constant 25 : index
    %get3A_1562 = arith.constant 8 : index
    %get3A_1563 = memref.load %arg1[%get3A_1561, %get3A_1562] : memref<32x16xf32, #tpu.memory_space<smem>>
    %add3A_1564 = arith.addf %add3A_1516, %get3A_1563 : f32
    %get3A_1565 = arith.constant 25 : index
    %get3A_1566 = arith.constant 9 : index
    %get3A_1567 = memref.load %arg1[%get3A_1565, %get3A_1566] : memref<32x16xf32, #tpu.memory_space<smem>>
    %add3A_1568 = arith.addf %add3A_1520, %get3A_1567 : f32
    %get3A_1569 = arith.constant 25 : index
    %get3A_1570 = arith.constant 10 : index
    %get3A_1571 = memref.load %arg1[%get3A_1569, %get3A_1570] : memref<32x16xf32, #tpu.memory_space<smem>>
    %add3A_1572 = arith.addf %add3A_1524, %get3A_1571 : f32
    %get3A_1573 = arith.constant 25 : index
    %get3A_1574 = arith.constant 11 : index
    %get3A_1575 = memref.load %arg1[%get3A_1573, %get3A_1574] : memref<32x16xf32, #tpu.memory_space<smem>>
    %add3A_1576 = arith.addf %add3A_1528, %get3A_1575 : f32
    %get3A_1577 = arith.constant 26 : index
    %get3A_1578 = arith.constant 0 : index
    %get3A_1579 = memref.load %arg1[%get3A_1577, %get3A_1578] : memref<32x16xf32, #tpu.memory_space<smem>>
    %add3A_1580 = arith.addf %add3A_1532, %get3A_1579 : f32
    %get3A_1581 = arith.constant 26 : index
    %get3A_1582 = arith.constant 1 : index
    %get3A_1583 = memref.load %arg1[%get3A_1581, %get3A_1582] : memref<32x16xf32, #tpu.memory_space<smem>>
    %add3A_1584 = arith.addf %add3A_1536, %get3A_1583 : f32
    %get3A_1585 = arith.constant 26 : index
    %get3A_1586 = arith.constant 2 : index
    %get3A_1587 = memref.load %arg1[%get3A_1585, %get3A_1586] : memref<32x16xf32, #tpu.memory_space<smem>>
    %add3A_1588 = arith.addf %add3A_1540, %get3A_1587 : f32
    %get3A_1589 = arith.constant 26 : index
    %get3A_1590 = arith.constant 3 : index
    %get3A_1591 = memref.load %arg1[%get3A_1589, %get3A_1590] : memref<32x16xf32, #tpu.memory_space<smem>>
    %add3A_1592 = arith.addf %add3A_1544, %get3A_1591 : f32
    %get3A_1593 = arith.constant 26 : index
    %get3A_1594 = arith.constant 4 : index
    %get3A_1595 = memref.load %arg1[%get3A_1593, %get3A_1594] : memref<32x16xf32, #tpu.memory_space<smem>>
    %add3A_1596 = arith.addf %add3A_1548, %get3A_1595 : f32
    %get3A_1597 = arith.constant 26 : index
    %get3A_1598 = arith.constant 5 : index
    %get3A_1599 = memref.load %arg1[%get3A_1597, %get3A_1598] : memref<32x16xf32, #tpu.memory_space<smem>>
    %add3A_1600 = arith.addf %add3A_1552, %get3A_1599 : f32
    %get3A_1601 = arith.constant 26 : index
    %get3A_1602 = arith.constant 6 : index
    %get3A_1603 = memref.load %arg1[%get3A_1601, %get3A_1602] : memref<32x16xf32, #tpu.memory_space<smem>>
    %add3A_1604 = arith.addf %add3A_1556, %get3A_1603 : f32
    %get3A_1605 = arith.constant 26 : index
    %get3A_1606 = arith.constant 7 : index
    %get3A_1607 = memref.load %arg1[%get3A_1605, %get3A_1606] : memref<32x16xf32, #tpu.memory_space<smem>>
    %add3A_1608 = arith.addf %add3A_1560, %get3A_1607 : f32
    %get3A_1609 = arith.constant 26 : index
    %get3A_1610 = arith.constant 8 : index
    %get3A_1611 = memref.load %arg1[%get3A_1609, %get3A_1610] : memref<32x16xf32, #tpu.memory_space<smem>>
    %add3A_1612 = arith.addf %add3A_1564, %get3A_1611 : f32
    %get3A_1613 = arith.constant 26 : index
    %get3A_1614 = arith.constant 9 : index
    %get3A_1615 = memref.load %arg1[%get3A_1613, %get3A_1614] : memref<32x16xf32, #tpu.memory_space<smem>>
    %add3A_1616 = arith.addf %add3A_1568, %get3A_1615 : f32
    %get3A_1617 = arith.constant 26 : index
    %get3A_1618 = arith.constant 10 : index
    %get3A_1619 = memref.load %arg1[%get3A_1617, %get3A_1618] : memref<32x16xf32, #tpu.memory_space<smem>>
    %add3A_1620 = arith.addf %add3A_1572, %get3A_1619 : f32
    %get3A_1621 = arith.constant 26 : index
    %get3A_1622 = arith.constant 11 : index
    %get3A_1623 = memref.load %arg1[%get3A_1621, %get3A_1622] : memref<32x16xf32, #tpu.memory_space<smem>>
    %add3A_1624 = arith.addf %add3A_1576, %get3A_1623 : f32
    %get3A_1625 = arith.constant 27 : index
    %get3A_1626 = arith.constant 0 : index
    %get3A_1627 = memref.load %arg1[%get3A_1625, %get3A_1626] : memref<32x16xf32, #tpu.memory_space<smem>>
    %add3A_1628 = arith.addf %add3A_1580, %get3A_1627 : f32
    %get3A_1629 = arith.constant 27 : index
    %get3A_1630 = arith.constant 1 : index
    %get3A_1631 = memref.load %arg1[%get3A_1629, %get3A_1630] : memref<32x16xf32, #tpu.memory_space<smem>>
    %add3A_1632 = arith.addf %add3A_1584, %get3A_1631 : f32
    %get3A_1633 = arith.constant 27 : index
    %get3A_1634 = arith.constant 2 : index
    %get3A_1635 = memref.load %arg1[%get3A_1633, %get3A_1634] : memref<32x16xf32, #tpu.memory_space<smem>>
    %add3A_1636 = arith.addf %add3A_1588, %get3A_1635 : f32
    %get3A_1637 = arith.constant 27 : index
    %get3A_1638 = arith.constant 3 : index
    %get3A_1639 = memref.load %arg1[%get3A_1637, %get3A_1638] : memref<32x16xf32, #tpu.memory_space<smem>>
    %add3A_1640 = arith.addf %add3A_1592, %get3A_1639 : f32
    %get3A_1641 = arith.constant 27 : index
    %get3A_1642 = arith.constant 4 : index
    %get3A_1643 = memref.load %arg1[%get3A_1641, %get3A_1642] : memref<32x16xf32, #tpu.memory_space<smem>>
    %add3A_1644 = arith.addf %add3A_1596, %get3A_1643 : f32
    %get3A_1645 = arith.constant 27 : index
    %get3A_1646 = arith.constant 5 : index
    %get3A_1647 = memref.load %arg1[%get3A_1645, %get3A_1646] : memref<32x16xf32, #tpu.memory_space<smem>>
    %add3A_1648 = arith.addf %add3A_1600, %get3A_1647 : f32
    %get3A_1649 = arith.constant 27 : index
    %get3A_1650 = arith.constant 6 : index
    %get3A_1651 = memref.load %arg1[%get3A_1649, %get3A_1650] : memref<32x16xf32, #tpu.memory_space<smem>>
    %add3A_1652 = arith.addf %add3A_1604, %get3A_1651 : f32
    %get3A_1653 = arith.constant 27 : index
    %get3A_1654 = arith.constant 7 : index
    %get3A_1655 = memref.load %arg1[%get3A_1653, %get3A_1654] : memref<32x16xf32, #tpu.memory_space<smem>>
    %add3A_1656 = arith.addf %add3A_1608, %get3A_1655 : f32
    %get3A_1657 = arith.constant 27 : index
    %get3A_1658 = arith.constant 8 : index
    %get3A_1659 = memref.load %arg1[%get3A_1657, %get3A_1658] : memref<32x16xf32, #tpu.memory_space<smem>>
    %add3A_1660 = arith.addf %add3A_1612, %get3A_1659 : f32
    %get3A_1661 = arith.constant 27 : index
    %get3A_1662 = arith.constant 9 : index
    %get3A_1663 = memref.load %arg1[%get3A_1661, %get3A_1662] : memref<32x16xf32, #tpu.memory_space<smem>>
    %add3A_1664 = arith.addf %add3A_1616, %get3A_1663 : f32
    %get3A_1665 = arith.constant 27 : index
    %get3A_1666 = arith.constant 10 : index
    %get3A_1667 = memref.load %arg1[%get3A_1665, %get3A_1666] : memref<32x16xf32, #tpu.memory_space<smem>>
    %add3A_1668 = arith.addf %add3A_1620, %get3A_1667 : f32
    %get3A_1669 = arith.constant 27 : index
    %get3A_1670 = arith.constant 11 : index
    %get3A_1671 = memref.load %arg1[%get3A_1669, %get3A_1670] : memref<32x16xf32, #tpu.memory_space<smem>>
    %add3A_1672 = arith.addf %add3A_1624, %get3A_1671 : f32
    %get3A_1673 = arith.constant 28 : index
    %get3A_1674 = arith.constant 0 : index
    %get3A_1675 = memref.load %arg1[%get3A_1673, %get3A_1674] : memref<32x16xf32, #tpu.memory_space<smem>>
    %add3A_1676 = arith.addf %add3A_1628, %get3A_1675 : f32
    %get3A_1677 = arith.constant 28 : index
    %get3A_1678 = arith.constant 1 : index
    %get3A_1679 = memref.load %arg1[%get3A_1677, %get3A_1678] : memref<32x16xf32, #tpu.memory_space<smem>>
    %add3A_1680 = arith.addf %add3A_1632, %get3A_1679 : f32
    %get3A_1681 = arith.constant 28 : index
    %get3A_1682 = arith.constant 2 : index
    %get3A_1683 = memref.load %arg1[%get3A_1681, %get3A_1682] : memref<32x16xf32, #tpu.memory_space<smem>>
    %add3A_1684 = arith.addf %add3A_1636, %get3A_1683 : f32
    %get3A_1685 = arith.constant 28 : index
    %get3A_1686 = arith.constant 3 : index
    %get3A_1687 = memref.load %arg1[%get3A_1685, %get3A_1686] : memref<32x16xf32, #tpu.memory_space<smem>>
    %add3A_1688 = arith.addf %add3A_1640, %get3A_1687 : f32
    %get3A_1689 = arith.constant 28 : index
    %get3A_1690 = arith.constant 4 : index
    %get3A_1691 = memref.load %arg1[%get3A_1689, %get3A_1690] : memref<32x16xf32, #tpu.memory_space<smem>>
    %add3A_1692 = arith.addf %add3A_1644, %get3A_1691 : f32
    %get3A_1693 = arith.constant 28 : index
    %get3A_1694 = arith.constant 5 : index
    %get3A_1695 = memref.load %arg1[%get3A_1693, %get3A_1694] : memref<32x16xf32, #tpu.memory_space<smem>>
    %add3A_1696 = arith.addf %add3A_1648, %get3A_1695 : f32
    %get3A_1697 = arith.constant 28 : index
    %get3A_1698 = arith.constant 6 : index
    %get3A_1699 = memref.load %arg1[%get3A_1697, %get3A_1698] : memref<32x16xf32, #tpu.memory_space<smem>>
    %add3A_1700 = arith.addf %add3A_1652, %get3A_1699 : f32
    %get3A_1701 = arith.constant 28 : index
    %get3A_1702 = arith.constant 7 : index
    %get3A_1703 = memref.load %arg1[%get3A_1701, %get3A_1702] : memref<32x16xf32, #tpu.memory_space<smem>>
    %add3A_1704 = arith.addf %add3A_1656, %get3A_1703 : f32
    %get3A_1705 = arith.constant 28 : index
    %get3A_1706 = arith.constant 8 : index
    %get3A_1707 = memref.load %arg1[%get3A_1705, %get3A_1706] : memref<32x16xf32, #tpu.memory_space<smem>>
    %add3A_1708 = arith.addf %add3A_1660, %get3A_1707 : f32
    %get3A_1709 = arith.constant 28 : index
    %get3A_1710 = arith.constant 9 : index
    %get3A_1711 = memref.load %arg1[%get3A_1709, %get3A_1710] : memref<32x16xf32, #tpu.memory_space<smem>>
    %add3A_1712 = arith.addf %add3A_1664, %get3A_1711 : f32
    %get3A_1713 = arith.constant 28 : index
    %get3A_1714 = arith.constant 10 : index
    %get3A_1715 = memref.load %arg1[%get3A_1713, %get3A_1714] : memref<32x16xf32, #tpu.memory_space<smem>>
    %add3A_1716 = arith.addf %add3A_1668, %get3A_1715 : f32
    %get3A_1717 = arith.constant 28 : index
    %get3A_1718 = arith.constant 11 : index
    %get3A_1719 = memref.load %arg1[%get3A_1717, %get3A_1718] : memref<32x16xf32, #tpu.memory_space<smem>>
    %add3A_1720 = arith.addf %add3A_1672, %get3A_1719 : f32
    %get3A_1721 = arith.constant 29 : index
    %get3A_1722 = arith.constant 0 : index
    %get3A_1723 = memref.load %arg1[%get3A_1721, %get3A_1722] : memref<32x16xf32, #tpu.memory_space<smem>>
    %add3A_1724 = arith.addf %add3A_1676, %get3A_1723 : f32
    %get3A_1725 = arith.constant 29 : index
    %get3A_1726 = arith.constant 1 : index
    %get3A_1727 = memref.load %arg1[%get3A_1725, %get3A_1726] : memref<32x16xf32, #tpu.memory_space<smem>>
    %add3A_1728 = arith.addf %add3A_1680, %get3A_1727 : f32
    %get3A_1729 = arith.constant 29 : index
    %get3A_1730 = arith.constant 2 : index
    %get3A_1731 = memref.load %arg1[%get3A_1729, %get3A_1730] : memref<32x16xf32, #tpu.memory_space<smem>>
    %add3A_1732 = arith.addf %add3A_1684, %get3A_1731 : f32
    %get3A_1733 = arith.constant 29 : index
    %get3A_1734 = arith.constant 3 : index
    %get3A_1735 = memref.load %arg1[%get3A_1733, %get3A_1734] : memref<32x16xf32, #tpu.memory_space<smem>>
    %add3A_1736 = arith.addf %add3A_1688, %get3A_1735 : f32
    %get3A_1737 = arith.constant 29 : index
    %get3A_1738 = arith.constant 4 : index
    %get3A_1739 = memref.load %arg1[%get3A_1737, %get3A_1738] : memref<32x16xf32, #tpu.memory_space<smem>>
    %add3A_1740 = arith.addf %add3A_1692, %get3A_1739 : f32
    %get3A_1741 = arith.constant 29 : index
    %get3A_1742 = arith.constant 5 : index
    %get3A_1743 = memref.load %arg1[%get3A_1741, %get3A_1742] : memref<32x16xf32, #tpu.memory_space<smem>>
    %add3A_1744 = arith.addf %add3A_1696, %get3A_1743 : f32
    %get3A_1745 = arith.constant 29 : index
    %get3A_1746 = arith.constant 6 : index
    %get3A_1747 = memref.load %arg1[%get3A_1745, %get3A_1746] : memref<32x16xf32, #tpu.memory_space<smem>>
    %add3A_1748 = arith.addf %add3A_1700, %get3A_1747 : f32
    %get3A_1749 = arith.constant 29 : index
    %get3A_1750 = arith.constant 7 : index
    %get3A_1751 = memref.load %arg1[%get3A_1749, %get3A_1750] : memref<32x16xf32, #tpu.memory_space<smem>>
    %add3A_1752 = arith.addf %add3A_1704, %get3A_1751 : f32
    %get3A_1753 = arith.constant 29 : index
    %get3A_1754 = arith.constant 8 : index
    %get3A_1755 = memref.load %arg1[%get3A_1753, %get3A_1754] : memref<32x16xf32, #tpu.memory_space<smem>>
    %add3A_1756 = arith.addf %add3A_1708, %get3A_1755 : f32
    %get3A_1757 = arith.constant 29 : index
    %get3A_1758 = arith.constant 9 : index
    %get3A_1759 = memref.load %arg1[%get3A_1757, %get3A_1758] : memref<32x16xf32, #tpu.memory_space<smem>>
    %add3A_1760 = arith.addf %add3A_1712, %get3A_1759 : f32
    %get3A_1761 = arith.constant 29 : index
    %get3A_1762 = arith.constant 10 : index
    %get3A_1763 = memref.load %arg1[%get3A_1761, %get3A_1762] : memref<32x16xf32, #tpu.memory_space<smem>>
    %add3A_1764 = arith.addf %add3A_1716, %get3A_1763 : f32
    %get3A_1765 = arith.constant 29 : index
    %get3A_1766 = arith.constant 11 : index
    %get3A_1767 = memref.load %arg1[%get3A_1765, %get3A_1766] : memref<32x16xf32, #tpu.memory_space<smem>>
    %add3A_1768 = arith.addf %add3A_1720, %get3A_1767 : f32
    %get3A_1769 = arith.constant 30 : index
    %get3A_1770 = arith.constant 0 : index
    %get3A_1771 = memref.load %arg1[%get3A_1769, %get3A_1770] : memref<32x16xf32, #tpu.memory_space<smem>>
    %add3A_1772 = arith.addf %add3A_1724, %get3A_1771 : f32
    %get3A_1773 = arith.constant 30 : index
    %get3A_1774 = arith.constant 1 : index
    %get3A_1775 = memref.load %arg1[%get3A_1773, %get3A_1774] : memref<32x16xf32, #tpu.memory_space<smem>>
    %add3A_1776 = arith.addf %add3A_1728, %get3A_1775 : f32
    %get3A_1777 = arith.constant 30 : index
    %get3A_1778 = arith.constant 2 : index
    %get3A_1779 = memref.load %arg1[%get3A_1777, %get3A_1778] : memref<32x16xf32, #tpu.memory_space<smem>>
    %add3A_1780 = arith.addf %add3A_1732, %get3A_1779 : f32
    %get3A_1781 = arith.constant 30 : index
    %get3A_1782 = arith.constant 3 : index
    %get3A_1783 = memref.load %arg1[%get3A_1781, %get3A_1782] : memref<32x16xf32, #tpu.memory_space<smem>>
    %add3A_1784 = arith.addf %add3A_1736, %get3A_1783 : f32
    %get3A_1785 = arith.constant 30 : index
    %get3A_1786 = arith.constant 4 : index
    %get3A_1787 = memref.load %arg1[%get3A_1785, %get3A_1786] : memref<32x16xf32, #tpu.memory_space<smem>>
    %add3A_1788 = arith.addf %add3A_1740, %get3A_1787 : f32
    %get3A_1789 = arith.constant 30 : index
    %get3A_1790 = arith.constant 5 : index
    %get3A_1791 = memref.load %arg1[%get3A_1789, %get3A_1790] : memref<32x16xf32, #tpu.memory_space<smem>>
    %add3A_1792 = arith.addf %add3A_1744, %get3A_1791 : f32
    %get3A_1793 = arith.constant 30 : index
    %get3A_1794 = arith.constant 6 : index
    %get3A_1795 = memref.load %arg1[%get3A_1793, %get3A_1794] : memref<32x16xf32, #tpu.memory_space<smem>>
    %add3A_1796 = arith.addf %add3A_1748, %get3A_1795 : f32
    %get3A_1797 = arith.constant 30 : index
    %get3A_1798 = arith.constant 7 : index
    %get3A_1799 = memref.load %arg1[%get3A_1797, %get3A_1798] : memref<32x16xf32, #tpu.memory_space<smem>>
    %add3A_1800 = arith.addf %add3A_1752, %get3A_1799 : f32
    %get3A_1801 = arith.constant 30 : index
    %get3A_1802 = arith.constant 8 : index
    %get3A_1803 = memref.load %arg1[%get3A_1801, %get3A_1802] : memref<32x16xf32, #tpu.memory_space<smem>>
    %add3A_1804 = arith.addf %add3A_1756, %get3A_1803 : f32
    %get3A_1805 = arith.constant 30 : index
    %get3A_1806 = arith.constant 9 : index
    %get3A_1807 = memref.load %arg1[%get3A_1805, %get3A_1806] : memref<32x16xf32, #tpu.memory_space<smem>>
    %add3A_1808 = arith.addf %add3A_1760, %get3A_1807 : f32
    %get3A_1809 = arith.constant 30 : index
    %get3A_1810 = arith.constant 10 : index
    %get3A_1811 = memref.load %arg1[%get3A_1809, %get3A_1810] : memref<32x16xf32, #tpu.memory_space<smem>>
    %add3A_1812 = arith.addf %add3A_1764, %get3A_1811 : f32
    %get3A_1813 = arith.constant 30 : index
    %get3A_1814 = arith.constant 11 : index
    %get3A_1815 = memref.load %arg1[%get3A_1813, %get3A_1814] : memref<32x16xf32, #tpu.memory_space<smem>>
    %add3A_1816 = arith.addf %add3A_1768, %get3A_1815 : f32
    %get3A_1817 = arith.constant 31 : index
    %get3A_1818 = arith.constant 0 : index
    %get3A_1819 = memref.load %arg1[%get3A_1817, %get3A_1818] : memref<32x16xf32, #tpu.memory_space<smem>>
    %add3A_1820 = arith.addf %add3A_1772, %get3A_1819 : f32
    %get3A_1821 = arith.constant 31 : index
    %get3A_1822 = arith.constant 1 : index
    %get3A_1823 = memref.load %arg1[%get3A_1821, %get3A_1822] : memref<32x16xf32, #tpu.memory_space<smem>>
    %add3A_1824 = arith.addf %add3A_1776, %get3A_1823 : f32
    %get3A_1825 = arith.constant 31 : index
    %get3A_1826 = arith.constant 2 : index
    %get3A_1827 = memref.load %arg1[%get3A_1825, %get3A_1826] : memref<32x16xf32, #tpu.memory_space<smem>>
    %add3A_1828 = arith.addf %add3A_1780, %get3A_1827 : f32
    %get3A_1829 = arith.constant 31 : index
    %get3A_1830 = arith.constant 3 : index
    %get3A_1831 = memref.load %arg1[%get3A_1829, %get3A_1830] : memref<32x16xf32, #tpu.memory_space<smem>>
    %add3A_1832 = arith.addf %add3A_1784, %get3A_1831 : f32
    %get3A_1833 = arith.constant 31 : index
    %get3A_1834 = arith.constant 4 : index
    %get3A_1835 = memref.load %arg1[%get3A_1833, %get3A_1834] : memref<32x16xf32, #tpu.memory_space<smem>>
    %add3A_1836 = arith.addf %add3A_1788, %get3A_1835 : f32
    %get3A_1837 = arith.constant 31 : index
    %get3A_1838 = arith.constant 5 : index
    %get3A_1839 = memref.load %arg1[%get3A_1837, %get3A_1838] : memref<32x16xf32, #tpu.memory_space<smem>>
    %add3A_1840 = arith.addf %add3A_1792, %get3A_1839 : f32
    %get3A_1841 = arith.constant 31 : index
    %get3A_1842 = arith.constant 6 : index
    %get3A_1843 = memref.load %arg1[%get3A_1841, %get3A_1842] : memref<32x16xf32, #tpu.memory_space<smem>>
    %add3A_1844 = arith.addf %add3A_1796, %get3A_1843 : f32
    %get3A_1845 = arith.constant 31 : index
    %get3A_1846 = arith.constant 7 : index
    %get3A_1847 = memref.load %arg1[%get3A_1845, %get3A_1846] : memref<32x16xf32, #tpu.memory_space<smem>>
    %add3A_1848 = arith.addf %add3A_1800, %get3A_1847 : f32
    %get3A_1849 = arith.constant 31 : index
    %get3A_1850 = arith.constant 8 : index
    %get3A_1851 = memref.load %arg1[%get3A_1849, %get3A_1850] : memref<32x16xf32, #tpu.memory_space<smem>>
    %add3A_1852 = arith.addf %add3A_1804, %get3A_1851 : f32
    %get3A_1853 = arith.constant 31 : index
    %get3A_1854 = arith.constant 9 : index
    %get3A_1855 = memref.load %arg1[%get3A_1853, %get3A_1854] : memref<32x16xf32, #tpu.memory_space<smem>>
    %add3A_1856 = arith.addf %add3A_1808, %get3A_1855 : f32
    %get3A_1857 = arith.constant 31 : index
    %get3A_1858 = arith.constant 10 : index
    %get3A_1859 = memref.load %arg1[%get3A_1857, %get3A_1858] : memref<32x16xf32, #tpu.memory_space<smem>>
    %add3A_1860 = arith.addf %add3A_1812, %get3A_1859 : f32
    %get3A_1861 = arith.constant 31 : index
    %get3A_1862 = arith.constant 11 : index
    %get3A_1863 = memref.load %arg1[%get3A_1861, %get3A_1862] : memref<32x16xf32, #tpu.memory_space<smem>>
    %add3A_1864 = arith.addf %add3A_1816, %get3A_1863 : f32
    %add3A_1865 = arith.addf %add3A_1852, %add3A_1856 : f32
    %add3A_1866 = arith.addf %add3A_1865, %add3A_1860 : f32
    %add3A_1867 = arith.addf %add3A_1866, %add3A_1864 : f32
    %get3A_1868 = arith.constant 1 : index
    %get3A_1869 = arith.constant 0 : index
    %get3A_1870 = memref.load %arg0[%get3A_1868, %get3A_1869] : memref<2x18xf32, #tpu.memory_space<smem>>
    %get3A_1871 = arith.constant 1 : index
    %get3A_1872 = arith.constant 8 : index
    %get3A_1873 = memref.load %arg0[%get3A_1871, %get3A_1872] : memref<2x18xf32, #tpu.memory_space<smem>>
    %mul3A_1874 = arith.constant 5.000000e-01 : f32
    %mul3A_1875 = arith.mulf %mul3A_1874, %get3A_1873 : f32
    %mul3A_1876 = arith.constant 5.000000e-01 : f32
    %mul3A_1877 = arith.mulf %mul3A_1876, %get3A_1870 : f32
    %add3A_1878 = arith.addf %mul3A_1875, %mul3A_1877 : f32
    %add3A_1879 = arith.constant 0.000000e+00 : f32
    %add3A_1880 = arith.addf %add3A_1879, %add3A_1878 : f32
    %add3A_1881 = arith.constant 0.000000e+00 : f32
    %add3A_1882 = arith.addf %add3A_1881, %get3A_1870 : f32
    %gt3A_1883 = arith.constant 0.000000e+00 : f32
    %gt3A_1884 = arith.cmpf ogt, %get3A_1870, %gt3A_1883 : f32
    %mul3A_1885 = arith.constant 2.000000e+00 : f32
    %mul3A_1886 = arith.mulf %mul3A_1885, %add3A_1878 : f32
    %add3A_1887 = arith.constant 9.99999974E-6 : f32
    %add3A_1888 = arith.addf %mul3A_1886, %add3A_1887 : f32
    %mul3A_1889 = arith.constant 2.000000e+00 : f32
    %mul3A_1890 = arith.mulf %mul3A_1889, %get3A_1870 : f32
    %add3A_1891 = arith.constant 9.99999974E-6 : f32
    %add3A_1892 = arith.addf %mul3A_1890, %add3A_1891 : f32
    %div3A_1893 = arith.divf %add3A_1888, %add3A_1892 : f32
    %sub3A_1894 = arith.constant 1.000000e+00 : f32
    %sub3A_1895 = arith.subf %sub3A_1894, %div3A_1893 : f32
    %jit3A_1896 = arith.constant 1.000000e+00 : f32
    %jit3A_1897 = arith.constant 0.000000e+00 : f32
    %select_n3A_1898 = arith.select %gt3A_1884, %jit3A_1896, %jit3A_1897 : f32
    %add3A_1899 = arith.constant 0.000000e+00 : f32
    %add3A_1900 = arith.addf %add3A_1899, %select_n3A_1898 : f32
    %jit3A_1901 = arith.constant 0.000000e+00 : f32
    %select_n3A_1902 = arith.select %gt3A_1884, %sub3A_1895, %jit3A_1901 : f32
    %add3A_1903 = arith.constant 0.000000e+00 : f32
    %add3A_1904 = arith.addf %add3A_1903, %select_n3A_1902 : f32
    %get3A_1905 = arith.constant 1 : index
    %get3A_1906 = arith.constant 1 : index
    %get3A_1907 = memref.load %arg0[%get3A_1905, %get3A_1906] : memref<2x18xf32, #tpu.memory_space<smem>>
    %get3A_1908 = arith.constant 1 : index
    %get3A_1909 = arith.constant 9 : index
    %get3A_1910 = memref.load %arg0[%get3A_1908, %get3A_1909] : memref<2x18xf32, #tpu.memory_space<smem>>
    %mul3A_1911 = arith.constant 5.000000e-01 : f32
    %mul3A_1912 = arith.mulf %mul3A_1911, %get3A_1910 : f32
    %mul3A_1913 = arith.constant 5.000000e-01 : f32
    %mul3A_1914 = arith.mulf %mul3A_1913, %get3A_1907 : f32
    %add3A_1915 = arith.addf %mul3A_1912, %mul3A_1914 : f32
    %add3A_1916 = arith.addf %add3A_1880, %add3A_1915 : f32
    %add3A_1917 = arith.addf %add3A_1882, %get3A_1907 : f32
    %gt3A_1918 = arith.constant 0.000000e+00 : f32
    %gt3A_1919 = arith.cmpf ogt, %get3A_1907, %gt3A_1918 : f32
    %mul3A_1920 = arith.constant 2.000000e+00 : f32
    %mul3A_1921 = arith.mulf %mul3A_1920, %add3A_1915 : f32
    %add3A_1922 = arith.constant 9.99999974E-6 : f32
    %add3A_1923 = arith.addf %mul3A_1921, %add3A_1922 : f32
    %mul3A_1924 = arith.constant 2.000000e+00 : f32
    %mul3A_1925 = arith.mulf %mul3A_1924, %get3A_1907 : f32
    %add3A_1926 = arith.constant 9.99999974E-6 : f32
    %add3A_1927 = arith.addf %mul3A_1925, %add3A_1926 : f32
    %div3A_1928 = arith.divf %add3A_1923, %add3A_1927 : f32
    %sub3A_1929 = arith.constant 1.000000e+00 : f32
    %sub3A_1930 = arith.subf %sub3A_1929, %div3A_1928 : f32
    %jit3A_1931 = arith.constant 1.000000e+00 : f32
    %jit3A_1932 = arith.constant 0.000000e+00 : f32
    %select_n3A_1933 = arith.select %gt3A_1919, %jit3A_1931, %jit3A_1932 : f32
    %add3A_1934 = arith.addf %add3A_1900, %select_n3A_1933 : f32
    %jit3A_1935 = arith.constant 0.000000e+00 : f32
    %select_n3A_1936 = arith.select %gt3A_1919, %sub3A_1930, %jit3A_1935 : f32
    %add3A_1937 = arith.addf %add3A_1904, %select_n3A_1936 : f32
    %get3A_1938 = arith.constant 1 : index
    %get3A_1939 = arith.constant 2 : index
    %get3A_1940 = memref.load %arg0[%get3A_1938, %get3A_1939] : memref<2x18xf32, #tpu.memory_space<smem>>
    %get3A_1941 = arith.constant 1 : index
    %get3A_1942 = arith.constant 10 : index
    %get3A_1943 = memref.load %arg0[%get3A_1941, %get3A_1942] : memref<2x18xf32, #tpu.memory_space<smem>>
    %mul3A_1944 = arith.constant 5.000000e-01 : f32
    %mul3A_1945 = arith.mulf %mul3A_1944, %get3A_1943 : f32
    %mul3A_1946 = arith.constant 5.000000e-01 : f32
    %mul3A_1947 = arith.mulf %mul3A_1946, %get3A_1940 : f32
    %add3A_1948 = arith.addf %mul3A_1945, %mul3A_1947 : f32
    %add3A_1949 = arith.addf %add3A_1916, %add3A_1948 : f32
    %add3A_1950 = arith.addf %add3A_1917, %get3A_1940 : f32
    %gt3A_1951 = arith.constant 0.000000e+00 : f32
    %gt3A_1952 = arith.cmpf ogt, %get3A_1940, %gt3A_1951 : f32
    %mul3A_1953 = arith.constant 2.000000e+00 : f32
    %mul3A_1954 = arith.mulf %mul3A_1953, %add3A_1948 : f32
    %add3A_1955 = arith.constant 9.99999974E-6 : f32
    %add3A_1956 = arith.addf %mul3A_1954, %add3A_1955 : f32
    %mul3A_1957 = arith.constant 2.000000e+00 : f32
    %mul3A_1958 = arith.mulf %mul3A_1957, %get3A_1940 : f32
    %add3A_1959 = arith.constant 9.99999974E-6 : f32
    %add3A_1960 = arith.addf %mul3A_1958, %add3A_1959 : f32
    %div3A_1961 = arith.divf %add3A_1956, %add3A_1960 : f32
    %sub3A_1962 = arith.constant 1.000000e+00 : f32
    %sub3A_1963 = arith.subf %sub3A_1962, %div3A_1961 : f32
    %jit3A_1964 = arith.constant 1.000000e+00 : f32
    %jit3A_1965 = arith.constant 0.000000e+00 : f32
    %select_n3A_1966 = arith.select %gt3A_1952, %jit3A_1964, %jit3A_1965 : f32
    %add3A_1967 = arith.addf %add3A_1934, %select_n3A_1966 : f32
    %jit3A_1968 = arith.constant 0.000000e+00 : f32
    %select_n3A_1969 = arith.select %gt3A_1952, %sub3A_1963, %jit3A_1968 : f32
    %add3A_1970 = arith.addf %add3A_1937, %select_n3A_1969 : f32
    %get3A_1971 = arith.constant 1 : index
    %get3A_1972 = arith.constant 3 : index
    %get3A_1973 = memref.load %arg0[%get3A_1971, %get3A_1972] : memref<2x18xf32, #tpu.memory_space<smem>>
    %get3A_1974 = arith.constant 1 : index
    %get3A_1975 = arith.constant 11 : index
    %get3A_1976 = memref.load %arg0[%get3A_1974, %get3A_1975] : memref<2x18xf32, #tpu.memory_space<smem>>
    %mul3A_1977 = arith.constant 5.000000e-01 : f32
    %mul3A_1978 = arith.mulf %mul3A_1977, %get3A_1976 : f32
    %mul3A_1979 = arith.constant 5.000000e-01 : f32
    %mul3A_1980 = arith.mulf %mul3A_1979, %get3A_1973 : f32
    %add3A_1981 = arith.addf %mul3A_1978, %mul3A_1980 : f32
    %add3A_1982 = arith.addf %add3A_1949, %add3A_1981 : f32
    %add3A_1983 = arith.addf %add3A_1950, %get3A_1973 : f32
    %gt3A_1984 = arith.constant 0.000000e+00 : f32
    %gt3A_1985 = arith.cmpf ogt, %get3A_1973, %gt3A_1984 : f32
    %mul3A_1986 = arith.constant 2.000000e+00 : f32
    %mul3A_1987 = arith.mulf %mul3A_1986, %add3A_1981 : f32
    %add3A_1988 = arith.constant 9.99999974E-6 : f32
    %add3A_1989 = arith.addf %mul3A_1987, %add3A_1988 : f32
    %mul3A_1990 = arith.constant 2.000000e+00 : f32
    %mul3A_1991 = arith.mulf %mul3A_1990, %get3A_1973 : f32
    %add3A_1992 = arith.constant 9.99999974E-6 : f32
    %add3A_1993 = arith.addf %mul3A_1991, %add3A_1992 : f32
    %div3A_1994 = arith.divf %add3A_1989, %add3A_1993 : f32
    %sub3A_1995 = arith.constant 1.000000e+00 : f32
    %sub3A_1996 = arith.subf %sub3A_1995, %div3A_1994 : f32
    %jit3A_1997 = arith.constant 1.000000e+00 : f32
    %jit3A_1998 = arith.constant 0.000000e+00 : f32
    %select_n3A_1999 = arith.select %gt3A_1985, %jit3A_1997, %jit3A_1998 : f32
    %add3A_2000 = arith.addf %add3A_1967, %select_n3A_1999 : f32
    %jit3A_2001 = arith.constant 0.000000e+00 : f32
    %select_n3A_2002 = arith.select %gt3A_1985, %sub3A_1996, %jit3A_2001 : f32
    %add3A_2003 = arith.addf %add3A_1970, %select_n3A_2002 : f32
    %get3A_2004 = arith.constant 1 : index
    %get3A_2005 = arith.constant 4 : index
    %get3A_2006 = memref.load %arg0[%get3A_2004, %get3A_2005] : memref<2x18xf32, #tpu.memory_space<smem>>
    %get3A_2007 = arith.constant 1 : index
    %get3A_2008 = arith.constant 12 : index
    %get3A_2009 = memref.load %arg0[%get3A_2007, %get3A_2008] : memref<2x18xf32, #tpu.memory_space<smem>>
    %mul3A_2010 = arith.constant 5.000000e-01 : f32
    %mul3A_2011 = arith.mulf %mul3A_2010, %get3A_2009 : f32
    %mul3A_2012 = arith.constant 5.000000e-01 : f32
    %mul3A_2013 = arith.mulf %mul3A_2012, %get3A_2006 : f32
    %add3A_2014 = arith.addf %mul3A_2011, %mul3A_2013 : f32
    %add3A_2015 = arith.addf %get3A_2006, %add3A_1820 : f32
    %add3A_2016 = arith.addf %add3A_2014, %add3A_1836 : f32
    %add3A_2017 = arith.addf %add3A_1982, %add3A_2016 : f32
    %add3A_2018 = arith.addf %add3A_1983, %add3A_2015 : f32
    %gt3A_2019 = arith.constant 0.000000e+00 : f32
    %gt3A_2020 = arith.cmpf ogt, %add3A_2015, %gt3A_2019 : f32
    %mul3A_2021 = arith.constant 2.000000e+00 : f32
    %mul3A_2022 = arith.mulf %mul3A_2021, %add3A_2016 : f32
    %add3A_2023 = arith.constant 9.99999974E-6 : f32
    %add3A_2024 = arith.addf %mul3A_2022, %add3A_2023 : f32
    %mul3A_2025 = arith.constant 2.000000e+00 : f32
    %mul3A_2026 = arith.mulf %mul3A_2025, %add3A_2015 : f32
    %add3A_2027 = arith.constant 9.99999974E-6 : f32
    %add3A_2028 = arith.addf %mul3A_2026, %add3A_2027 : f32
    %div3A_2029 = arith.divf %add3A_2024, %add3A_2028 : f32
    %sub3A_2030 = arith.constant 1.000000e+00 : f32
    %sub3A_2031 = arith.subf %sub3A_2030, %div3A_2029 : f32
    %jit3A_2032 = arith.constant 1.000000e+00 : f32
    %jit3A_2033 = arith.constant 0.000000e+00 : f32
    %select_n3A_2034 = arith.select %gt3A_2020, %jit3A_2032, %jit3A_2033 : f32
    %add3A_2035 = arith.addf %add3A_2000, %select_n3A_2034 : f32
    %jit3A_2036 = arith.constant 0.000000e+00 : f32
    %select_n3A_2037 = arith.select %gt3A_2020, %sub3A_2031, %jit3A_2036 : f32
    %add3A_2038 = arith.addf %add3A_2003, %select_n3A_2037 : f32
    %get3A_2039 = arith.constant 1 : index
    %get3A_2040 = arith.constant 5 : index
    %get3A_2041 = memref.load %arg0[%get3A_2039, %get3A_2040] : memref<2x18xf32, #tpu.memory_space<smem>>
    %get3A_2042 = arith.constant 1 : index
    %get3A_2043 = arith.constant 13 : index
    %get3A_2044 = memref.load %arg0[%get3A_2042, %get3A_2043] : memref<2x18xf32, #tpu.memory_space<smem>>
    %mul3A_2045 = arith.constant 5.000000e-01 : f32
    %mul3A_2046 = arith.mulf %mul3A_2045, %get3A_2044 : f32
    %mul3A_2047 = arith.constant 5.000000e-01 : f32
    %mul3A_2048 = arith.mulf %mul3A_2047, %get3A_2041 : f32
    %add3A_2049 = arith.addf %mul3A_2046, %mul3A_2048 : f32
    %add3A_2050 = arith.addf %get3A_2041, %add3A_1824 : f32
    %add3A_2051 = arith.addf %add3A_2049, %add3A_1840 : f32
    %add3A_2052 = arith.addf %add3A_2017, %add3A_2051 : f32
    %add3A_2053 = arith.addf %add3A_2018, %add3A_2050 : f32
    %gt3A_2054 = arith.constant 0.000000e+00 : f32
    %gt3A_2055 = arith.cmpf ogt, %add3A_2050, %gt3A_2054 : f32
    %mul3A_2056 = arith.constant 2.000000e+00 : f32
    %mul3A_2057 = arith.mulf %mul3A_2056, %add3A_2051 : f32
    %add3A_2058 = arith.constant 9.99999974E-6 : f32
    %add3A_2059 = arith.addf %mul3A_2057, %add3A_2058 : f32
    %mul3A_2060 = arith.constant 2.000000e+00 : f32
    %mul3A_2061 = arith.mulf %mul3A_2060, %add3A_2050 : f32
    %add3A_2062 = arith.constant 9.99999974E-6 : f32
    %add3A_2063 = arith.addf %mul3A_2061, %add3A_2062 : f32
    %div3A_2064 = arith.divf %add3A_2059, %add3A_2063 : f32
    %sub3A_2065 = arith.constant 1.000000e+00 : f32
    %sub3A_2066 = arith.subf %sub3A_2065, %div3A_2064 : f32
    %jit3A_2067 = arith.constant 1.000000e+00 : f32
    %jit3A_2068 = arith.constant 0.000000e+00 : f32
    %select_n3A_2069 = arith.select %gt3A_2055, %jit3A_2067, %jit3A_2068 : f32
    %add3A_2070 = arith.addf %add3A_2035, %select_n3A_2069 : f32
    %jit3A_2071 = arith.constant 0.000000e+00 : f32
    %select_n3A_2072 = arith.select %gt3A_2055, %sub3A_2066, %jit3A_2071 : f32
    %add3A_2073 = arith.addf %add3A_2038, %select_n3A_2072 : f32
    %get3A_2074 = arith.constant 1 : index
    %get3A_2075 = arith.constant 6 : index
    %get3A_2076 = memref.load %arg0[%get3A_2074, %get3A_2075] : memref<2x18xf32, #tpu.memory_space<smem>>
    %get3A_2077 = arith.constant 1 : index
    %get3A_2078 = arith.constant 14 : index
    %get3A_2079 = memref.load %arg0[%get3A_2077, %get3A_2078] : memref<2x18xf32, #tpu.memory_space<smem>>
    %mul3A_2080 = arith.constant 5.000000e-01 : f32
    %mul3A_2081 = arith.mulf %mul3A_2080, %get3A_2079 : f32
    %mul3A_2082 = arith.constant 5.000000e-01 : f32
    %mul3A_2083 = arith.mulf %mul3A_2082, %get3A_2076 : f32
    %add3A_2084 = arith.addf %mul3A_2081, %mul3A_2083 : f32
    %add3A_2085 = arith.addf %get3A_2076, %add3A_1828 : f32
    %add3A_2086 = arith.addf %add3A_2084, %add3A_1844 : f32
    %add3A_2087 = arith.addf %add3A_2052, %add3A_2086 : f32
    %add3A_2088 = arith.addf %add3A_2053, %add3A_2085 : f32
    %gt3A_2089 = arith.constant 0.000000e+00 : f32
    %gt3A_2090 = arith.cmpf ogt, %add3A_2085, %gt3A_2089 : f32
    %mul3A_2091 = arith.constant 2.000000e+00 : f32
    %mul3A_2092 = arith.mulf %mul3A_2091, %add3A_2086 : f32
    %add3A_2093 = arith.constant 9.99999974E-6 : f32
    %add3A_2094 = arith.addf %mul3A_2092, %add3A_2093 : f32
    %mul3A_2095 = arith.constant 2.000000e+00 : f32
    %mul3A_2096 = arith.mulf %mul3A_2095, %add3A_2085 : f32
    %add3A_2097 = arith.constant 9.99999974E-6 : f32
    %add3A_2098 = arith.addf %mul3A_2096, %add3A_2097 : f32
    %div3A_2099 = arith.divf %add3A_2094, %add3A_2098 : f32
    %sub3A_2100 = arith.constant 1.000000e+00 : f32
    %sub3A_2101 = arith.subf %sub3A_2100, %div3A_2099 : f32
    %jit3A_2102 = arith.constant 1.000000e+00 : f32
    %jit3A_2103 = arith.constant 0.000000e+00 : f32
    %select_n3A_2104 = arith.select %gt3A_2090, %jit3A_2102, %jit3A_2103 : f32
    %add3A_2105 = arith.addf %add3A_2070, %select_n3A_2104 : f32
    %jit3A_2106 = arith.constant 0.000000e+00 : f32
    %select_n3A_2107 = arith.select %gt3A_2090, %sub3A_2101, %jit3A_2106 : f32
    %add3A_2108 = arith.addf %add3A_2073, %select_n3A_2107 : f32
    %get3A_2109 = arith.constant 1 : index
    %get3A_2110 = arith.constant 7 : index
    %get3A_2111 = memref.load %arg0[%get3A_2109, %get3A_2110] : memref<2x18xf32, #tpu.memory_space<smem>>
    %get3A_2112 = arith.constant 1 : index
    %get3A_2113 = arith.constant 15 : index
    %get3A_2114 = memref.load %arg0[%get3A_2112, %get3A_2113] : memref<2x18xf32, #tpu.memory_space<smem>>
    %mul3A_2115 = arith.constant 5.000000e-01 : f32
    %mul3A_2116 = arith.mulf %mul3A_2115, %get3A_2114 : f32
    %mul3A_2117 = arith.constant 5.000000e-01 : f32
    %mul3A_2118 = arith.mulf %mul3A_2117, %get3A_2111 : f32
    %add3A_2119 = arith.addf %mul3A_2116, %mul3A_2118 : f32
    %add3A_2120 = arith.addf %get3A_2111, %add3A_1832 : f32
    %add3A_2121 = arith.addf %add3A_2119, %add3A_1848 : f32
    %add3A_2122 = arith.addf %add3A_2087, %add3A_2121 : f32
    %add3A_2123 = arith.addf %add3A_2088, %add3A_2120 : f32
    %gt3A_2124 = arith.constant 0.000000e+00 : f32
    %gt3A_2125 = arith.cmpf ogt, %add3A_2120, %gt3A_2124 : f32
    %mul3A_2126 = arith.constant 2.000000e+00 : f32
    %mul3A_2127 = arith.mulf %mul3A_2126, %add3A_2121 : f32
    %add3A_2128 = arith.constant 9.99999974E-6 : f32
    %add3A_2129 = arith.addf %mul3A_2127, %add3A_2128 : f32
    %mul3A_2130 = arith.constant 2.000000e+00 : f32
    %mul3A_2131 = arith.mulf %mul3A_2130, %add3A_2120 : f32
    %add3A_2132 = arith.constant 9.99999974E-6 : f32
    %add3A_2133 = arith.addf %mul3A_2131, %add3A_2132 : f32
    %div3A_2134 = arith.divf %add3A_2129, %add3A_2133 : f32
    %sub3A_2135 = arith.constant 1.000000e+00 : f32
    %sub3A_2136 = arith.subf %sub3A_2135, %div3A_2134 : f32
    %jit3A_2137 = arith.constant 1.000000e+00 : f32
    %jit3A_2138 = arith.constant 0.000000e+00 : f32
    %select_n3A_2139 = arith.select %gt3A_2125, %jit3A_2137, %jit3A_2138 : f32
    %add3A_2140 = arith.addf %add3A_2105, %select_n3A_2139 : f32
    %jit3A_2141 = arith.constant 0.000000e+00 : f32
    %select_n3A_2142 = arith.select %gt3A_2125, %sub3A_2136, %jit3A_2141 : f32
    %add3A_2143 = arith.addf %add3A_2108, %select_n3A_2142 : f32
    %max3A_2144 = arith.constant 1.000000e+00 : f32
    %max3A_2145 = arith.maximumf %add3A_2140, %max3A_2144 : f32
    %div3A_2146 = arith.divf %add3A_2143, %max3A_2145 : f32
    %get3A_2147 = arith.constant 1 : index
    %get3A_2148 = arith.constant 16 : index
    %get3A_2149 = memref.load %arg0[%get3A_2147, %get3A_2148] : memref<2x18xf32, #tpu.memory_space<smem>>
    %mul3A_2150 = arith.constant 5.000000e-01 : f32
    %mul3A_2151 = arith.mulf %mul3A_2150, %get3A_2149 : f32
    %mul3A_2152 = arith.constant 5.000000e-01 : f32
    %mul3A_2153 = arith.constant 0x49E00000 : f32
    %mul3A_2154 = arith.mulf %mul3A_2152, %mul3A_2153 : f32
    %add3A_2155 = arith.addf %mul3A_2151, %mul3A_2154 : f32
    %add3A_2156 = arith.addf %add3A_2155, %add3A_1867 : f32
    %mul3A_2157 = arith.constant 2.000000e+00 : f32
    %mul3A_2158 = arith.mulf %mul3A_2157, %add3A_2122 : f32
    %sub3A_2159 = arith.subf %mul3A_2158, %add3A_2156 : f32
    %add3A_2160 = arith.constant 0x4A000000 : f32
    %add3A_2161 = arith.addf %sub3A_2159, %add3A_2160 : f32
    %sub3A_2162 = arith.subf %add3A_2161, %add3A_2123 : f32
    %mul3A_2163 = arith.constant 2.000000e+00 : f32
    %mul3A_2164 = arith.mulf %mul3A_2163, %sub3A_2162 : f32
    %add3A_2165 = arith.constant 9.99999974E-6 : f32
    %add3A_2166 = arith.addf %mul3A_2164, %add3A_2165 : f32
    %mul3A_2167 = arith.constant 2.000000e+00 : f32
    %mul3A_2168 = arith.constant 0x4A000000 : f32
    %mul3A_2169 = arith.mulf %mul3A_2167, %mul3A_2168 : f32
    %add3A_2170 = arith.constant 9.99999974E-6 : f32
    %add3A_2171 = arith.addf %mul3A_2169, %add3A_2170 : f32
    %div3A_2172 = arith.divf %add3A_2166, %add3A_2171 : f32
    %sub3A_2173 = arith.constant 1.000000e+00 : f32
    %sub3A_2174 = arith.subf %sub3A_2173, %div3A_2172 : f32
    %eq3A_2175 = arith.constant 0.000000e+00 : f32
    %eq3A_2176 = arith.cmpf oeq, %add3A_2140, %eq3A_2175 : f32
    %select_n3A_2177 = arith.select %eq3A_2176, %sub3A_2174, %div3A_2146 : f32
    %add3A_2178 = arith.addf %add3A_1084, %select_n3A_2177 : f32
    %div3A_2179 = arith.constant 2.000000e+00 : f32
    %div3A_2180 = arith.divf %add3A_2178, %div3A_2179 : f32
    %swap3A = arith.constant 0 : index
    %swap3A_2181 = arith.constant 0 : index
    %swap3A_2182 = memref.load %arg2[%swap3A, %swap3A_2181] : memref<1x1xf32, #tpu.memory_space<smem>>
    memref.store %div3A_2180, %arg2[%swap3A, %swap3A_2181] : memref<1x1xf32, #tpu.memory_space<smem>>
    return
  }
}

</mosaic_0001>

<sc_bundles>
// kernel: kernel.5.cloned.1.call-start
scs
__scs_entry_jumppad:
0x0: {  	(pc) =	sbr.rel $0x88, $3  }
0x1: {  	(tag) =	ssettag $0x0;
	lr =	simm.s32 $0x1  }
0x2: {  	[smem:$0x3F9F] =	sst lr;
	_ =	strace $0xD0000000  }
0x3: {  	_ = 	snop  }
0x4: {  	_ = 	snop  }
0x5: {  	_ = 	snop  }
0x6: {  	_ = 	snop  }
0x7: {  	_ = 	snop  }
__scs_overlays_trampoline_lowered:
0x8: {  	[smem:$0x3FAE] =	sst s0  }
0x9: {  	[smem:$0x3FAF] =	sst s1  }
0xa: {  	[smem:$0x3FB0] =	sst s2  }
0xb: {  	[smem:$0x3FB1] =	sst s3  }
0xc: {  	[smem:$0x3FB2] =	sst s4  }
0xd: {  	[smem:$0x3FB3] =	sst s5  }
0xe: {  	[smem:$0x3FB4] =	sst s6  }
0xf: {  	[smem:$0x3FB5] =	sst s7  }
0x10: {  	[smem:$0x3FB6] =	sst s8  }
0x11: {  	[smem:$0x3FB7] =	sst s9;
	s0 =	simm.s32 @!p0 $0x0  }
0x12: {  	s1 =	sld [smem:$0x3F9D];
	s0 =	simm.s32 @p0 $0x1  }
0x13: {  	[smem:$0x3FB8] =	sst s0;
	s0 =	simm.s32 @!p1 $0x0  }
0x14: {  	s2 =	sld [smem:$0x3F9C];
	s0 =	simm.s32 @p1 $0x1  }
0x15: {  	[smem:$0x3FB9] =	sst s0;
	s0 =	simm.s32 @!p2 $0x0  }
0x16: {  	s3 =	sld [smem:$0x3FDB];
	s0 =	simm.s32 @p2 $0x1  }
0x17: {  	s4 =	simm.s32 $0x1BF5;
	[smem:$0x3FBB] =	sst s0  }
0x18: {  	s0 =	sld [smem:$0x3F9E];
	_ =	swait.ge [sflag:s4], $0x0  }
0x19: {  	s7 =	sld [smem:$0x3F9F]  }
0x1a: {  	s8 =	sadd.s32 $0xFFFFE003, lr  }
0x1b: {  	s9 =	sadd.s32 $0xFFFFFEF7, lr;
	s5 =	simm.s32 $0xFFFFFFFF;
	p2 =	slt.u32 s8, $0xFFFFF086  }
0x1c: {  	p1 =	slt.u32 s9, $0xF7A;
	s5 =	simm.s32 @!p2 $0x0  }
0x1d: {  	s5 =	simm.s32 @p1 $0x1;
	p0 =	seq.s32 s7, s2  }
0x1e: {  	s7 =	smul.u32 @!p0 $0xF7A, s2;
	p2 =	seq.s32 @!p0 s5, $0x0  }
0x1f: {  	s9 =	smul.u32 $0xF7A, s1;
	s8 =	simm.s32 @!p0 $0x1BF5;
	p2 =	por !p2, p0  }
0x20: {  	[sflag:s8] =	ssyncset.s32 @!p0 $0xFFFFF086;
	s6 =	sadd.s32 @!p0 s3, s7;
	s7 =	simm.s32 @!p0 $0x108  }
0x21: {  	s3 =	sadd.s32 s3, s9;
	s6 =	sadd.s32 @!p0 $0x88, s6;
	s7 =	simm.s32 @p2 $0x1082  }
0x22: {  	[simem:s7], [sflag:s8] =	dma.local @!p0 [hbm:s6], $0xF7A  }
0x23: {  	s9 =	sor.u32 $0xD0000000, s2;
	s6 =	simm.s32 $0x108;
	_ =	swait.ge @!p0 [sflag:s8], $0x0  }
0x24: {  	s3 =	sadd.s32 $0x88, s3;
	s6 =	simm.s32 @!p1 $0x1082;
	[sflag:s4] =	ssyncset.s32 $0xFFFFF086  }
0x25: {  	[simem:s6], [sflag:s4] =	dma.local [hbm:s3], $0xF7A  }
0x26: {  	[smem:$0x3F9F] =	sst s1;
	(tag) =	ssettag s2;
	_ =	strace s9  }
0x27: {  	s1 =	sld [smem:$0x3FAF]  }
0x28: {  	s2 =	sld [smem:$0x3FB0]  }
0x29: {  	s4 =	sld [smem:$0x3FB2]  }
0x2a: {  	p0 =	seq.s32 s5, $0x0;
	s5 =	sld [smem:$0x3FB3]  }
0x2b: {  	s6 =	sld [smem:$0x3FB4]  }
0x2c: {  	s7 =	sld [smem:$0x3FB5]  }
0x2d: {  	s3 =	simm.s32 $0x108;
	s8 =	sld [smem:$0x3FB6]  }
0x2e: {  	s3 =	simm.s32 @!p0 $0x1082;
	s9 =	sld [smem:$0x3FB7]  }
0x2f: {  	lr =	sadd.s32 s0, s3;
	s0 =	sld [smem:$0x3FAE]  }
0x30: {  	s3 =	sld [smem:$0x3FB1]  }
0x31: {  	[smem:$0x3FBA] =	sst s10  }
0x32: {  	s10 =	sld [smem:$0x3FB8];
	_ =	sdelay $0x3  }
0x33: {  	p0 =	seq.s32 s10, $0x1;
	s10 =	sld [smem:$0x3FBA];
	_ =	sdelay $0x3  }
0x34: {  	[smem:$0x3FBA] =	sst s10  }
0x35: {  	s10 =	sld [smem:$0x3FB9];
	_ =	sdelay $0x3  }
0x36: {  	p1 =	seq.s32 s10, $0x1;
	s10 =	sld [smem:$0x3FBA];
	_ =	sdelay $0x3  }
0x37: {  	[smem:$0x3FBA] =	sst s10  }
0x38: {  	s10 =	sld [smem:$0x3FBB]  }
0x39: {  	_ = 	snop;
	(pc) =	sbr.ind lr, $3  }
0x3a: {  	_ = 	snop  }
0x3b: {  	_ = 	snop  }
0x3c: {  	p2 =	seq.s32 s10, $0x1;
	s10 =	sld [smem:$0x3FBA]  }
0x3d: {  	_ =	shalt  }
0x3e: {  	_ =	shalt  }
0x3f: {  	_ =	shalt  }
0x40: {  	_ =	shalt  }
0x41: {  	_ =	shalt  }
0x42: {  	_ =	shalt  }
0x43: {  	_ =	shalt  }
0x44: {  	_ =	shalt  }
0x45: {  	_ =	shalt  }
0x46: {  	_ =	shalt  }
0x47: {  	_ =	shalt  }
0x48: {  	_ =	shalt  }
0x49: {  	_ =	shalt  }
0x4a: {  	_ =	shalt  }
0x4b: {  	_ =	shalt  }
0x4c: {  	_ =	shalt  }
0x4d: {  	_ =	shalt  }
0x4e: {  	_ =	shalt  }
0x4f: {  	_ =	shalt  }
0x50: {  	_ =	shalt  }
0x51: {  	_ =	shalt  }
0x52: {  	_ =	shalt  }
0x53: {  	_ =	shalt  }
0x54: {  	_ =	shalt  }
0x55: {  	_ =	shalt  }
0x56: {  	_ =	shalt  }
0x57: {  	_ =	shalt  }
0x58: {  	_ =	shalt  }
0x59: {  	_ =	shalt  }
0x5a: {  	_ =	shalt  }
0x5b: {  	_ =	shalt  }
0x5c: {  	_ =	shalt  }
0x5d: {  	_ =	shalt  }
0x5e: {  	_ =	shalt  }
0x5f: {  	_ =	shalt  }
0x60: {  	_ =	shalt  }
0x61: {  	_ =	shalt  }
0x62: {  	_ =	shalt  }
0x63: {  	_ =	shalt  }
0x64: {  	_ =	shalt  }
0x65: {  	_ =	shalt  }
0x66: {  	_ =	shalt  }
0x67: {  	_ =	shalt  }
0x68: {  	_ =	shalt  }
0x69: {  	_ =	shalt  }
0x6a: {  	_ =	shalt  }
0x6b: {  	_ =	shalt  }
0x6c: {  	_ =	shalt  }
0x6d: {  	_ =	shalt  }
0x6e: {  	_ =	shalt  }
0x6f: {  	_ =	shalt  }
0x70: {  	_ =	shalt  }
0x71: {  	_ =	shalt  }
0x72: {  	_ =	shalt  }
0x73: {  	_ =	shalt  }
0x74: {  	_ =	shalt  }
0x75: {  	_ =	shalt  }
0x76: {  	_ =	shalt  }
0x77: {  	_ =	shalt  }
0x78: {  	_ =	shalt  }
0x79: {  	_ =	shalt  }
0x7a: {  	_ =	shalt  }
0x7b: {  	_ =	shalt  }
0x7c: {  	_ =	shalt  }
0x7d: {  	_ =	shalt  }
0x7e: {  	_ =	shalt  }
0x7f: {  	_ =	shalt  }
0x80: {  	_ =	shalt  }
0x81: {  	_ =	shalt  }
0x82: {  	_ =	shalt  }
0x83: {  	_ =	shalt  }
0x84: {  	_ =	shalt  }
0x85: {  	_ =	shalt  }
0x86: {  	_ =	shalt  }
0x87: {  	_ =	shalt  }
.Lfunc_end0:
.L_simem_size_0:
called_computation_lowered:
.L_overlay_start_0:
0x88: {  	s2 =	sld [smem:$0x3FD9]  }
0x89: {  	s3 =	sld [smem:$0x3FFE];
	_ =	sdelay $0x1  }
0x8a: {  	s1 =	srdreg.scid  }
0x8b: {  	s0 =	sand.u32 $0x1, s1  }
0x8c: {  	s17 =	sshll.u32 s0, $0xA;
	s2 =	sadd.s32 s3, s2  }
0x8d: {  	s2 =	sadd.s32 s2, s17  }
0x8e: {  	[smem:$0x3FC6] =	sst s2  }
0x8f: {  	_ = 	snop  }
0x90: {  	s2 =	sld [smem:$0x3FC9]  }
0x91: {  	s18 =	sld [smem:$0x3FC8];
	(tm) =	ssettm $0x1  }
0x92: {  	s4 =	sld [smem:$0x3FFB];
	_ =	sdelay $0x3  }
0x93: {  	_ =	strace s4  }
0x94: {  	s4 =	sld [smem:$0x3FFC];
	_ =	sdelay $0x3  }
0x95: {  	_ =	strace s4  }
0x96: {  	s4 =	sld [smem:$0x3FFD];
	_ =	sdelay $0x3  }
0x97: {  	_ =	strace s4  }
0x98: {  	_ =	strace $0x8FFFFFFF  }
0x99: {  	s19 =	sld [smem:$0x3FDB];
	_ =	sdelay $0x1  }
0x9a: {  	s5 =	simm.s32 $_scs_section_size  }
0x9b: {  	s6 =	simm.s32 $_size__tile_overlayer_lowered;
	s7 =	simm.s32 $_tile_overlayer_lowered  }
0x9c: {  	s22 =	simm.s32 $0x1BFF;
	s21 =	sshll.u32 s7, $0x1;
	s4 =	sadd.s32 s5, s19  }
0x9d: {  	s8 =	simm.s32 $0x0;
	s20 =	sshll.u32 s6, $0x1;
	s6 =	sadd.s32 s21, s4  }
0x9e: {  	[timem:s8], [sflag:s22] =	dma.local [hbm:s6], s20  }
0x9f: {  	_ =	swait.ge [sflag:s22], s20  }
0xa0: {  	s5 =	ssub.s32 $0x0, s20;
	[sflag:s22] =	ssyncset.done $0x0  }
0xa1: {  	[sflag:s22] =	ssyncadd.s32 s5;
	_ =	sdelay $0x1  }
0xa2: {  	s23 =	simm.s32 $0x1B8B  }
0xa3: {  	_ =	swait.ge [sflag:s23], $0x1  }
0xa4: {  	[sflag:s23] =	ssyncset.done $0x0  }
0xa5: {  	s25 =	simm.s32 $0x1B8E;
	s24 =	sld [smem:$0x3FFE];
	[sflag:s23] =	ssyncadd.s32 $0xFFFFFFFF  }
0xa6: {  	s26 =	simm.s32 $execute0_lowered;
	[smem:$0x3FD2] =	sst s25  }
0xa7: {  	s6 =	sshll.u32 s26, $0x1;
	_ =	strace $0x80000046;
	[dreg:$0x1] =	wrdreg $0xFFFFFFFF  }
0xa8: {  	s28 =	simm.s32 $_size_execute0_lowered;
	s4 =	sadd.s32 s4, s6;
	[dreg:$0x0] =	wrdreg $0x0  }
0xa9: {  	s6 =	sshll.u32 s28, $0x1;
	[dreg:$0x2] =	wrdreg s4  }
0xaa: {  	[dreg:$0x3] =	wrdreg s6  }
0xab: {  	[dreg:$0x4] =	wrdreg $0xC0  }
0xac: {  	_ =	task [dreg:s8], $0x5FFFF  }
0xad: {  	[dreg:$0x1] =	wrdreg $0xFFFFFFFF  }
0xae: {  	[dreg:$0x0] =	wrdreg $0x60  }
0xaf: {  	[dreg:$0x2] =	wrdreg s2  }
0xb0: {  	[dreg:$0x3] =	wrdreg s18  }
0xb1: {  	[dreg:$0x4] =	wrdreg s24  }
0xb2: {  	[dreg:$0x5] =	wrdreg $0x9  }
0xb3: {  	_ =	task.clear_ibuf [dreg:s8], $0x6FFFF;
	_ =	strace $0x90000046  }
0xb4: {  	s29 =	simm.s32 $0x9;
	_ =	strace $0x80000048  }
0xb5: {  	_ =	swait.ge [sflag:s29], $0x1  }
0xb6: {  	[sflag:s29] =	ssyncadd.s32 $0xFFFFFFFF  }
0xb7: {  	_ =	strace $0x90000048  }
0xb8: {  	_ =	sfence  }
0xb9: {  	s30 =	sld [smem:$0x0];
	_ =	sdelay $0x2  }
0xba: {  	s31 =	sshll.u32 s1, $0xD;
	s1 =	sshrl.u32 s1, $0x2  }
0xbb: {  	s3 =	sand.u32 $0x4000, s31;
	s1 =	sadd.s32 s1, s30  }
0xbc: {  	s0 =	sor.u32 s3, s0;
	s1 =	sshll.u32 s1, $0x11  }
0xbd: {  	s0 =	sor.u32 s1, s0  }
0xbe: {  	s0 =	sadd.s32 $0x8F2B, s0  }
0xbf: {  	[sflag:s0] =	ssyncadd.remote.s32 $0x1  }
0xc0: {  	_ =	sfence.sel $0xFFFF  }
0xc1: {  	[dreg:$0x0] =	wrdreg $0xFFFFFFFF;
	(pc) =	sbr.abs _section_cstart, $3  }
0xc2: {  	[dreg:$0x1] =	wrdreg $0xFFFFFFFF  }
0xc3: {  	_ =	task.clear_ibuf [dreg:s8], $0x2FFFF;
	_ =	strace $0x9FFFFFFF  }
0xc4: {  	(tm) =	ssettm $0x7FFFFFFF  }
0xc5: {  	_ =	shalt  }
tec
execute0_lowered:
.L_overlay_start_1:
0x0: {  	(tag) =	ssettag $0x1  }
0x1: {  	s3 =	rddreg [dreg:$0x0]  }
0x2: {  	s5 =	rddreg [dreg:$0x1]  }
0x3: {  	s1 =	srdreg.scid;
	s0 =	stileid.u32  }
0x4: {  	s4 =	rddreg [dreg:$0x2];
	s2 =	simm.s32 $0x0;
	s11 =	simm.s32 $0xC000  }
0x5: {  	s12 =	simm.s32 $0xC200;
	s13 =	simm.s32 $0xC400;
	s14 =	simm.s32 $0xC080  }
0x6: {  	s15 =	simm.s32 $0xC280;
	s16 =	simm.s32 $0xC480;
	s17 =	simm.s32 $0xC100  }
0x7: {  	s18 =	simm.s32 $0xC300;
	s19 =	simm.s32 $0xC500;
	s20 =	simm.s32 $0xC180  }
0x8: {  	s21 =	simm.s32 $0xC380;
	s22 =	simm.s32 $0xC580;
	s23 =	simm.s32 $0xC800  }
0x9: {  	s24 =	simm.s32 $0x2;
	s25 =	simm.s32 $0x0;
	s6 =	sand.u32 $0x1, s1  }
0xa: {  	s7 =	sshll.u32 s0, $0x1;
	s1 =	rddreg [dreg:$0x3];
	s8 =	sshrl.u32 s0, $0x3  }
0xb: {  	[smem:$0x7FF] =	sst s2;
	s7 =	sor.u32 s6, s7;
	s10 =	sshll.u32 s8, $0x16  }
0xc: {  	_ =	strace $0x80000047;
	s6 =	ssub.s32 $0x2, s6;
	s8 =	sshll.u32 s8, $0x15  }
0xd: {  	s9 =	sshll.u32 s7, $0xE;
	s7 =	sshll.u32 s7, $0x4;
	s29 =	sshrl.u32 s6, $0x1  }
0xe: {  	v0 =	vimm.f32 $0.0e+00;
	s9 =	sor.u32 $0x1C0000, s9;
	s7 =	sadd.s32 s7, s4;
	s30 =	ssub.s32 s6, s29  }
0xf: {  	vm0 =	vmmov $0x1;
	vm1 =	vcmask $0x330;
	vm2 =	vcmask $0x730;
	s28 =	sor.u32 s10, s9;
	s8 =	sor.u32 s8, s9;
	s6 =	sadd.s32 $0x800, s7  }
0x10: {  	vm3 =	vcmask $0xB30;
	vm4 =	vcmask $0xF30;
	vm5 =	vcmask $0x1330;
	s7 =	smax.u32 s30, $0x1;
	s9 =	simm.s32 $0x8000;
	s4 =	sshrl.u32 s28, $0x3  }
0x11: {  	vm6 =	vcmask $0x1730;
	vm7 =	vcmask $0x1B30;
	vm8 =	vcmask $0x1F30;
	s10 =	simm.s32 $0x1;
	s31 =	sshrl.u32 s8, $0x3;
	s3 =	sadd.s32 s3, s4  }
0x12: {  	vm9 =	vcmask $0x2330;
	vm10 =	vcmask $0x2730;
	vm11 =	vcmask $0x2B30;
	s8 =	simm.s32 $0x4000;
	s5 =	sadd.s32 s5, s31;
	s4 =	sadd.s32 $0x40000, s3  }
.LBB2_1:
0x13: {  	[tilespmem:$0xC000] =	vst v0  }
0x14: {  	[tilespmem:$0xC080] =	vst v0  }
0x15: {  	[tilespmem:$0xC100] =	vst v0  }
0x16: {  	[tilespmem:$0xC180] =	vst v0  }
0x17: {  	[tilespmem:$0xC200] =	vst v0  }
0x18: {  	[tilespmem:$0xC280] =	vst v0  }
0x19: {  	[tilespmem:$0xC300] =	vst v0  }
0x1a: {  	[tilespmem:$0xC380] =	vst v0  }
0x1b: {  	[tilespmem:$0xC400] =	vst v0  }
0x1c: {  	[tilespmem:$0xC480] =	vst v0  }
0x1d: {  	[tilespmem:$0xC500] =	vst v0  }
0x1e: {  	[tilespmem:$0xC580] =	vst v0  }
0x1f: {  	[tilespmem:s2], [sflag:$0x1] =	stream.linear.gather [hbm4b:s3+s2], $0x4000, $0x38;
	[tilespmem:$0xC880] =	vst v63  }
0x20: {  	_ = 	snop  }
0x21: {  	[tilespmem:s8], [sflag:$0x1] =	stream.linear.gather [hbm4b:s4+s2], $0x4000, $0x38;
	[tilespmem:$0xC880] =	vst v63  }
0x22: {  	_ = 	snop  }
0x23: {  	[tilespmem:s9], [sflag:$0x1] =	stream.linear.gather [hbm4b:s5+s2], $0x4000, $0x38;
	[tilespmem:$0xC880] =	vst v63  }
0x24: {  	_ =	swait.ge [sflag:s10], $0x4000  }
0x25: {  	[sflag:s10] =	ssyncset.done $0x0  }
0x26: {  	[sflag:s10] =	ssyncadd.s32 $0xFFFFC000  }
0x27: {  	_ =	swait.ge [sflag:s10], $0x4000  }
0x28: {  	[sflag:s10] =	ssyncset.done $0x0  }
0x29: {  	[sflag:s10] =	ssyncadd.s32 $0xFFFFC000  }
0x2a: {  	_ =	swait.ge [sflag:s10], $0x4000  }
0x2b: {  	[sflag:s10] =	ssyncset.done $0x0  }
0x2c: {  	s28 =	simm.s32 $0x0;
	[sflag:s10] =	ssyncadd.s32 $0xFFFFC000  }
0x2d: {  	v1 =	vld [tilespmem:s28+$0x4000]  }
0x2e: {  	v2 =	vld [tilespmem:s28+$0x0];
	_ =	sdelay $0x1  }
0x2f: {  	v3 =	vld [tilespmem:s28+$0x4010]  }
0x30: {  	v4 =	vld [tilespmem:s28+$0x10]  }
0x31: {  	v5 =	vld [tilespmem:s28+$0x4020]  }
0x32: {  	v6 =	vld [tilespmem:s28+$0x20];
	v1 =	vsub.f32 v2, v1  }
0x33: {  	v7 =	vld [tilespmem:s28+$0x30]  }
0x34: {  	v2 =	vld [tilespmem:s28+$0x4030];
	v1 =	vmul.f32 $1.442695020e+00, v1  }
0x35: {  	v3 =	vsub.f32 v4, v3  }
0x36: {  	(erf) = vpow2.f32 v1  }
0x37: {  	v4 =	vsub.f32 v6, v5;
	v3 =	vmul.f32 $1.442695020e+00, v3;
	_ =	sdelay $0x1  }
0x38: {  	v1 =	vmul.f32 $1.442695020e+00, v4;
	v2 =	vsub.f32 v7, v2;
	(erf) = vpow2.f32 v3;
	_ =	sdelay $0x1  }
0x39: {  	(erf) = vpow2.f32 v1;
	v2 =	vmul.f32 $1.442695020e+00, v2;
	_ =	sdelay $0x1  }
0x3a: {  	(erf) = vpow2.f32 v2;
	_ =	sdelay $0x1  }
0x3b: {  	v1 =	vpop (erf)  }
0x3c: {  	v1 =	vadd.f32 $1.000000000e+00, v1;
	_ =	sdelay $0x1  }
0x3d: {  	v2 =	vpop (erf)  }
0x3e: {  	v2 =	vadd.f32 $1.000000000e+00, v2;
	(erf) = vrcp.f32 v1  }
0x3f: {  	v1 =	vpop (erf)  }
0x40: {  	(erf) = vrcp.f32 v2;
	v1 =	vadd.f32 $1.000000000e+00, v1  }
0x41: {  	v2 =	vld [tilespmem:s28+$0x8000];
	v3 =	vpop (erf)  }
0x42: {  	v3 =	vadd.f32 $1.000000000e+00, v3;
	(erf) = vrcp.f32 v1  }
0x43: {  	v1 =	vld [tilespmem:s28+$0x8010]  }
0x44: {  	(erf) = vrcp.f32 v3;
	v3 =	vld [tilespmem:s28+$0x8020];
	_ =	sdelay $0x1  }
0x45: {  	v2 =	vcvt.s32.f32 v2  }
0x46: {  	v4 =	vld [tilespmem:s28+$0x8030];
	v5 =	vpop (erf)  }
0x47: {  	v1 =	vcvt.s32.f32 v1;
	v6 =	vmul.f32 v2, v5  }
0x48: {  	v7 =	vpop (erf);
	v3 =	vcvt.s32.f32 v3  }
0x49: {  	v6 =	vadd.f32 $0.0e+00, v6;
	v8 =	vmul.f32 v1, v7  }
0x4a: {  	v5 =	vadd.f32 $0.0e+00, v5;
	v1 =	vadd.f32 v1, v2;
	v2 =	vpop (erf)  }
0x4b: {  	v4 =	vcvt.s32.f32 v4;
	v6 =	vadd.f32 v8, v6;
	v62 =	vmul.f32 v3, v2  }
0x4c: {  	v5 =	vadd.f32 v7, v5;
	v1 =	vadd.f32 v3, v1;
	v3 =	vpop (erf)  }
0x4d: {  	v7 =	vmul.f32 v4, v3;
	v6 =	vadd.f32 v62, v6  }
0x4e: {  	v2 =	vadd.f32 v2, v5;
	v1 =	vadd.f32 v4, v1  }
0x4f: {  	v4 =	vadd.f32 v7, v6  }
0x50: {  	v2 =	vadd.f32 v3, v2;
	[tilespmem:s11+$0x0] =	vst.add.f32.msk $0xffff, v1  }
0x51: {  	[tilespmem:s12+$0x0] =	vst.add.f32.msk $0xffff, v4  }
0x52: {  	[tilespmem:s13+$0x0] =	vst.add.f32.msk $0xffff, v2  }
0x53: {  	v1 =	vld [tilespmem:s28+$0x40]  }
0x54: {  	v2 =	vld [tilespmem:s28+$0x4040]  }
0x55: {  	v3 =	vld [tilespmem:s28+$0x50]  }
0x56: {  	v4 =	vld [tilespmem:s28+$0x4050]  }
0x57: {  	v5 =	vld [tilespmem:s28+$0x60]  }
0x58: {  	v6 =	vld [tilespmem:s28+$0x4060];
	_ =	sdelay $0x1  }
0x59: {  	v7 =	vld [tilespmem:s28+$0x70];
	v1 =	vsub.f32 v1, v2  }
0x5a: {  	v63 =	vld [tilespmem:s28+$0x4070]  }
0x5b: {  	v2 =	vsub.f32 v3, v4;
	v1 =	vmul.f32 $1.442695020e+00, v1  }
0x5c: {  	v3 =	vsub.f32 v5, v6  }
0x5d: {  	v2 =	vmul.f32 $1.442695020e+00, v2;
	(erf) = vpow2.f32 v1  }
0x5e: {  	v1 =	vmul.f32 $1.442695020e+00, v3  }
0x5f: {  	v4 =	vsub.f32 v7, v63;
	(erf) = vpow2.f32 v2  }
0x60: {  	(erf) = vpow2.f32 v1  }
0x61: {  	v2 =	vmul.f32 $1.442695020e+00, v4;
	_ =	sdelay $0x1  }
0x62: {  	(erf) = vpow2.f32 v2;
	_ =	sdelay $0x2  }
0x63: {  	v1 =	vpop (erf)  }
0x64: {  	v1 =	vadd.f32 $1.000000000e+00, v1  }
0x65: {  	v2 =	vpop (erf)  }
0x66: {  	v2 =	vadd.f32 $1.000000000e+00, v2;
	v4 =	vpop (erf);
	(erf) = vrcp.f32 v1;
	_ =	sdelay $0x1  }
0x67: {  	v3 =	vld [tilespmem:s28+$0x8040];
	v1 =	vadd.f32 $1.000000000e+00, v4;
	(erf) = vrcp.f32 v2  }
0x68: {  	v5 =	vpop (erf);
	v4 =	vld [tilespmem:s28+$0x8050]  }
0x69: {  	v5 =	vadd.f32 $1.000000000e+00, v5;
	(erf) = vrcp.f32 v1  }
0x6a: {  	v2 =	vld [tilespmem:s28+$0x8060]  }
0x6b: {  	s26 =	simm.s32 $0x200;
	v1 =	vld [tilespmem:s28+$0x8070];
	(erf) = vrcp.f32 v5  }
.LBB2_2:
0x6c: {  	p0 =	sne.s32 s26, $0x7E00;
	s28 =	smov.u32 s26;
	s26 =	sadd.s32 $0x200, s26  }
0x6d: {  	v3 =	vcvt.s32.f32 v3;
	v4 =	vcvt.s32.f32 v4  }
0x6e: {  	v5 =	vpop (erf)  }
0x6f: {  	s28 =	sshra.s32 s28, $0x2;
	v6 =	vmul.f32 v3, v5;
	v5 =	vadd.f32 $0.0e+00, v5;
	v3 =	vadd.f32 v4, v3  }
0x70: {  	v2 =	vcvt.s32.f32 v2;
	v7 =	vpop (erf)  }
0x71: {  	v8 =	vadd.f32 $0.0e+00, v6;
	v4 =	vmul.f32 v4, v7;
	v5 =	vadd.f32 v7, v5  }
0x72: {  	v1 =	vcvt.s32.f32 v1;
	v3 =	vadd.f32 v2, v3;
	v7 =	vpop (erf)  }
0x73: {  	v4 =	vadd.f32 v4, v8;
	v2 =	vmul.f32 v2, v7;
	v5 =	vadd.f32 v7, v5  }
0x74: {  	v3 =	vadd.f32 v1, v3;
	v6 =	vpop (erf)  }
0x75: {  	v2 =	vadd.f32 v2, v4;
	v1 =	vmul.f32 v1, v6  }
0x76: {  	[tilespmem:s14+$0x0] =	vst.add.f32.msk $0xffff, v3  }
0x77: {  	v1 =	vadd.f32 v1, v2  }
0x78: {  	v2 =	vadd.f32 v6, v5  }
0x79: {  	[tilespmem:s15+$0x0] =	vst.add.f32.msk $0xffff, v1  }
0x7a: {  	[tilespmem:s16+$0x0] =	vst.add.f32.msk $0xffff, v2;
	_ =	sdelay $0x1  }
0x7b: {  	v1 =	vld [tilespmem:s28+$0x4000]  }
0x7c: {  	v2 =	vld [tilespmem:s28+$0x0]  }
0x7d: {  	v3 =	vld [tilespmem:s28+$0x4010]  }
0x7e: {  	v4 =	vld [tilespmem:s28+$0x10]  }
0x7f: {  	v5 =	vld [tilespmem:s28+$0x4020]  }
0x80: {  	v6 =	vld [tilespmem:s28+$0x20]  }
0x81: {  	v1 =	vsub.f32 v2, v1;
	v2 =	vld [tilespmem:s28+$0x4030]  }
0x82: {  	v7 =	vld [tilespmem:s28+$0x30]  }
0x83: {  	v1 =	vmul.f32 $1.442695020e+00, v1;
	v3 =	vsub.f32 v4, v3;
	_ =	sdelay $0x1  }
0x84: {  	v3 =	vmul.f32 $1.442695020e+00, v3;
	v4 =	vsub.f32 v6, v5;
	(erf) = vpow2.f32 v1;
	_ =	sdelay $0x1  }
0x85: {  	v1 =	vmul.f32 $1.442695020e+00, v4;
	v2 =	vsub.f32 v7, v2;
	(erf) = vpow2.f32 v3;
	_ =	sdelay $0x1  }
0x86: {  	v2 =	vmul.f32 $1.442695020e+00, v2;
	(erf) = vpow2.f32 v1;
	_ =	sdelay $0x1  }
0x87: {  	(erf) = vpow2.f32 v2;
	_ =	sdelay $0x2  }
0x88: {  	v1 =	vpop (erf)  }
0x89: {  	v3 =	vadd.f32 $1.000000000e+00, v1  }
0x8a: {  	v2 =	vpop (erf)  }
0x8b: {  	v2 =	vadd.f32 $1.000000000e+00, v2;
	(erf) = vrcp.f32 v3  }
0x8c: {  	v1 =	vpop (erf)  }
0x8d: {  	v3 =	vld [tilespmem:s28+$0x8010];
	v1 =	vadd.f32 $1.000000000e+00, v1;
	(erf) = vrcp.f32 v2  }
0x8e: {  	v2 =	vld [tilespmem:s28+$0x8000];
	v4 =	vpop (erf)  }
0x8f: {  	v4 =	vadd.f32 $1.000000000e+00, v4;
	(erf) = vrcp.f32 v1;
	_ =	sdelay $0x1  }
0x90: {  	v1 =	vld [tilespmem:s28+$0x8020];
	(erf) = vrcp.f32 v4;
	_ =	sdelay $0x1  }
0x91: {  	v3 =	vcvt.s32.f32 v3;
	v2 =	vcvt.s32.f32 v2;
	v4 =	vld [tilespmem:s28+$0x8030]  }
0x92: {  	v5 =	vpop (erf)  }
0x93: {  	v6 =	vmul.f32 v2, v5;
	v5 =	vadd.f32 $0.0e+00, v5;
	v2 =	vadd.f32 v3, v2  }
0x94: {  	v1 =	vcvt.s32.f32 v1;
	v7 =	vpop (erf)  }
0x95: {  	v8 =	vadd.f32 $0.0e+00, v6;
	v3 =	vmul.f32 v3, v7;
	v5 =	vadd.f32 v7, v5  }
0x96: {  	v2 =	vadd.f32 v1, v2;
	v4 =	vcvt.s32.f32 v4;
	v7 =	vpop (erf)  }
0x97: {  	v3 =	vadd.f32 v3, v8;
	v1 =	vmul.f32 v1, v7;
	v5 =	vadd.f32 v7, v5  }
0x98: {  	v2 =	vadd.f32 v4, v2;
	v6 =	vpop (erf)  }
0x99: {  	v1 =	vadd.f32 v1, v3;
	v3 =	vmul.f32 v4, v6;
	v4 =	vadd.f32 v6, v5;
	_ =	sdelay $0x1  }
0x9a: {  	v1 =	vadd.f32 v3, v1  }
0x9b: {  	[tilespmem:s11+$0x0] =	vst.add.f32.msk $0xffff, v2  }
0x9c: {  	[tilespmem:s12+$0x0] =	vst.add.f32.msk $0xffff, v1  }
0x9d: {  	[tilespmem:s13+$0x0] =	vst.add.f32.msk $0xffff, v4  }
0x9e: {  	v1 =	vld [tilespmem:s28+$0x40]  }
0x9f: {  	v2 =	vld [tilespmem:s28+$0x4040]  }
0xa0: {  	v4 =	vld [tilespmem:s28+$0x50]  }
0xa1: {  	v5 =	vld [tilespmem:s28+$0x4050]  }
0xa2: {  	v6 =	vld [tilespmem:s28+$0x60]  }
0xa3: {  	v7 =	vld [tilespmem:s28+$0x4060]  }
0xa4: {  	v1 =	vsub.f32 v1, v2;
	v8 =	vld [tilespmem:s28+$0x70]  }
0xa5: {  	v9 =	vld [tilespmem:s28+$0x4070]  }
0xa6: {  	v3 =	vld [tilespmem:s28+$0x8040];
	v1 =	vmul.f32 $1.442695020e+00, v1;
	v2 =	vsub.f32 v4, v5  }
0xa7: {  	v4 =	vld [tilespmem:s28+$0x8050]  }
0xa8: {  	v5 =	vmul.f32 $1.442695020e+00, v2;
	v2 =	vld [tilespmem:s28+$0x8060];
	v6 =	vsub.f32 v6, v7;
	(erf) = vpow2.f32 v1  }
0xa9: {  	v1 =	vld [tilespmem:s28+$0x8070]  }
0xaa: {  	v6 =	vmul.f32 $1.442695020e+00, v6;
	v7 =	vsub.f32 v8, v9;
	(erf) = vpow2.f32 v5;
	_ =	sdelay $0x1  }
0xab: {  	v5 =	vmul.f32 $1.442695020e+00, v7;
	(erf) = vpow2.f32 v6;
	_ =	sdelay $0x1  }
0xac: {  	(erf) = vpow2.f32 v5;
	_ =	sdelay $0x2  }
0xad: {  	v5 =	vpop (erf)  }
0xae: {  	v7 =	vadd.f32 $1.000000000e+00, v5  }
0xaf: {  	v6 =	vpop (erf)  }
0xb0: {  	v8 =	vadd.f32 $1.000000000e+00, v6;
	(erf) = vrcp.f32 v7  }
0xb1: {  	v5 =	vpop (erf)  }
.Ltmp0:
0xb2: {  	v5 =	vadd.f32 $1.000000000e+00, v5;
	(erf) = vrcp.f32 v8;
	(pc) =	sbr.rel @p0 .LBB2_2-.Ltmp0, $3  }
0xb3: {  	v6 =	vpop (erf)  }
0xb4: {  	v6 =	vadd.f32 $1.000000000e+00, v6;
	(erf) = vrcp.f32 v5;
	_ =	sdelay $0x1  }
0xb5: {  	(erf) = vrcp.f32 v6  }
0xb6: {  	_ = 	snop  }
0xb7: {  	v3 =	vcvt.s32.f32 v3  }
0xb8: {  	v4 =	vcvt.s32.f32 v4;
	v5 =	vpop (erf)  }
0xb9: {  	v6 =	vmul.f32 v3, v5  }
0xba: {  	v3 =	vadd.f32 v4, v3;
	v7 =	vpop (erf)  }
0xbb: {  	v2 =	vcvt.s32.f32 v2;
	v6 =	vadd.f32 $0.0e+00, v6;
	v8 =	vmul.f32 v4, v7  }
0xbc: {  	v5 =	vadd.f32 $0.0e+00, v5;
	v4 =	vpop (erf)  }
0xbd: {  	v1 =	vcvt.s32.f32 v1;
	v6 =	vadd.f32 v8, v6;
	v60 =	vmul.f32 v2, v4  }
0xbe: {  	v5 =	vadd.f32 v7, v5;
	v2 =	vadd.f32 v2, v3;
	v3 =	vpop (erf)  }
0xbf: {  	v6 =	vadd.f32 v60, v6;
	v7 =	vmul.f32 v1, v3  }
0xc0: {  	v4 =	vadd.f32 v4, v5;
	v1 =	vadd.f32 v1, v2  }
0xc1: {  	v2 =	vadd.f32 v7, v6  }
0xc2: {  	[tilespmem:s14+$0x0] =	vst.add.f32.msk $0xffff, v1;
	v1 =	vadd.f32 v3, v4  }
0xc3: {  	[tilespmem:s15+$0x0] =	vst.add.f32.msk $0xffff, v2  }
0xc4: {  	s28 =	simm.s32 $0x0;
	[tilespmem:s16+$0x0] =	vst.add.f32.msk $0xffff, v1  }
0xc5: {  	v1 =	vld [tilespmem:s28+$0x6000]  }
0xc6: {  	v2 =	vld [tilespmem:s28+$0x2000];
	_ =	sdelay $0x1  }
0xc7: {  	v3 =	vld [tilespmem:s28+$0x6010]  }
0xc8: {  	v4 =	vld [tilespmem:s28+$0x2010]  }
0xc9: {  	v5 =	vld [tilespmem:s28+$0x6020]  }
0xca: {  	v6 =	vld [tilespmem:s28+$0x2020];
	v1 =	vsub.f32 v2, v1  }
0xcb: {  	v7 =	vld [tilespmem:s28+$0x2030]  }
0xcc: {  	v2 =	vld [tilespmem:s28+$0x6030];
	v1 =	vmul.f32 $1.442695020e+00, v1  }
0xcd: {  	v3 =	vsub.f32 v4, v3  }
0xce: {  	(erf) = vpow2.f32 v1  }
0xcf: {  	v4 =	vsub.f32 v6, v5;
	v3 =	vmul.f32 $1.442695020e+00, v3;
	_ =	sdelay $0x1  }
0xd0: {  	v1 =	vmul.f32 $1.442695020e+00, v4;
	v2 =	vsub.f32 v7, v2;
	(erf) = vpow2.f32 v3;
	_ =	sdelay $0x1  }
0xd1: {  	(erf) = vpow2.f32 v1;
	v2 =	vmul.f32 $1.442695020e+00, v2;
	_ =	sdelay $0x1  }
0xd2: {  	(erf) = vpow2.f32 v2;
	_ =	sdelay $0x1  }
0xd3: {  	v1 =	vpop (erf)  }
0xd4: {  	v1 =	vadd.f32 $1.000000000e+00, v1;
	_ =	sdelay $0x1  }
0xd5: {  	v2 =	vpop (erf)  }
0xd6: {  	v2 =	vadd.f32 $1.000000000e+00, v2;
	(erf) = vrcp.f32 v1  }
0xd7: {  	v1 =	vpop (erf)  }
0xd8: {  	(erf) = vrcp.f32 v2;
	v1 =	vadd.f32 $1.000000000e+00, v1  }
0xd9: {  	v2 =	vld [tilespmem:s28+$0xA000];
	v3 =	vpop (erf)  }
0xda: {  	v3 =	vadd.f32 $1.000000000e+00, v3;
	(erf) = vrcp.f32 v1  }
0xdb: {  	v1 =	vld [tilespmem:s28+$0xA010]  }
0xdc: {  	(erf) = vrcp.f32 v3;
	v3 =	vld [tilespmem:s28+$0xA020];
	_ =	sdelay $0x1  }
0xdd: {  	v2 =	vcvt.s32.f32 v2  }
0xde: {  	v4 =	vld [tilespmem:s28+$0xA030];
	v5 =	vpop (erf)  }
0xdf: {  	v1 =	vcvt.s32.f32 v1;
	v6 =	vmul.f32 v2, v5  }
0xe0: {  	v7 =	vpop (erf);
	v3 =	vcvt.s32.f32 v3  }
0xe1: {  	v6 =	vadd.f32 $0.0e+00, v6;
	v61 =	vmul.f32 v1, v7  }
0xe2: {  	v5 =	vadd.f32 $0.0e+00, v5;
	v1 =	vadd.f32 v1, v2;
	v2 =	vpop (erf)  }
0xe3: {  	v4 =	vcvt.s32.f32 v4;
	v6 =	vadd.f32 v61, v6;
	v62 =	vmul.f32 v3, v2  }
0xe4: {  	v5 =	vadd.f32 v7, v5;
	v1 =	vadd.f32 v3, v1;
	v3 =	vpop (erf)  }
0xe5: {  	v7 =	vmul.f32 v4, v3;
	v6 =	vadd.f32 v62, v6  }
0xe6: {  	v2 =	vadd.f32 v2, v5;
	v1 =	vadd.f32 v4, v1  }
0xe7: {  	v4 =	vadd.f32 v7, v6  }
0xe8: {  	v2 =	vadd.f32 v3, v2;
	[tilespmem:s17+$0x0] =	vst.add.f32.msk $0xffff, v1  }
0xe9: {  	[tilespmem:s18+$0x0] =	vst.add.f32.msk $0xffff, v4  }
0xea: {  	[tilespmem:s19+$0x0] =	vst.add.f32.msk $0xffff, v2  }
0xeb: {  	v1 =	vld [tilespmem:s28+$0x2040]  }
0xec: {  	v2 =	vld [tilespmem:s28+$0x6040]  }
0xed: {  	v3 =	vld [tilespmem:s28+$0x2050]  }
0xee: {  	v4 =	vld [tilespmem:s28+$0x6050]  }
0xef: {  	v5 =	vld [tilespmem:s28+$0x2060]  }
0xf0: {  	v6 =	vld [tilespmem:s28+$0x6060];
	_ =	sdelay $0x1  }
0xf1: {  	v7 =	vld [tilespmem:s28+$0x2070];
	v1 =	vsub.f32 v1, v2  }
0xf2: {  	v63 =	vld [tilespmem:s28+$0x6070]  }
0xf3: {  	v2 =	vsub.f32 v3, v4;
	v1 =	vmul.f32 $1.442695020e+00, v1  }
0xf4: {  	v3 =	vsub.f32 v5, v6  }
0xf5: {  	v2 =	vmul.f32 $1.442695020e+00, v2;
	(erf) = vpow2.f32 v1  }
0xf6: {  	v1 =	vmul.f32 $1.442695020e+00, v3  }
0xf7: {  	v4 =	vsub.f32 v7, v63;
	(erf) = vpow2.f32 v2  }
0xf8: {  	(erf) = vpow2.f32 v1  }
0xf9: {  	v2 =	vmul.f32 $1.442695020e+00, v4;
	_ =	sdelay $0x1  }
0xfa: {  	(erf) = vpow2.f32 v2;
	_ =	sdelay $0x2  }
0xfb: {  	v1 =	vpop (erf)  }
0xfc: {  	v1 =	vadd.f32 $1.000000000e+00, v1  }
0xfd: {  	v2 =	vpop (erf)  }
0xfe: {  	v2 =	vadd.f32 $1.000000000e+00, v2;
	v4 =	vpop (erf);
	(erf) = vrcp.f32 v1;
	_ =	sdelay $0x1  }
0xff: {  	v3 =	vld [tilespmem:s28+$0xA040];
	v1 =	vadd.f32 $1.000000000e+00, v4;
	(erf) = vrcp.f32 v2  }
0x100: {  	v5 =	vpop (erf);
	v4 =	vld [tilespmem:s28+$0xA050]  }
0x101: {  	v5 =	vadd.f32 $1.000000000e+00, v5;
	(erf) = vrcp.f32 v1  }
0x102: {  	v2 =	vld [tilespmem:s28+$0xA060]  }
0x103: {  	s26 =	simm.s32 $0x200;
	v1 =	vld [tilespmem:s28+$0xA070];
	(erf) = vrcp.f32 v5  }
.LBB2_4:
0x104: {  	p0 =	sne.s32 s26, $0x7E00;
	s28 =	smov.u32 s26;
	s26 =	sadd.s32 $0x200, s26  }
0x105: {  	v3 =	vcvt.s32.f32 v3;
	v4 =	vcvt.s32.f32 v4  }
0x106: {  	v5 =	vpop (erf)  }
0x107: {  	s28 =	sshra.s32 s28, $0x2;
	v6 =	vmul.f32 v3, v5;
	v5 =	vadd.f32 $0.0e+00, v5;
	v3 =	vadd.f32 v4, v3  }
0x108: {  	v2 =	vcvt.s32.f32 v2;
	v7 =	vpop (erf)  }
0x109: {  	v8 =	vadd.f32 $0.0e+00, v6;
	v4 =	vmul.f32 v4, v7;
	v5 =	vadd.f32 v7, v5  }
0x10a: {  	v1 =	vcvt.s32.f32 v1;
	v3 =	vadd.f32 v2, v3;
	v7 =	vpop (erf)  }
0x10b: {  	v4 =	vadd.f32 v4, v8;
	v2 =	vmul.f32 v2, v7;
	v5 =	vadd.f32 v7, v5  }
0x10c: {  	v3 =	vadd.f32 v1, v3;
	v6 =	vpop (erf)  }
0x10d: {  	v2 =	vadd.f32 v2, v4;
	v1 =	vmul.f32 v1, v6  }
0x10e: {  	[tilespmem:s20+$0x0] =	vst.add.f32.msk $0xffff, v3  }
0x10f: {  	v1 =	vadd.f32 v1, v2  }
0x110: {  	v2 =	vadd.f32 v6, v5  }
0x111: {  	[tilespmem:s21+$0x0] =	vst.add.f32.msk $0xffff, v1  }
0x112: {  	[tilespmem:s22+$0x0] =	vst.add.f32.msk $0xffff, v2;
	_ =	sdelay $0x1  }
0x113: {  	v1 =	vld [tilespmem:s28+$0x6000]  }
0x114: {  	v2 =	vld [tilespmem:s28+$0x2000]  }
0x115: {  	v3 =	vld [tilespmem:s28+$0x6010]  }
0x116: {  	v4 =	vld [tilespmem:s28+$0x2010]  }
0x117: {  	v5 =	vld [tilespmem:s28+$0x6020]  }
0x118: {  	v6 =	vld [tilespmem:s28+$0x2020]  }
0x119: {  	v1 =	vsub.f32 v2, v1;
	v2 =	vld [tilespmem:s28+$0x6030]  }
0x11a: {  	v7 =	vld [tilespmem:s28+$0x2030]  }
0x11b: {  	v1 =	vmul.f32 $1.442695020e+00, v1;
	v3 =	vsub.f32 v4, v3;
	_ =	sdelay $0x1  }
0x11c: {  	v3 =	vmul.f32 $1.442695020e+00, v3;
	v4 =	vsub.f32 v6, v5;
	(erf) = vpow2.f32 v1;
	_ =	sdelay $0x1  }
0x11d: {  	v1 =	vmul.f32 $1.442695020e+00, v4;
	v2 =	vsub.f32 v7, v2;
	(erf) = vpow2.f32 v3;
	_ =	sdelay $0x1  }
0x11e: {  	v2 =	vmul.f32 $1.442695020e+00, v2;
	(erf) = vpow2.f32 v1;
	_ =	sdelay $0x1  }
0x11f: {  	(erf) = vpow2.f32 v2;
	_ =	sdelay $0x2  }
0x120: {  	v1 =	vpop (erf)  }
0x121: {  	v3 =	vadd.f32 $1.000000000e+00, v1  }
0x122: {  	v2 =	vpop (erf)  }
0x123: {  	v2 =	vadd.f32 $1.000000000e+00, v2;
	(erf) = vrcp.f32 v3  }
0x124: {  	v1 =	vpop (erf)  }
0x125: {  	v3 =	vld [tilespmem:s28+$0xA010];
	v1 =	vadd.f32 $1.000000000e+00, v1;
	(erf) = vrcp.f32 v2  }
0x126: {  	v2 =	vld [tilespmem:s28+$0xA000];
	v4 =	vpop (erf)  }
0x127: {  	v4 =	vadd.f32 $1.000000000e+00, v4;
	(erf) = vrcp.f32 v1;
	_ =	sdelay $0x1  }
0x128: {  	v1 =	vld [tilespmem:s28+$0xA020];
	(erf) = vrcp.f32 v4;
	_ =	sdelay $0x1  }
0x129: {  	v3 =	vcvt.s32.f32 v3;
	v2 =	vcvt.s32.f32 v2;
	v4 =	vld [tilespmem:s28+$0xA030]  }
0x12a: {  	v5 =	vpop (erf)  }
0x12b: {  	v6 =	vmul.f32 v2, v5;
	v5 =	vadd.f32 $0.0e+00, v5;
	v2 =	vadd.f32 v3, v2  }
0x12c: {  	v1 =	vcvt.s32.f32 v1;
	v7 =	vpop (erf)  }
0x12d: {  	v8 =	vadd.f32 $0.0e+00, v6;
	v3 =	vmul.f32 v3, v7;
	v5 =	vadd.f32 v7, v5  }
0x12e: {  	v2 =	vadd.f32 v1, v2;
	v4 =	vcvt.s32.f32 v4;
	v7 =	vpop (erf)  }
0x12f: {  	v3 =	vadd.f32 v3, v8;
	v1 =	vmul.f32 v1, v7;
	v5 =	vadd.f32 v7, v5  }
0x130: {  	v2 =	vadd.f32 v4, v2;
	v6 =	vpop (erf)  }
0x131: {  	v1 =	vadd.f32 v1, v3;
	v3 =	vmul.f32 v4, v6;
	v4 =	vadd.f32 v6, v5;
	_ =	sdelay $0x1  }
0x132: {  	v1 =	vadd.f32 v3, v1  }
0x133: {  	[tilespmem:s17+$0x0] =	vst.add.f32.msk $0xffff, v2  }
0x134: {  	[tilespmem:s18+$0x0] =	vst.add.f32.msk $0xffff, v1  }
0x135: {  	[tilespmem:s19+$0x0] =	vst.add.f32.msk $0xffff, v4  }
0x136: {  	v1 =	vld [tilespmem:s28+$0x2040]  }
0x137: {  	v2 =	vld [tilespmem:s28+$0x6040]  }
0x138: {  	v4 =	vld [tilespmem:s28+$0x2050]  }
0x139: {  	v5 =	vld [tilespmem:s28+$0x6050]  }
0x13a: {  	v6 =	vld [tilespmem:s28+$0x2060]  }
0x13b: {  	v7 =	vld [tilespmem:s28+$0x6060]  }
0x13c: {  	v1 =	vsub.f32 v1, v2;
	v8 =	vld [tilespmem:s28+$0x2070]  }
0x13d: {  	v9 =	vld [tilespmem:s28+$0x6070]  }
0x13e: {  	v3 =	vld [tilespmem:s28+$0xA040];
	v1 =	vmul.f32 $1.442695020e+00, v1;
	v2 =	vsub.f32 v4, v5  }
0x13f: {  	v4 =	vld [tilespmem:s28+$0xA050]  }
0x140: {  	v5 =	vmul.f32 $1.442695020e+00, v2;
	v2 =	vld [tilespmem:s28+$0xA060];
	v6 =	vsub.f32 v6, v7;
	(erf) = vpow2.f32 v1  }
0x141: {  	v1 =	vld [tilespmem:s28+$0xA070]  }
0x142: {  	v6 =	vmul.f32 $1.442695020e+00, v6;
	v7 =	vsub.f32 v8, v9;
	(erf) = vpow2.f32 v5;
	_ =	sdelay $0x1  }
0x143: {  	v5 =	vmul.f32 $1.442695020e+00, v7;
	(erf) = vpow2.f32 v6;
	_ =	sdelay $0x1  }
0x144: {  	(erf) = vpow2.f32 v5;
	_ =	sdelay $0x2  }
0x145: {  	v5 =	vpop (erf)  }
0x146: {  	v7 =	vadd.f32 $1.000000000e+00, v5  }
0x147: {  	v6 =	vpop (erf)  }
0x148: {  	v8 =	vadd.f32 $1.000000000e+00, v6;
	(erf) = vrcp.f32 v7  }
0x149: {  	v5 =	vpop (erf)  }
.Ltmp1:
0x14a: {  	v5 =	vadd.f32 $1.000000000e+00, v5;
	(erf) = vrcp.f32 v8;
	(pc) =	sbr.rel @p0 .LBB2_4-.Ltmp1, $3  }
0x14b: {  	v6 =	vpop (erf)  }
0x14c: {  	v6 =	vadd.f32 $1.000000000e+00, v6;
	(erf) = vrcp.f32 v5;
	_ =	sdelay $0x1  }
0x14d: {  	(erf) = vrcp.f32 v6  }
0x14e: {  	_ = 	snop  }
0x14f: {  	v3 =	vcvt.s32.f32 v3  }
0x150: {  	v4 =	vcvt.s32.f32 v4;
	v5 =	vpop (erf)  }
0x151: {  	v6 =	vmul.f32 v3, v5  }
0x152: {  	v3 =	vadd.f32 v4, v3;
	v7 =	vpop (erf)  }
0x153: {  	v2 =	vcvt.s32.f32 v2;
	v6 =	vadd.f32 $0.0e+00, v6;
	v8 =	vmul.f32 v4, v7  }
0x154: {  	v5 =	vadd.f32 $0.0e+00, v5;
	v48 =	vpop (erf)  }
0x155: {  	v1 =	vcvt.s32.f32 v1;
	v6 =	vadd.f32 v8, v6;
	v49 =	vmul.f32 v2, v48  }
0x156: {  	v5 =	vadd.f32 v7, v5;
	v2 =	vadd.f32 v2, v3;
	v3 =	vpop (erf)  }
0x157: {  	v6 =	vadd.f32 v49, v6;
	v50 =	vmul.f32 v1, v3  }
0x158: {  	v4 =	vadd.f32 v48, v5;
	v1 =	vadd.f32 v1, v2  }
0x159: {  	v2 =	vadd.f32 v50, v6  }
0x15a: {  	[tilespmem:s20+$0x0] =	vst.add.f32.msk $0xffff, v1;
	v1 =	vadd.f32 v3, v4  }
0x15b: {  	[tilespmem:s21+$0x0] =	vst.add.f32.msk $0xffff, v2  }
0x15c: {  	[tilespmem:s22+$0x0] =	vst.add.f32.msk $0xffff, v1  }
0x15d: {  	v1 =	vld [tilespmem:$0xC000]  }
0x15e: {  	v2 =	vld [tilespmem:$0xC080]  }
0x15f: {  	v3 =	vld [tilespmem:$0xC100]  }
0x160: {  	v51 =	vld [tilespmem:$0xC180]  }
0x161: {  	v52 =	vld [tilespmem:$0xC200]  }
0x162: {  	(xrf2) =	vadd.scan.msk.f32 $0xffff, v1;
	v1 =	vld [tilespmem:$0xC280]  }
0x163: {  	(xrf2) =	vadd.scan.msk.f32 $0xffff, v2;
	v2 =	vld [tilespmem:$0xC300]  }
0x164: {  	(xrf2) =	vadd.scan.msk.f32 $0xffff, v3;
	v3 =	vld [tilespmem:$0xC380]  }
0x165: {  	v53 =	vld [tilespmem:$0xC400];
	(xrf2) =	vadd.scan.msk.f32 $0xffff, v51  }
0x166: {  	v54 =	vld [tilespmem:$0xC480];
	(xrf2) =	vadd.scan.msk.f32 $0xffff, v52  }
0x167: {  	(xrf2) =	vadd.scan.msk.f32 $0xffff, v1;
	v1 =	vld [tilespmem:$0xC500]  }
0x168: {  	(xrf2) =	vadd.scan.msk.f32 $0xffff, v2;
	v2 =	vld [tilespmem:$0xC580]  }
0x169: {  	(xrf2) =	vadd.scan.msk.f32 $0xffff, v3  }
0x16a: {  	(xrf2) =	vadd.scan.msk.f32 $0xffff, v53  }
0x16b: {  	(xrf2) =	vadd.scan.msk.f32 $0xffff, v54  }
0x16c: {  	v3, _, _ =	vpop (xrf2);
	(xrf2) =	vadd.scan.msk.f32 $0xffff, v1  }
0x16d: {  	v1 =	vbroadcast v3, $0xF;
	v3, _, _ =	vpop (xrf2);
	(xrf2) =	vadd.scan.msk.f32 $0xffff, v2  }
0x16e: {  	v2, _, _ =	vpop (xrf2);
	v3 =	vbroadcast v3, $0xF  }
0x16f: {  	v55, _, _ =	vpop (xrf2);
	v1 =	vnsel vm0, $0x0, v1;
	v2 =	vbroadcast v2, $0xF  }
0x170: {  	v56, _, _ =	vpop (xrf2);
	v1 =	vsel vm1, v1, v3;
	v3 =	vbroadcast v55, $0xF  }
0x171: {  	v57, _, _ =	vpop (xrf2);
	v1 =	vsel vm2, v1, v2;
	v2 =	vbroadcast v56, $0xF  }
0x172: {  	v58, _, _ =	vpop (xrf2);
	v1 =	vsel vm3, v1, v3;
	v3 =	vbroadcast v57, $0xF  }
0x173: {  	v59, _, _ =	vpop (xrf2);
	v1 =	vsel vm4, v1, v2;
	v2 =	vbroadcast v58, $0xF  }
0x174: {  	v60, _, _ =	vpop (xrf2);
	v1 =	vsel vm5, v1, v3;
	v3 =	vbroadcast v59, $0xF  }
0x175: {  	v61, _, _ =	vpop (xrf2);
	v1 =	vsel vm6, v1, v2;
	v2 =	vbroadcast v60, $0xF  }
0x176: {  	v62, _, _ =	vpop (xrf2);
	v1 =	vsel vm7, v1, v3;
	v3 =	vbroadcast v61, $0xF  }
0x177: {  	v1 =	vsel vm8, v1, v2;
	v2 =	vbroadcast v62, $0xF;
	v63, _, _ =	vpop (xrf2)  }
0x178: {  	v1 =	vsel vm9, v1, v3;
	v3 =	vbroadcast v63, $0xF  }
0x179: {  	s25 =	sadd.s32 $0x1, s25;
	v1 =	vsel vm10, v1, v2  }
0x17a: {  	p0 =	sne.s32 s25, s7;
	v1 =	vsel vm11, v1, v3  }
.Ltmp2:
0x17b: {  	[tilespmem:$0xC800] =	vst v1;
	(pc) =	sbr.rel @p0 .LBB2_1-.Ltmp2, $4  }
0x17c: {  	[hbm4b:s6+s2] =	stream.linear.scatter [tilespmem:s23], [sflag:$0x2], $0x80, $0x38;
	[tilespmem:$0xC880] =	vst v63  }
0x17d: {  	_ =	swait.ge [sflag:s24], $0x80  }
0x17e: {  	[sflag:s24] =	ssyncset.done $0x0  }
0x17f: {  	[sflag:s24] =	ssyncadd.s32 $0xFFFFFF80  }
0x180: {  	_ =	sfence.sel $0x180000  }
0x181: {  	[bflag:$0x0] =	sbarrier.arrive $0xFFFF  }
0x182: {  	p0 =	sne.s32 s0, $0x0;
	_ =	strace $0x90000047  }
0x183: {  	s0 =	sadd.s32 @!p0 $0x100000, s1;
	[bflag:$0x2] =	sbarrier.arrive $0xFFFF  }
0x184: {  	[sflag:s0] =	ssyncadd.tile.s32 @!p0 $0x1;
	_ =	shalt  }
.Lfunc_end2:
_tile_overlayer_lowered:
.L_overlay_start_2:
0x185: {  	(tag) =	ssettag $0x2  }
0x186: {  	s0 =	rddreg [dreg:$0x0];
	s2 =	stileid.u32  }
0x187: {  	s1 =	rddreg [dreg:$0x1];
	p0 =	sne.s32 s2, $0x0  }
0x188: {  	s3 =	rddreg [dreg:$0x2];
	[bflag:$0x3] =	sbarrier.arrive $0xFFFF;
	s2 =	simm.s32 @!p0 $0x1C02  }
0x189: {  	[timem:s3], [sflag:s2] =	dma.local @!p0 [hbm:s0], s1  }
0x18a: {  	s0 =	simm.s32 @!p0 $0x2  }
0x18b: {  	_ =	swait.ge @!p0 [sflag:s0], s1  }
0x18c: {  	s1 =	ssub.s32 @!p0 $0x0, s1;
	[sflag:s0] =	ssyncset.done @!p0 $0x0  }
0x18d: {  	[sflag:s0] =	ssyncadd.s32 @!p0 s1  }
0x18e: {  	[bflag:$0x3] =	sbarrier.arrive $0xFFFF  }
0x18f: {  	_ =	shalt  }

</sc_bundles>
